<compile_context>
chip_gen: v7x
topology: tpu7x:2x2x1
jax: 0.10.2.dev20260603
libtpu: 0.0.44.dev20260713+nightly
codegen_flags: <defaults>
</compile_context>

<pallas_src>
import functools

import jax
import jax.numpy as jnp
from jax import lax
from jax.experimental import pallas as pl
from jax.experimental.pallas import tpu as pltpu
from jax.experimental.pallas import tpu_sc as plsc

N = 10000
E = 320000
F = 128
HID = 256
C = 16
NC, NS = 2, 16
NW = NC * NS
NPAD = 10112
ROWS_PER_TILE = NPAD // NS
K = 128
NCHUNKS = E // K
FULL_ROUNDS = NCHUNKS // NW
EXTRA = NCHUNKS - FULL_ROUNDS * NW
R = 2000

_mesh = plsc.VectorSubcoreMesh(core_axis_name="c", subcore_axis_name="s")


def _make_sc_segsum(gather):

    if not gather:
        @functools.partial(
            pl.kernel,
            out_type=jax.ShapeDtypeStruct((NC * NPAD, F), jnp.float32),
            mesh=_mesh,
            scratch_types=[
                pltpu.VMEM((K,), jnp.int32),
                pltpu.VMEM((2, K), jnp.int32),
                pltpu.VMEM((K, F), jnp.float32),
                pltpu.VMEM_SHARED((NPAD, F), jnp.float32),
                pltpu.SemaphoreType.DMA,
                pltpu.SemaphoreType.DMA,
            ],
        )
        def k(table, src, dst, zeros, out, src_v, dst_v2, rows_v, acc,
              ssem0, ssem1):
            ssem = (ssem0, ssem1)
            cid = lax.axis_index("c")
            sid = lax.axis_index("s")
            wid = cid * NS + sid
            row0 = sid * ROWS_PER_TILE
            sl = pl.ds(row0, ROWS_PER_TILE)
            pltpu.sync_copy(zeros.at[sl], acc.at[sl])
            pltpu.sync_copy(table, rows_v)
            plsc.subcore_barrier()

            def drain(b):
                pltpu.make_async_copy(zeros.at[pl.ds(0, K)], rows_v,
                                      ssem[b]).wait()

            def body(j, carry):
                for b in range(2):
                    @pl.when(j > 0)
                    def _():
                        drain(b)
                    base = pl.multiple_of((wid + (2 * j + b) * NW) * K, K)
                    pltpu.sync_copy(dst.at[pl.ds(base, K)], dst_v2.at[b])
                    pltpu.async_copy(rows_v, acc.at[dst_v2.at[b]], ssem[b],
                                     add=True)
                return carry

            lax.fori_loop(0, FULL_ROUNDS // 2, body, 0)
            drain(0)
            drain(1)

            @pl.when(wid < EXTRA)
            def _():
                base = pl.multiple_of((wid + FULL_ROUNDS * NW) * K, K)
                pltpu.sync_copy(dst.at[pl.ds(base, K)], dst_v2.at[0])
                pltpu.sync_copy(rows_v, acc.at[dst_v2.at[0]], add=True)

            plsc.subcore_barrier()
            out_row = cid * NPAD + row0
            pltpu.sync_copy(acc.at[sl], out.at[pl.ds(out_row, ROWS_PER_TILE)])

        return k

    NSL = 3

    @functools.partial(
        pl.kernel,
        out_type=jax.ShapeDtypeStruct((NC * NPAD, F), jnp.float32),
        mesh=_mesh,
        scratch_types=[
            pltpu.VMEM((NSL, K), jnp.int32),
            pltpu.VMEM((NSL, K), jnp.int32),
            pltpu.VMEM((NSL, K, F), jnp.float32),
            pltpu.VMEM_SHARED((NPAD, F), jnp.float32),
        ] + [pltpu.SemaphoreType.DMA] * (2 * NSL),
    )
    def k(table, src, dst, zeros, out, src_v, dst_v, rows_v, acc, *sems):
        gsem = sems[:NSL]
        ssem = sems[NSL:]
        cid = lax.axis_index("c")
        sid = lax.axis_index("s")
        wid = cid * NS + sid
        row0 = sid * ROWS_PER_TILE
        sl = pl.ds(row0, ROWS_PER_TILE)
        pltpu.sync_copy(zeros.at[sl], acc.at[sl])
        plsc.subcore_barrier()

        def stage_and_gather(c, s):
            base = pl.multiple_of((wid + c * NW) * K, K)
            pltpu.sync_copy(dst.at[pl.ds(base, K)], dst_v.at[s])
            pltpu.sync_copy(src.at[pl.ds(base, K)], src_v.at[s])
            pltpu.async_copy(table.at[src_v.at[s]], rows_v.at[s], gsem[s])

        def issue_scatter(s):
            pltpu.async_copy(rows_v.at[s], acc.at[dst_v.at[s]], ssem[s],
                             add=True)

        def drain(sem, s):
            pltpu.make_async_copy(zeros.at[pl.ds(0, K)], rows_v.at[s],
                                  sem).wait()

        def body(j, carry):
            for u in range(NSL):
                @pl.when(j > 0)
                def _():
                    drain(ssem[u], u)
                stage_and_gather(NSL * j + u, u)
                pu = (u - 1) % NSL
                if u == 0:
                    @pl.when(j > 0)
                    def _():
                        drain(gsem[pu], pu)
                        issue_scatter(pu)
                else:
                    drain(gsem[pu], pu)
                    issue_scatter(pu)
            return carry

        lax.fori_loop(0, FULL_ROUNDS // NSL, body, 0)
        last = NSL - 1
        drain(gsem[last], last)
        issue_scatter(last)
        for u in range(NSL):
            drain(ssem[u], u)

        @pl.when(wid < EXTRA)
        def _():
            base = pl.multiple_of((wid + FULL_ROUNDS * NW) * K, K)
            pltpu.sync_copy(dst.at[pl.ds(base, K)], dst_v.at[0])
            pltpu.sync_copy(src.at[pl.ds(base, K)], src_v.at[0])
            pltpu.async_copy(table.at[src_v.at[0]], rows_v.at[0],
                             gsem[0]).wait()
            pltpu.sync_copy(rows_v.at[0], acc.at[dst_v.at[0]], add=True)

        plsc.subcore_barrier()
        out_row = cid * NPAD + row0
        pltpu.sync_copy(acc.at[sl], out.at[pl.ds(out_row, ROWS_PER_TILE)])

    return k


_sc_seg = _make_sc_segsum(gather=True)
_sc_degree = _make_sc_segsum(gather=False)


def _tc_scale_kernel(d0_ref, d1_ref, x_ref, xs_ref, dinv_ref):
    deg = d0_ref[...][:, :C] + d1_ref[...][:, :C] + 1.0
    dinv = lax.rsqrt(deg)
    dinv_ref[...] = dinv
    xs_ref[...] = x_ref[...] * dinv[:, :1]


def _tc_scale(p0, p1, x):
    return pl.pallas_call(
        _tc_scale_kernel,
        grid=(N // R,),
        in_specs=[
            pl.BlockSpec((R, F), lambda i: (i, 0)),
            pl.BlockSpec((R, F), lambda i: (i, 0)),
            pl.BlockSpec((R, F), lambda i: (i, 0)),
        ],
        out_specs=[
            pl.BlockSpec((R, F), lambda i: (i, 0)),
            pl.BlockSpec((R, C), lambda i: (i, 0)),
        ],
        out_shape=[
            jax.ShapeDtypeStruct((N, F), jnp.float32),
            jax.ShapeDtypeStruct((N, C), jnp.float32),
        ],
    )(p0, p1, x)


def _tc_dense_kernel(t0_ref, t1_ref, xs_ref, dinv_ref, W0_ref, b0_ref, W1_ref,
                     zs_ref):
    dinv = dinv_ref[...]
    g = (t0_ref[...] + t1_ref[...] + xs_ref[...]) * dinv[:, :1]
    h = jnp.dot(g, W0_ref[...], preferred_element_type=jnp.float32)
    h = jnp.maximum(h + b0_ref[...], 0.0)
    z = jnp.dot(h, W1_ref[...], preferred_element_type=jnp.float32)
    zs_ref[...] = jnp.concatenate(
        [z * dinv, jnp.zeros((z.shape[0], F - C), jnp.float32)], axis=1)


def _tc_dense(t0, t1, xs, dinv, W0, b0, W1):
    return pl.pallas_call(
        _tc_dense_kernel,
        grid=(N // R,),
        in_specs=[
            pl.BlockSpec((R, F), lambda i: (i, 0)),
            pl.BlockSpec((R, F), lambda i: (i, 0)),
            pl.BlockSpec((R, F), lambda i: (i, 0)),
            pl.BlockSpec((R, C), lambda i: (i, 0)),
            pl.BlockSpec((F, HID), lambda i: (0, 0)),
            pl.BlockSpec((1, HID), lambda i: (0, 0)),
            pl.BlockSpec((HID, C), lambda i: (0, 0)),
        ],
        out_specs=pl.BlockSpec((R, F), lambda i: (i, 0)),
        out_shape=jax.ShapeDtypeStruct((N, F), jnp.float32),
    )(t0, t1, xs, dinv, W0, b0, W1)


def _tc_final_kernel(u0_ref, u1_ref, zs_ref, dinv_ref, b1_ref, out_ref):
    u = (u0_ref[...][:, :C] + u1_ref[...][:, :C] + zs_ref[...][:, :C])
    out_ref[...] = u * dinv_ref[...] + b1_ref[...]


def _tc_final(u0, u1, zs, dinv, b1):
    return pl.pallas_call(
        _tc_final_kernel,
        grid=(N // R,),
        in_specs=[
            pl.BlockSpec((R, F), lambda i: (i, 0)),
            pl.BlockSpec((R, F), lambda i: (i, 0)),
            pl.BlockSpec((R, F), lambda i: (i, 0)),
            pl.BlockSpec((R, C), lambda i: (i, 0)),
            pl.BlockSpec((1, C), lambda i: (0, 0)),
        ],
        out_specs=pl.BlockSpec((R, C), lambda i: (i, 0)),
        out_shape=jax.ShapeDtypeStruct((N, C), jnp.float32),
    )(u0, u1, zs, dinv, b1)


def kernel(x, edge_index, W0, b0, W1, b1):
    src = edge_index[0]
    dst = edge_index[1]
    zerosF = jnp.zeros((NPAD, F), jnp.float32)
    onesK = jnp.ones((K, F), jnp.float32)

    dp = _sc_degree(onesK, src, dst, zerosF)
    xs, dinv = _tc_scale(dp[:N], dp[NPAD:NPAD + N], x)
    tp = _sc_seg(xs, src, dst, zerosF)
    zs = _tc_dense(tp[:N], tp[NPAD:NPAD + N], xs, dinv, W0,
                   b0.reshape(1, HID), W1)
    zs_pad = jnp.pad(zs, ((0, NPAD - N), (0, 0)))
    up = _sc_seg(zs_pad, src, dst, zerosF)
    out = _tc_final(up[:N], up[NPAD:NPAD + N], zs, dinv, b1.reshape(1, C))
    return out

# --- scband reference (transcript-rebuilt; emitter-appended) ---
"""Pipeline reference for scband-gcnwrapper-84533546320056 (READ-ONLY COPY).

The authoritative reference and input builder live on the scoring server;
editing this copy changes nothing except your own understanding.
"""

import jax, jax.numpy as jnp
import numpy as np

N_NODES = 10000
N_EDGES = 320000
D_FEAT = 128
D_HID = 256
N_CLUSTERS = 16


def _propagate(h, src, dst, norm, num_nodes):
    # gather messages from source nodes, scale by sym-norm, scatter-add to dst
    msgs = h[src] * norm[:, None]
    return jax.ops.segment_sum(msgs, dst, num_segments=num_nodes)


def setup_inputs(seed: int = 0) -> dict:
    key = jax.random.key(seed)
    k1, k2, k3, k4, k5, k6 = jax.random.split(key, 6)
    x = jax.random.normal(k1, (N_NODES, D_FEAT), dtype=jnp.float32)
    edge_index = jax.random.randint(k2, (2, N_EDGES), 0, N_NODES, dtype=jnp.int32)
    # GCN layer parameters (glorot-style init)
    s0 = (2.0 / (D_FEAT + D_HID)) ** 0.5
    s1 = (2.0 / (D_HID + N_CLUSTERS)) ** 0.5
    W0 = jax.random.normal(k3, (D_FEAT, D_HID), dtype=jnp.float32) * s0
    b0 = jnp.zeros((D_HID,), dtype=jnp.float32)
    W1 = jax.random.normal(k4, (D_HID, N_CLUSTERS), dtype=jnp.float32) * s1
    b1 = jnp.zeros((N_CLUSTERS,), dtype=jnp.float32)
    return {"x": x, "edge_index": edge_index, "W0": W0, "b0": b0, "W1": W1, "b1": b1}


def reference(x, edge_index, W0, b0, W1, b1):
    num_nodes = x.shape[0]
    # dgl.add_self_loop(graph)
    loop = jnp.arange(num_nodes, dtype=edge_index.dtype)
    src = jnp.concatenate([edge_index[0], loop])
    dst = jnp.concatenate([edge_index[1], loop])
    # symmetric normalization D^{-1/2} A D^{-1/2} (GCN 'both' norm)
    ones = jnp.ones_like(dst, dtype=jnp.float32)
    deg = jax.ops.segment_sum(ones, dst, num_segments=num_nodes)
    dinv = jnp.where(deg > 0, 1.0 / jnp.sqrt(deg), 0.0)
    norm = dinv[src] * dinv[dst]
    # layer 1: h = relu(A_norm @ (x W0) + b0)
    h = x @ W0
    h = _propagate(h, src, dst, norm, num_nodes) + b0
    h = jax.nn.relu(h)
    # layer 2 (output): logits = A_norm @ (h W1) + b1
    h = h @ W1
    out = _propagate(h, src, dst, norm, num_nodes) + b1
    return out

if __name__ == "__main__":
    import jax
    _d = setup_inputs()
    print(jax.jit(kernel)(*tuple(_d.values())))

</pallas_src>

<mosaic_0001>
#map = affine_map<(d0, d1) -> (0, 0)>
#map1 = affine_map<(d0, d1) -> (0)>
module attributes {stable_mosaic.version = 14 : i64} {
  func.func @k(%arg0: i32, %arg1: i32, %arg2: memref<10112x128xf32, #tpu.memory_space<hbm>>, %arg3: memref<320000xi32, #tpu.memory_space<hbm>>, %arg4: memref<320000xi32, #tpu.memory_space<hbm>>, %arg5: memref<10112x128xf32, #tpu.memory_space<hbm>>, %arg6: memref<20224x128xf32, #tpu.memory_space<hbm>>, %arg7: memref<3x128xi32, #tpu.memory_space<vmem>>, %arg8: memref<3x128xi32, #tpu.memory_space<vmem>>, %arg9: memref<3x128x128xf32, #tpu.memory_space<vmem>>, %arg10: memref<10112x128xf32, #tpu.memory_space<vmem_shared>>, %arg11: memref<!tpu.dma_semaphore, #tpu.memory_space<semaphore_mem>>, %arg12: memref<!tpu.dma_semaphore, #tpu.memory_space<semaphore_mem>>, %arg13: memref<!tpu.dma_semaphore, #tpu.memory_space<semaphore_mem>>, %arg14: memref<!tpu.dma_semaphore, #tpu.memory_space<semaphore_mem>>, %arg15: memref<!tpu.dma_semaphore, #tpu.memory_space<semaphore_mem>>, %arg16: memref<!tpu.dma_semaphore, #tpu.memory_space<semaphore_mem>>) attributes {dimension_semantics = [#tpu.dimension_semantics<core_parallel>, #tpu.dimension_semantics<subcore_parallel>], iteration_bounds = array<i64: 2, 16>, scalar_prefetch = 0 : i64, scratch_operands = 10 : i64, tpu.core_type = #tpu.core_type<sc_vector_subcore>, window_params = [{transform_indices = #map}, {transform_indices = #map1}, {transform_indices = #map1}, {transform_indices = #map}, {transform_indices = #map}]} {
    %mul3A = arith.constant 16 : i32
    %mul3A_0 = arith.muli %arg0, %mul3A : i32
    %add3A = arith.addi %mul3A_0, %arg1 : i32
    %mul3A_1 = arith.constant 632 : i32
    %mul3A_2 = arith.muli %arg1, %mul3A_1 : i32
    "tpu.region"() ({
      %run_scoped3A = tpu.sem_alloc : memref<!tpu.dma_semaphore, #tpu.memory_space<semaphore_mem>>
      %dma_start3A_84 = arith.constant 0 : i32
      %dma_start3A_85 = tpu.memref_slice %arg10[%mul3A_2, %dma_start3A_84] : memref<10112x128xf32, #tpu.memory_space<vmem_shared>> -> memref<632x128xf32, #tpu.memory_space<vmem_shared>>
      %dma_start3A_86 = arith.constant 0 : i32
      %dma_start3A_87 = tpu.memref_slice %arg5[%mul3A_2, %dma_start3A_86] : memref<10112x128xf32, #tpu.memory_space<hbm>> -> memref<632x128xf32, #tpu.memory_space<hbm>>
      tpu.enqueue_dma source(%dma_start3A_87 : memref<632x128xf32, #tpu.memory_space<hbm>>) target(%dma_start3A_85 : memref<632x128xf32, #tpu.memory_space<vmem_shared>>) target_semaphore(%run_scoped3A : memref<!tpu.dma_semaphore, #tpu.memory_space<semaphore_mem>>)
      %dma_wait3A_88 = arith.constant 0 : i32
      %dma_wait3A_89 = tpu.memref_slice %arg10[%mul3A_2, %dma_wait3A_88] : memref<10112x128xf32, #tpu.memory_space<vmem_shared>> -> memref<632x128xf32, #tpu.memory_space<vmem_shared>>
      %dma_wait3A_90 = arith.constant 0 : i32
      %dma_wait3A_91 = tpu.memref_slice %arg5[%mul3A_2, %dma_wait3A_90] : memref<10112x128xf32, #tpu.memory_space<hbm>> -> memref<632x128xf32, #tpu.memory_space<hbm>>
      tpu.wait_dma2 semaphore(%run_scoped3A : memref<!tpu.dma_semaphore, #tpu.memory_space<semaphore_mem>>) src(%dma_wait3A_91 : memref<632x128xf32, #tpu.memory_space<hbm>>) dst(%dma_wait3A_89 : memref<632x128xf32, #tpu.memory_space<vmem_shared>>)
      tpu.yield
    }) : () -> ()
    %barrier3A = arith.constant 0 : index
    tpu.barrier barrier_id(%barrier3A)
    %scan3A = arith.constant 0 : i32
    %scan3A_3 = arith.constant 0 : i32
    %scan3A_4 = arith.constant 26 : i32
    %scan3A_5 = arith.addi %scan3A_3, %scan3A_4 : i32
    %scan3A_6 = arith.constant 1 : i32
    scf.for %scan3A_84 = %scan3A_3 to %scan3A_5 step %scan3A_6  : i32 {
      %gt3A = arith.constant 0 : i32
      %gt3A_85 = arith.cmpi sgt, %scan3A_84, %gt3A : i32
      %convert_element_type3A_86 = arith.extui %gt3A_85 : i1 to i32
      %cond3A_87 = arith.constant 0 : i32
      %cond3A_88 = arith.cmpi ne, %convert_element_type3A_86, %cond3A_87 : i32
      scf.if %cond3A_88 {
        %dma_wait3A_228 = arith.constant 0 : i32
        %dma_wait3A_229 = arith.constant 0 : i32
        %dma_wait3A_230 = arith.constant 0 : i32
        %dma_wait3A_231 = tpu.memref_slice %arg9[%dma_wait3A_228, %dma_wait3A_229, %dma_wait3A_230] : memref<3x128x128xf32, #tpu.memory_space<vmem>> -> memref<1x128x128xf32, #tpu.memory_space<vmem>>
        %dma_wait3A_232 = tpu.memref_squeeze %dma_wait3A_231 : memref<1x128x128xf32, #tpu.memory_space<vmem>> -> memref<128x128xf32, #tpu.memory_space<vmem>>
        %dma_wait3A_233 = arith.constant 0 : i32
        %dma_wait3A_234 = arith.constant 0 : i32
        %dma_wait3A_235 = tpu.memref_slice %arg5[%dma_wait3A_233, %dma_wait3A_234] : memref<10112x128xf32, #tpu.memory_space<hbm>> -> memref<128x128xf32, #tpu.memory_space<hbm>>
        %dma_wait3A_236 = arith.constant 0 : i32
        %dma_wait3A_237 = arith.constant 0 : i32
        %dma_wait3A_238 = tpu.memref_slice %arg9[%dma_wait3A_228, %dma_wait3A_236, %dma_wait3A_237] : memref<3x128x128xf32, #tpu.memory_space<vmem>> -> memref<1x128x128xf32, #tpu.memory_space<vmem>>
        %dma_wait3A_239 = tpu.memref_squeeze %dma_wait3A_238 : memref<1x128x128xf32, #tpu.memory_space<vmem>> -> memref<128x128xf32, #tpu.memory_space<vmem>>
        %dma_wait3A_240 = arith.constant 0 : i32
        %dma_wait3A_241 = arith.constant 0 : i32
        %dma_wait3A_242 = tpu.memref_slice %arg5[%dma_wait3A_240, %dma_wait3A_241] : memref<10112x128xf32, #tpu.memory_space<hbm>> -> memref<128x128xf32, #tpu.memory_space<hbm>>
        tpu.wait_dma2 semaphore(%arg14 : memref<!tpu.dma_semaphore, #tpu.memory_space<semaphore_mem>>) src(%dma_wait3A_242 : memref<128x128xf32, #tpu.memory_space<hbm>>) dst(%dma_wait3A_239 : memref<128x128xf32, #tpu.memory_space<vmem>>)
      } else {
      }
      %mul3A_89 = arith.constant 3 : i32
      %mul3A_90 = arith.muli %mul3A_89, %scan3A_84 : i32
      %add3A_91 = arith.constant 0 : i32
      %add3A_92 = arith.addi %mul3A_90, %add3A_91 : i32
      %mul3A_93 = arith.constant 32 : i32
      %mul3A_94 = arith.muli %add3A_92, %mul3A_93 : i32
      %add3A_95 = arith.addi %add3A, %mul3A_94 : i32
      %mul3A_96 = arith.constant 128 : i32
      %mul3A_97 = arith.muli %add3A_95, %mul3A_96 : i32
      %multiple_of3A = tpu.assume_multiple %mul3A_97, 128 : i32
      %run_scoped3A = arith.constant 0 : i32
      "tpu.region"() ({
        %run_scoped3A_228 = tpu.sem_alloc : memref<!tpu.dma_semaphore, #tpu.memory_space<semaphore_mem>>
        %dma_start3A_229 = arith.constant 0 : i32
        %dma_start3A_230 = tpu.memref_slice %arg8[%run_scoped3A, %dma_start3A_229] : memref<3x128xi32, #tpu.memory_space<vmem>> -> memref<1x128xi32, #tpu.memory_space<vmem>>
        %dma_start3A_231 = tpu.memref_squeeze %dma_start3A_230 : memref<1x128xi32, #tpu.memory_space<vmem>> -> memref<128xi32, #tpu.memory_space<vmem>>
        %dma_start3A_232 = tpu.memref_slice %arg4[%multiple_of3A] : memref<320000xi32, #tpu.memory_space<hbm>> -> memref<128xi32, #tpu.memory_space<hbm>>
        %dma_start3A_233 = arith.constant 0 : i32
        %dma_start3A_234 = tpu.memref_slice %arg8[%run_scoped3A, %dma_start3A_233] : memref<3x128xi32, #tpu.memory_space<vmem>> -> memref<1x128xi32, #tpu.memory_space<vmem>>
        %dma_start3A_235 = tpu.memref_squeeze %dma_start3A_234 : memref<1x128xi32, #tpu.memory_space<vmem>> -> memref<128xi32, #tpu.memory_space<vmem>>
        %dma_start3A_236 = tpu.memref_slice %arg4[%multiple_of3A] : memref<320000xi32, #tpu.memory_space<hbm>> -> memref<128xi32, #tpu.memory_space<hbm>>
        tpu.enqueue_dma source(%dma_start3A_236 : memref<128xi32, #tpu.memory_space<hbm>>) target(%dma_start3A_235 : memref<128xi32, #tpu.memory_space<vmem>>) target_semaphore(%run_scoped3A_228 : memref<!tpu.dma_semaphore, #tpu.memory_space<semaphore_mem>>)
        %dma_wait3A_237 = arith.constant 0 : i32
        %dma_wait3A_238 = tpu.memref_slice %arg8[%run_scoped3A, %dma_wait3A_237] : memref<3x128xi32, #tpu.memory_space<vmem>> -> memref<1x128xi32, #tpu.memory_space<vmem>>
        %dma_wait3A_239 = tpu.memref_squeeze %dma_wait3A_238 : memref<1x128xi32, #tpu.memory_space<vmem>> -> memref<128xi32, #tpu.memory_space<vmem>>
        %dma_wait3A_240 = tpu.memref_slice %arg4[%multiple_of3A] : memref<320000xi32, #tpu.memory_space<hbm>> -> memref<128xi32, #tpu.memory_space<hbm>>
        %dma_wait3A_241 = arith.constant 0 : i32
        %dma_wait3A_242 = tpu.memref_slice %arg8[%run_scoped3A, %dma_wait3A_241] : memref<3x128xi32, #tpu.memory_space<vmem>> -> memref<1x128xi32, #tpu.memory_space<vmem>>
        %dma_wait3A_243 = tpu.memref_squeeze %dma_wait3A_242 : memref<1x128xi32, #tpu.memory_space<vmem>> -> memref<128xi32, #tpu.memory_space<vmem>>
        %dma_wait3A_244 = tpu.memref_slice %arg4[%multiple_of3A] : memref<320000xi32, #tpu.memory_space<hbm>> -> memref<128xi32, #tpu.memory_space<hbm>>
        tpu.wait_dma2 semaphore(%run_scoped3A_228 : memref<!tpu.dma_semaphore, #tpu.memory_space<semaphore_mem>>) src(%dma_wait3A_244 : memref<128xi32, #tpu.memory_space<hbm>>) dst(%dma_wait3A_243 : memref<128xi32, #tpu.memory_space<vmem>>)
        tpu.yield
      }) : () -> ()
      %run_scoped3A_98 = arith.constant 0 : i32
      "tpu.region"() ({
        %run_scoped3A_228 = tpu.sem_alloc : memref<!tpu.dma_semaphore, #tpu.memory_space<semaphore_mem>>
        %dma_start3A_229 = arith.constant 0 : i32
        %dma_start3A_230 = tpu.memref_slice %arg7[%run_scoped3A_98, %dma_start3A_229] : memref<3x128xi32, #tpu.memory_space<vmem>> -> memref<1x128xi32, #tpu.memory_space<vmem>>
        %dma_start3A_231 = tpu.memref_squeeze %dma_start3A_230 : memref<1x128xi32, #tpu.memory_space<vmem>> -> memref<128xi32, #tpu.memory_space<vmem>>
        %dma_start3A_232 = tpu.memref_slice %arg3[%multiple_of3A] : memref<320000xi32, #tpu.memory_space<hbm>> -> memref<128xi32, #tpu.memory_space<hbm>>
        %dma_start3A_233 = arith.constant 0 : i32
        %dma_start3A_234 = tpu.memref_slice %arg7[%run_scoped3A_98, %dma_start3A_233] : memref<3x128xi32, #tpu.memory_space<vmem>> -> memref<1x128xi32, #tpu.memory_space<vmem>>
        %dma_start3A_235 = tpu.memref_squeeze %dma_start3A_234 : memref<1x128xi32, #tpu.memory_space<vmem>> -> memref<128xi32, #tpu.memory_space<vmem>>
        %dma_start3A_236 = tpu.memref_slice %arg3[%multiple_of3A] : memref<320000xi32, #tpu.memory_space<hbm>> -> memref<128xi32, #tpu.memory_space<hbm>>
        tpu.enqueue_dma source(%dma_start3A_236 : memref<128xi32, #tpu.memory_space<hbm>>) target(%dma_start3A_235 : memref<128xi32, #tpu.memory_space<vmem>>) target_semaphore(%run_scoped3A_228 : memref<!tpu.dma_semaphore, #tpu.memory_space<semaphore_mem>>)
        %dma_wait3A_237 = arith.constant 0 : i32
        %dma_wait3A_238 = tpu.memref_slice %arg7[%run_scoped3A_98, %dma_wait3A_237] : memref<3x128xi32, #tpu.memory_space<vmem>> -> memref<1x128xi32, #tpu.memory_space<vmem>>
        %dma_wait3A_239 = tpu.memref_squeeze %dma_wait3A_238 : memref<1x128xi32, #tpu.memory_space<vmem>> -> memref<128xi32, #tpu.memory_space<vmem>>
        %dma_wait3A_240 = tpu.memref_slice %arg3[%multiple_of3A] : memref<320000xi32, #tpu.memory_space<hbm>> -> memref<128xi32, #tpu.memory_space<hbm>>
        %dma_wait3A_241 = arith.constant 0 : i32
        %dma_wait3A_242 = tpu.memref_slice %arg7[%run_scoped3A_98, %dma_wait3A_241] : memref<3x128xi32, #tpu.memory_space<vmem>> -> memref<1x128xi32, #tpu.memory_space<vmem>>
        %dma_wait3A_243 = tpu.memref_squeeze %dma_wait3A_242 : memref<1x128xi32, #tpu.memory_space<vmem>> -> memref<128xi32, #tpu.memory_space<vmem>>
        %dma_wait3A_244 = tpu.memref_slice %arg3[%multiple_of3A] : memref<320000xi32, #tpu.memory_space<hbm>> -> memref<128xi32, #tpu.memory_space<hbm>>
        tpu.wait_dma2 semaphore(%run_scoped3A_228 : memref<!tpu.dma_semaphore, #tpu.memory_space<semaphore_mem>>) src(%dma_wait3A_244 : memref<128xi32, #tpu.memory_space<hbm>>) dst(%dma_wait3A_243 : memref<128xi32, #tpu.memory_space<vmem>>)
        tpu.yield
      }) : () -> ()
      %dma_start3A_99 = arith.constant 0 : i32
      %dma_start3A_100 = arith.constant 0 : i32
      %dma_start3A_101 = arith.constant 0 : i32
      %dma_start3A_102 = arith.constant 0 : i32
      %dma_start3A_103 = tpu.memref_slice %arg9[%dma_start3A_100, %dma_start3A_101, %dma_start3A_102] : memref<3x128x128xf32, #tpu.memory_space<vmem>> -> memref<1x128x128xf32, #tpu.memory_space<vmem>>
      %dma_start3A_104 = tpu.memref_squeeze %dma_start3A_103 : memref<1x128x128xf32, #tpu.memory_space<vmem>> -> memref<128x128xf32, #tpu.memory_space<vmem>>
      %dma_start3A_105 = arith.constant 0 : i32
      %dma_start3A_106 = tpu.memref_slice %arg7[%dma_start3A_99, %dma_start3A_105] : memref<3x128xi32, #tpu.memory_space<vmem>> -> memref<1x128xi32, #tpu.memory_space<vmem>>
      %dma_start3A_107 = tpu.memref_squeeze %dma_start3A_106 : memref<1x128xi32, #tpu.memory_space<vmem>> -> memref<128xi32, #tpu.memory_space<vmem>>
      %dma_start3A_108 = arith.constant 0 : i32
      %dma_start3A_109 = arith.constant 0 : i32
      %dma_start3A_110 = tpu.memref_slice %arg2[%dma_start3A_108, %dma_start3A_109] : memref<10112x128xf32, #tpu.memory_space<hbm>> -> memref<10112x128xf32, #tpu.memory_space<hbm>>
      tpu.enqueue_indirect_dma source(%dma_start3A_110 : memref<10112x128xf32, #tpu.memory_space<hbm>>) target(%dma_start3A_104 : memref<128x128xf32, #tpu.memory_space<vmem>>) offsets(%dma_start3A_107 : memref<128xi32, #tpu.memory_space<vmem>>) semaphore(%arg11 : memref<!tpu.dma_semaphore, #tpu.memory_space<semaphore_mem>>)
      %gt3A_111 = arith.constant 0 : i32
      %gt3A_112 = arith.cmpi sgt, %scan3A_84, %gt3A_111 : i32
      %convert_element_type3A_113 = arith.extui %gt3A_112 : i1 to i32
      %cond3A_114 = arith.constant 0 : i32
      %cond3A_115 = arith.cmpi ne, %convert_element_type3A_113, %cond3A_114 : i32
      scf.if %cond3A_115 {
        %dma_wait3A_228 = arith.constant 2 : i32
        %dma_wait3A_229 = arith.constant 0 : i32
        %dma_wait3A_230 = arith.constant 0 : i32
        %dma_wait3A_231 = tpu.memref_slice %arg9[%dma_wait3A_228, %dma_wait3A_229, %dma_wait3A_230] : memref<3x128x128xf32, #tpu.memory_space<vmem>> -> memref<1x128x128xf32, #tpu.memory_space<vmem>>
        %dma_wait3A_232 = tpu.memref_squeeze %dma_wait3A_231 : memref<1x128x128xf32, #tpu.memory_space<vmem>> -> memref<128x128xf32, #tpu.memory_space<vmem>>
        %dma_wait3A_233 = arith.constant 0 : i32
        %dma_wait3A_234 = arith.constant 0 : i32
        %dma_wait3A_235 = tpu.memref_slice %arg5[%dma_wait3A_233, %dma_wait3A_234] : memref<10112x128xf32, #tpu.memory_space<hbm>> -> memref<128x128xf32, #tpu.memory_space<hbm>>
        %dma_wait3A_236 = arith.constant 0 : i32
        %dma_wait3A_237 = arith.constant 0 : i32
        %dma_wait3A_238 = tpu.memref_slice %arg9[%dma_wait3A_228, %dma_wait3A_236, %dma_wait3A_237] : memref<3x128x128xf32, #tpu.memory_space<vmem>> -> memref<1x128x128xf32, #tpu.memory_space<vmem>>
        %dma_wait3A_239 = tpu.memref_squeeze %dma_wait3A_238 : memref<1x128x128xf32, #tpu.memory_space<vmem>> -> memref<128x128xf32, #tpu.memory_space<vmem>>
        %dma_wait3A_240 = arith.constant 0 : i32
        %dma_wait3A_241 = arith.constant 0 : i32
        %dma_wait3A_242 = tpu.memref_slice %arg5[%dma_wait3A_240, %dma_wait3A_241] : memref<10112x128xf32, #tpu.memory_space<hbm>> -> memref<128x128xf32, #tpu.memory_space<hbm>>
        tpu.wait_dma2 semaphore(%arg13 : memref<!tpu.dma_semaphore, #tpu.memory_space<semaphore_mem>>) src(%dma_wait3A_242 : memref<128x128xf32, #tpu.memory_space<hbm>>) dst(%dma_wait3A_239 : memref<128x128xf32, #tpu.memory_space<vmem>>)
        %dma_start3A_243 = arith.constant 2 : i32
        %dma_start3A_244 = arith.constant 2 : i32
        %dma_start3A_245 = arith.constant 0 : i32
        %dma_start3A_246 = arith.constant 0 : i32
        %dma_start3A_247 = tpu.memref_slice %arg9[%dma_start3A_243, %dma_start3A_245, %dma_start3A_246] : memref<3x128x128xf32, #tpu.memory_space<vmem>> -> memref<1x128x128xf32, #tpu.memory_space<vmem>>
        %dma_start3A_248 = tpu.memref_squeeze %dma_start3A_247 : memref<1x128x128xf32, #tpu.memory_space<vmem>> -> memref<128x128xf32, #tpu.memory_space<vmem>>
        %dma_start3A_249 = arith.constant 0 : i32
        %dma_start3A_250 = tpu.memref_slice %arg8[%dma_start3A_244, %dma_start3A_249] : memref<3x128xi32, #tpu.memory_space<vmem>> -> memref<1x128xi32, #tpu.memory_space<vmem>>
        %dma_start3A_251 = tpu.memref_squeeze %dma_start3A_250 : memref<1x128xi32, #tpu.memory_space<vmem>> -> memref<128xi32, #tpu.memory_space<vmem>>
        %dma_start3A_252 = arith.constant 0 : i32
        %dma_start3A_253 = arith.constant 0 : i32
        %dma_start3A_254 = tpu.memref_slice %arg10[%dma_start3A_252, %dma_start3A_253] : memref<10112x128xf32, #tpu.memory_space<vmem_shared>> -> memref<10112x128xf32, #tpu.memory_space<vmem_shared>>
        tpu.enqueue_indirect_dma source(%dma_start3A_248 : memref<128x128xf32, #tpu.memory_space<vmem>>) target(%dma_start3A_254 : memref<10112x128xf32, #tpu.memory_space<vmem_shared>>) offsets(%dma_start3A_251 : memref<128xi32, #tpu.memory_space<vmem>>) semaphore(%arg16 : memref<!tpu.dma_semaphore, #tpu.memory_space<semaphore_mem>>) {add = true}
      } else {
      }
      %gt3A_116 = arith.constant 0 : i32
      %gt3A_117 = arith.cmpi sgt, %scan3A_84, %gt3A_116 : i32
      %convert_element_type3A_118 = arith.extui %gt3A_117 : i1 to i32
      %cond3A_119 = arith.constant 0 : i32
      %cond3A_120 = arith.cmpi ne, %convert_element_type3A_118, %cond3A_119 : i32
      scf.if %cond3A_120 {
        %dma_wait3A_228 = arith.constant 1 : i32
        %dma_wait3A_229 = arith.constant 0 : i32
        %dma_wait3A_230 = arith.constant 0 : i32
        %dma_wait3A_231 = tpu.memref_slice %arg9[%dma_wait3A_228, %dma_wait3A_229, %dma_wait3A_230] : memref<3x128x128xf32, #tpu.memory_space<vmem>> -> memref<1x128x128xf32, #tpu.memory_space<vmem>>
        %dma_wait3A_232 = tpu.memref_squeeze %dma_wait3A_231 : memref<1x128x128xf32, #tpu.memory_space<vmem>> -> memref<128x128xf32, #tpu.memory_space<vmem>>
        %dma_wait3A_233 = arith.constant 0 : i32
        %dma_wait3A_234 = arith.constant 0 : i32
        %dma_wait3A_235 = tpu.memref_slice %arg5[%dma_wait3A_233, %dma_wait3A_234] : memref<10112x128xf32, #tpu.memory_space<hbm>> -> memref<128x128xf32, #tpu.memory_space<hbm>>
        %dma_wait3A_236 = arith.constant 0 : i32
        %dma_wait3A_237 = arith.constant 0 : i32
        %dma_wait3A_238 = tpu.memref_slice %arg9[%dma_wait3A_228, %dma_wait3A_236, %dma_wait3A_237] : memref<3x128x128xf32, #tpu.memory_space<vmem>> -> memref<1x128x128xf32, #tpu.memory_space<vmem>>
        %dma_wait3A_239 = tpu.memref_squeeze %dma_wait3A_238 : memref<1x128x128xf32, #tpu.memory_space<vmem>> -> memref<128x128xf32, #tpu.memory_space<vmem>>
        %dma_wait3A_240 = arith.constant 0 : i32
        %dma_wait3A_241 = arith.constant 0 : i32
        %dma_wait3A_242 = tpu.memref_slice %arg5[%dma_wait3A_240, %dma_wait3A_241] : memref<10112x128xf32, #tpu.memory_space<hbm>> -> memref<128x128xf32, #tpu.memory_space<hbm>>
        tpu.wait_dma2 semaphore(%arg15 : memref<!tpu.dma_semaphore, #tpu.memory_space<semaphore_mem>>) src(%dma_wait3A_242 : memref<128x128xf32, #tpu.memory_space<hbm>>) dst(%dma_wait3A_239 : memref<128x128xf32, #tpu.memory_space<vmem>>)
      } else {
      }
      %mul3A_121 = arith.constant 3 : i32
      %mul3A_122 = arith.muli %mul3A_121, %scan3A_84 : i32
      %add3A_123 = arith.constant 1 : i32
      %add3A_124 = arith.addi %mul3A_122, %add3A_123 : i32
      %mul3A_125 = arith.constant 32 : i32
      %mul3A_126 = arith.muli %add3A_124, %mul3A_125 : i32
      %add3A_127 = arith.addi %add3A, %mul3A_126 : i32
      %mul3A_128 = arith.constant 128 : i32
      %mul3A_129 = arith.muli %add3A_127, %mul3A_128 : i32
      %multiple_of3A_130 = tpu.assume_multiple %mul3A_129, 128 : i32
      %run_scoped3A_131 = arith.constant 1 : i32
      "tpu.region"() ({
        %run_scoped3A_228 = tpu.sem_alloc : memref<!tpu.dma_semaphore, #tpu.memory_space<semaphore_mem>>
        %dma_start3A_229 = arith.constant 0 : i32
        %dma_start3A_230 = tpu.memref_slice %arg8[%run_scoped3A_131, %dma_start3A_229] : memref<3x128xi32, #tpu.memory_space<vmem>> -> memref<1x128xi32, #tpu.memory_space<vmem>>
        %dma_start3A_231 = tpu.memref_squeeze %dma_start3A_230 : memref<1x128xi32, #tpu.memory_space<vmem>> -> memref<128xi32, #tpu.memory_space<vmem>>
        %dma_start3A_232 = tpu.memref_slice %arg4[%multiple_of3A_130] : memref<320000xi32, #tpu.memory_space<hbm>> -> memref<128xi32, #tpu.memory_space<hbm>>
        %dma_start3A_233 = arith.constant 0 : i32
        %dma_start3A_234 = tpu.memref_slice %arg8[%run_scoped3A_131, %dma_start3A_233] : memref<3x128xi32, #tpu.memory_space<vmem>> -> memref<1x128xi32, #tpu.memory_space<vmem>>
        %dma_start3A_235 = tpu.memref_squeeze %dma_start3A_234 : memref<1x128xi32, #tpu.memory_space<vmem>> -> memref<128xi32, #tpu.memory_space<vmem>>
        %dma_start3A_236 = tpu.memref_slice %arg4[%multiple_of3A_130] : memref<320000xi32, #tpu.memory_space<hbm>> -> memref<128xi32, #tpu.memory_space<hbm>>
        tpu.enqueue_dma source(%dma_start3A_236 : memref<128xi32, #tpu.memory_space<hbm>>) target(%dma_start3A_235 : memref<128xi32, #tpu.memory_space<vmem>>) target_semaphore(%run_scoped3A_228 : memref<!tpu.dma_semaphore, #tpu.memory_space<semaphore_mem>>)
        %dma_wait3A_237 = arith.constant 0 : i32
        %dma_wait3A_238 = tpu.memref_slice %arg8[%run_scoped3A_131, %dma_wait3A_237] : memref<3x128xi32, #tpu.memory_space<vmem>> -> memref<1x128xi32, #tpu.memory_space<vmem>>
        %dma_wait3A_239 = tpu.memref_squeeze %dma_wait3A_238 : memref<1x128xi32, #tpu.memory_space<vmem>> -> memref<128xi32, #tpu.memory_space<vmem>>
        %dma_wait3A_240 = tpu.memref_slice %arg4[%multiple_of3A_130] : memref<320000xi32, #tpu.memory_space<hbm>> -> memref<128xi32, #tpu.memory_space<hbm>>
        %dma_wait3A_241 = arith.constant 0 : i32
        %dma_wait3A_242 = tpu.memref_slice %arg8[%run_scoped3A_131, %dma_wait3A_241] : memref<3x128xi32, #tpu.memory_space<vmem>> -> memref<1x128xi32, #tpu.memory_space<vmem>>
        %dma_wait3A_243 = tpu.memref_squeeze %dma_wait3A_242 : memref<1x128xi32, #tpu.memory_space<vmem>> -> memref<128xi32, #tpu.memory_space<vmem>>
        %dma_wait3A_244 = tpu.memref_slice %arg4[%multiple_of3A_130] : memref<320000xi32, #tpu.memory_space<hbm>> -> memref<128xi32, #tpu.memory_space<hbm>>
        tpu.wait_dma2 semaphore(%run_scoped3A_228 : memref<!tpu.dma_semaphore, #tpu.memory_space<semaphore_mem>>) src(%dma_wait3A_244 : memref<128xi32, #tpu.memory_space<hbm>>) dst(%dma_wait3A_243 : memref<128xi32, #tpu.memory_space<vmem>>)
        tpu.yield
      }) : () -> ()
      %run_scoped3A_132 = arith.constant 1 : i32
      "tpu.region"() ({
        %run_scoped3A_228 = tpu.sem_alloc : memref<!tpu.dma_semaphore, #tpu.memory_space<semaphore_mem>>
        %dma_start3A_229 = arith.constant 0 : i32
        %dma_start3A_230 = tpu.memref_slice %arg7[%run_scoped3A_132, %dma_start3A_229] : memref<3x128xi32, #tpu.memory_space<vmem>> -> memref<1x128xi32, #tpu.memory_space<vmem>>
        %dma_start3A_231 = tpu.memref_squeeze %dma_start3A_230 : memref<1x128xi32, #tpu.memory_space<vmem>> -> memref<128xi32, #tpu.memory_space<vmem>>
        %dma_start3A_232 = tpu.memref_slice %arg3[%multiple_of3A_130] : memref<320000xi32, #tpu.memory_space<hbm>> -> memref<128xi32, #tpu.memory_space<hbm>>
        %dma_start3A_233 = arith.constant 0 : i32
        %dma_start3A_234 = tpu.memref_slice %arg7[%run_scoped3A_132, %dma_start3A_233] : memref<3x128xi32, #tpu.memory_space<vmem>> -> memref<1x128xi32, #tpu.memory_space<vmem>>
        %dma_start3A_235 = tpu.memref_squeeze %dma_start3A_234 : memref<1x128xi32, #tpu.memory_space<vmem>> -> memref<128xi32, #tpu.memory_space<vmem>>
        %dma_start3A_236 = tpu.memref_slice %arg3[%multiple_of3A_130] : memref<320000xi32, #tpu.memory_space<hbm>> -> memref<128xi32, #tpu.memory_space<hbm>>
        tpu.enqueue_dma source(%dma_start3A_236 : memref<128xi32, #tpu.memory_space<hbm>>) target(%dma_start3A_235 : memref<128xi32, #tpu.memory_space<vmem>>) target_semaphore(%run_scoped3A_228 : memref<!tpu.dma_semaphore, #tpu.memory_space<semaphore_mem>>)
        %dma_wait3A_237 = arith.constant 0 : i32
        %dma_wait3A_238 = tpu.memref_slice %arg7[%run_scoped3A_132, %dma_wait3A_237] : memref<3x128xi32, #tpu.memory_space<vmem>> -> memref<1x128xi32, #tpu.memory_space<vmem>>
        %dma_wait3A_239 = tpu.memref_squeeze %dma_wait3A_238 : memref<1x128xi32, #tpu.memory_space<vmem>> -> memref<128xi32, #tpu.memory_space<vmem>>
        %dma_wait3A_240 = tpu.memref_slice %arg3[%multiple_of3A_130] : memref<320000xi32, #tpu.memory_space<hbm>> -> memref<128xi32, #tpu.memory_space<hbm>>
        %dma_wait3A_241 = arith.constant 0 : i32
        %dma_wait3A_242 = tpu.memref_slice %arg7[%run_scoped3A_132, %dma_wait3A_241] : memref<3x128xi32, #tpu.memory_space<vmem>> -> memref<1x128xi32, #tpu.memory_space<vmem>>
        %dma_wait3A_243 = tpu.memref_squeeze %dma_wait3A_242 : memref<1x128xi32, #tpu.memory_space<vmem>> -> memref<128xi32, #tpu.memory_space<vmem>>
        %dma_wait3A_244 = tpu.memref_slice %arg3[%multiple_of3A_130] : memref<320000xi32, #tpu.memory_space<hbm>> -> memref<128xi32, #tpu.memory_space<hbm>>
        tpu.wait_dma2 semaphore(%run_scoped3A_228 : memref<!tpu.dma_semaphore, #tpu.memory_space<semaphore_mem>>) src(%dma_wait3A_244 : memref<128xi32, #tpu.memory_space<hbm>>) dst(%dma_wait3A_243 : memref<128xi32, #tpu.memory_space<vmem>>)
        tpu.yield
      }) : () -> ()
      %dma_start3A_133 = arith.constant 1 : i32
      %dma_start3A_134 = arith.constant 1 : i32
      %dma_start3A_135 = arith.constant 0 : i32
      %dma_start3A_136 = arith.constant 0 : i32
      %dma_start3A_137 = tpu.memref_slice %arg9[%dma_start3A_134, %dma_start3A_135, %dma_start3A_136] : memref<3x128x128xf32, #tpu.memory_space<vmem>> -> memref<1x128x128xf32, #tpu.memory_space<vmem>>
      %dma_start3A_138 = tpu.memref_squeeze %dma_start3A_137 : memref<1x128x128xf32, #tpu.memory_space<vmem>> -> memref<128x128xf32, #tpu.memory_space<vmem>>
      %dma_start3A_139 = arith.constant 0 : i32
      %dma_start3A_140 = tpu.memref_slice %arg7[%dma_start3A_133, %dma_start3A_139] : memref<3x128xi32, #tpu.memory_space<vmem>> -> memref<1x128xi32, #tpu.memory_space<vmem>>
      %dma_start3A_141 = tpu.memref_squeeze %dma_start3A_140 : memref<1x128xi32, #tpu.memory_space<vmem>> -> memref<128xi32, #tpu.memory_space<vmem>>
      %dma_start3A_142 = arith.constant 0 : i32
      %dma_start3A_143 = arith.constant 0 : i32
      %dma_start3A_144 = tpu.memref_slice %arg2[%dma_start3A_142, %dma_start3A_143] : memref<10112x128xf32, #tpu.memory_space<hbm>> -> memref<10112x128xf32, #tpu.memory_space<hbm>>
      tpu.enqueue_indirect_dma source(%dma_start3A_144 : memref<10112x128xf32, #tpu.memory_space<hbm>>) target(%dma_start3A_138 : memref<128x128xf32, #tpu.memory_space<vmem>>) offsets(%dma_start3A_141 : memref<128xi32, #tpu.memory_space<vmem>>) semaphore(%arg12 : memref<!tpu.dma_semaphore, #tpu.memory_space<semaphore_mem>>)
      %dma_wait3A_145 = arith.constant 0 : i32
      %dma_wait3A_146 = arith.constant 0 : i32
      %dma_wait3A_147 = arith.constant 0 : i32
      %dma_wait3A_148 = tpu.memref_slice %arg9[%dma_wait3A_145, %dma_wait3A_146, %dma_wait3A_147] : memref<3x128x128xf32, #tpu.memory_space<vmem>> -> memref<1x128x128xf32, #tpu.memory_space<vmem>>
      %dma_wait3A_149 = tpu.memref_squeeze %dma_wait3A_148 : memref<1x128x128xf32, #tpu.memory_space<vmem>> -> memref<128x128xf32, #tpu.memory_space<vmem>>
      %dma_wait3A_150 = arith.constant 0 : i32
      %dma_wait3A_151 = arith.constant 0 : i32
      %dma_wait3A_152 = tpu.memref_slice %arg5[%dma_wait3A_150, %dma_wait3A_151] : memref<10112x128xf32, #tpu.memory_space<hbm>> -> memref<128x128xf32, #tpu.memory_space<hbm>>
      %dma_wait3A_153 = arith.constant 0 : i32
      %dma_wait3A_154 = arith.constant 0 : i32
      %dma_wait3A_155 = tpu.memref_slice %arg9[%dma_wait3A_145, %dma_wait3A_153, %dma_wait3A_154] : memref<3x128x128xf32, #tpu.memory_space<vmem>> -> memref<1x128x128xf32, #tpu.memory_space<vmem>>
      %dma_wait3A_156 = tpu.memref_squeeze %dma_wait3A_155 : memref<1x128x128xf32, #tpu.memory_space<vmem>> -> memref<128x128xf32, #tpu.memory_space<vmem>>
      %dma_wait3A_157 = arith.constant 0 : i32
      %dma_wait3A_158 = arith.constant 0 : i32
      %dma_wait3A_159 = tpu.memref_slice %arg5[%dma_wait3A_157, %dma_wait3A_158] : memref<10112x128xf32, #tpu.memory_space<hbm>> -> memref<128x128xf32, #tpu.memory_space<hbm>>
      tpu.wait_dma2 semaphore(%arg11 : memref<!tpu.dma_semaphore, #tpu.memory_space<semaphore_mem>>) src(%dma_wait3A_159 : memref<128x128xf32, #tpu.memory_space<hbm>>) dst(%dma_wait3A_156 : memref<128x128xf32, #tpu.memory_space<vmem>>)
      %dma_start3A_160 = arith.constant 0 : i32
      %dma_start3A_161 = arith.constant 0 : i32
      %dma_start3A_162 = arith.constant 0 : i32
      %dma_start3A_163 = arith.constant 0 : i32
      %dma_start3A_164 = tpu.memref_slice %arg9[%dma_start3A_160, %dma_start3A_162, %dma_start3A_163] : memref<3x128x128xf32, #tpu.memory_space<vmem>> -> memref<1x128x128xf32, #tpu.memory_space<vmem>>
      %dma_start3A_165 = tpu.memref_squeeze %dma_start3A_164 : memref<1x128x128xf32, #tpu.memory_space<vmem>> -> memref<128x128xf32, #tpu.memory_space<vmem>>
      %dma_start3A_166 = arith.constant 0 : i32
      %dma_start3A_167 = tpu.memref_slice %arg8[%dma_start3A_161, %dma_start3A_166] : memref<3x128xi32, #tpu.memory_space<vmem>> -> memref<1x128xi32, #tpu.memory_space<vmem>>
      %dma_start3A_168 = tpu.memref_squeeze %dma_start3A_167 : memref<1x128xi32, #tpu.memory_space<vmem>> -> memref<128xi32, #tpu.memory_space<vmem>>
      %dma_start3A_169 = arith.constant 0 : i32
      %dma_start3A_170 = arith.constant 0 : i32
      %dma_start3A_171 = tpu.memref_slice %arg10[%dma_start3A_169, %dma_start3A_170] : memref<10112x128xf32, #tpu.memory_space<vmem_shared>> -> memref<10112x128xf32, #tpu.memory_space<vmem_shared>>
      tpu.enqueue_indirect_dma source(%dma_start3A_165 : memref<128x128xf32, #tpu.memory_space<vmem>>) target(%dma_start3A_171 : memref<10112x128xf32, #tpu.memory_space<vmem_shared>>) offsets(%dma_start3A_168 : memref<128xi32, #tpu.memory_space<vmem>>) semaphore(%arg14 : memref<!tpu.dma_semaphore, #tpu.memory_space<semaphore_mem>>) {add = true}
      %gt3A_172 = arith.constant 0 : i32
      %gt3A_173 = arith.cmpi sgt, %scan3A_84, %gt3A_172 : i32
      %convert_element_type3A_174 = arith.extui %gt3A_173 : i1 to i32
      %cond3A_175 = arith.constant 0 : i32
      %cond3A_176 = arith.cmpi ne, %convert_element_type3A_174, %cond3A_175 : i32
      scf.if %cond3A_176 {
        %dma_wait3A_228 = arith.constant 2 : i32
        %dma_wait3A_229 = arith.constant 0 : i32
        %dma_wait3A_230 = arith.constant 0 : i32
        %dma_wait3A_231 = tpu.memref_slice %arg9[%dma_wait3A_228, %dma_wait3A_229, %dma_wait3A_230] : memref<3x128x128xf32, #tpu.memory_space<vmem>> -> memref<1x128x128xf32, #tpu.memory_space<vmem>>
        %dma_wait3A_232 = tpu.memref_squeeze %dma_wait3A_231 : memref<1x128x128xf32, #tpu.memory_space<vmem>> -> memref<128x128xf32, #tpu.memory_space<vmem>>
        %dma_wait3A_233 = arith.constant 0 : i32
        %dma_wait3A_234 = arith.constant 0 : i32
        %dma_wait3A_235 = tpu.memref_slice %arg5[%dma_wait3A_233, %dma_wait3A_234] : memref<10112x128xf32, #tpu.memory_space<hbm>> -> memref<128x128xf32, #tpu.memory_space<hbm>>
        %dma_wait3A_236 = arith.constant 0 : i32
        %dma_wait3A_237 = arith.constant 0 : i32
        %dma_wait3A_238 = tpu.memref_slice %arg9[%dma_wait3A_228, %dma_wait3A_236, %dma_wait3A_237] : memref<3x128x128xf32, #tpu.memory_space<vmem>> -> memref<1x128x128xf32, #tpu.memory_space<vmem>>
        %dma_wait3A_239 = tpu.memref_squeeze %dma_wait3A_238 : memref<1x128x128xf32, #tpu.memory_space<vmem>> -> memref<128x128xf32, #tpu.memory_space<vmem>>
        %dma_wait3A_240 = arith.constant 0 : i32
        %dma_wait3A_241 = arith.constant 0 : i32
        %dma_wait3A_242 = tpu.memref_slice %arg5[%dma_wait3A_240, %dma_wait3A_241] : memref<10112x128xf32, #tpu.memory_space<hbm>> -> memref<128x128xf32, #tpu.memory_space<hbm>>
        tpu.wait_dma2 semaphore(%arg16 : memref<!tpu.dma_semaphore, #tpu.memory_space<semaphore_mem>>) src(%dma_wait3A_242 : memref<128x128xf32, #tpu.memory_space<hbm>>) dst(%dma_wait3A_239 : memref<128x128xf32, #tpu.memory_space<vmem>>)
      } else {
      }
      %mul3A_177 = arith.constant 3 : i32
      %mul3A_178 = arith.muli %mul3A_177, %scan3A_84 : i32
      %add3A_179 = arith.constant 2 : i32
      %add3A_180 = arith.addi %mul3A_178, %add3A_179 : i32
      %mul3A_181 = arith.constant 32 : i32
      %mul3A_182 = arith.muli %add3A_180, %mul3A_181 : i32
      %add3A_183 = arith.addi %add3A, %mul3A_182 : i32
      %mul3A_184 = arith.constant 128 : i32
      %mul3A_185 = arith.muli %add3A_183, %mul3A_184 : i32
      %multiple_of3A_186 = tpu.assume_multiple %mul3A_185, 128 : i32
      %run_scoped3A_187 = arith.constant 2 : i32
      "tpu.region"() ({
        %run_scoped3A_228 = tpu.sem_alloc : memref<!tpu.dma_semaphore, #tpu.memory_space<semaphore_mem>>
        %dma_start3A_229 = arith.constant 0 : i32
        %dma_start3A_230 = tpu.memref_slice %arg8[%run_scoped3A_187, %dma_start3A_229] : memref<3x128xi32, #tpu.memory_space<vmem>> -> memref<1x128xi32, #tpu.memory_space<vmem>>
        %dma_start3A_231 = tpu.memref_squeeze %dma_start3A_230 : memref<1x128xi32, #tpu.memory_space<vmem>> -> memref<128xi32, #tpu.memory_space<vmem>>
        %dma_start3A_232 = tpu.memref_slice %arg4[%multiple_of3A_186] : memref<320000xi32, #tpu.memory_space<hbm>> -> memref<128xi32, #tpu.memory_space<hbm>>
        %dma_start3A_233 = arith.constant 0 : i32
        %dma_start3A_234 = tpu.memref_slice %arg8[%run_scoped3A_187, %dma_start3A_233] : memref<3x128xi32, #tpu.memory_space<vmem>> -> memref<1x128xi32, #tpu.memory_space<vmem>>
        %dma_start3A_235 = tpu.memref_squeeze %dma_start3A_234 : memref<1x128xi32, #tpu.memory_space<vmem>> -> memref<128xi32, #tpu.memory_space<vmem>>
        %dma_start3A_236 = tpu.memref_slice %arg4[%multiple_of3A_186] : memref<320000xi32, #tpu.memory_space<hbm>> -> memref<128xi32, #tpu.memory_space<hbm>>
        tpu.enqueue_dma source(%dma_start3A_236 : memref<128xi32, #tpu.memory_space<hbm>>) target(%dma_start3A_235 : memref<128xi32, #tpu.memory_space<vmem>>) target_semaphore(%run_scoped3A_228 : memref<!tpu.dma_semaphore, #tpu.memory_space<semaphore_mem>>)
        %dma_wait3A_237 = arith.constant 0 : i32
        %dma_wait3A_238 = tpu.memref_slice %arg8[%run_scoped3A_187, %dma_wait3A_237] : memref<3x128xi32, #tpu.memory_space<vmem>> -> memref<1x128xi32, #tpu.memory_space<vmem>>
        %dma_wait3A_239 = tpu.memref_squeeze %dma_wait3A_238 : memref<1x128xi32, #tpu.memory_space<vmem>> -> memref<128xi32, #tpu.memory_space<vmem>>
        %dma_wait3A_240 = tpu.memref_slice %arg4[%multiple_of3A_186] : memref<320000xi32, #tpu.memory_space<hbm>> -> memref<128xi32, #tpu.memory_space<hbm>>
        %dma_wait3A_241 = arith.constant 0 : i32
        %dma_wait3A_242 = tpu.memref_slice %arg8[%run_scoped3A_187, %dma_wait3A_241] : memref<3x128xi32, #tpu.memory_space<vmem>> -> memref<1x128xi32, #tpu.memory_space<vmem>>
        %dma_wait3A_243 = tpu.memref_squeeze %dma_wait3A_242 : memref<1x128xi32, #tpu.memory_space<vmem>> -> memref<128xi32, #tpu.memory_space<vmem>>
        %dma_wait3A_244 = tpu.memref_slice %arg4[%multiple_of3A_186] : memref<320000xi32, #tpu.memory_space<hbm>> -> memref<128xi32, #tpu.memory_space<hbm>>
        tpu.wait_dma2 semaphore(%run_scoped3A_228 : memref<!tpu.dma_semaphore, #tpu.memory_space<semaphore_mem>>) src(%dma_wait3A_244 : memref<128xi32, #tpu.memory_space<hbm>>) dst(%dma_wait3A_243 : memref<128xi32, #tpu.memory_space<vmem>>)
        tpu.yield
      }) : () -> ()
      %run_scoped3A_188 = arith.constant 2 : i32
      "tpu.region"() ({
        %run_scoped3A_228 = tpu.sem_alloc : memref<!tpu.dma_semaphore, #tpu.memory_space<semaphore_mem>>
        %dma_start3A_229 = arith.constant 0 : i32
        %dma_start3A_230 = tpu.memref_slice %arg7[%run_scoped3A_188, %dma_start3A_229] : memref<3x128xi32, #tpu.memory_space<vmem>> -> memref<1x128xi32, #tpu.memory_space<vmem>>
        %dma_start3A_231 = tpu.memref_squeeze %dma_start3A_230 : memref<1x128xi32, #tpu.memory_space<vmem>> -> memref<128xi32, #tpu.memory_space<vmem>>
        %dma_start3A_232 = tpu.memref_slice %arg3[%multiple_of3A_186] : memref<320000xi32, #tpu.memory_space<hbm>> -> memref<128xi32, #tpu.memory_space<hbm>>
        %dma_start3A_233 = arith.constant 0 : i32
        %dma_start3A_234 = tpu.memref_slice %arg7[%run_scoped3A_188, %dma_start3A_233] : memref<3x128xi32, #tpu.memory_space<vmem>> -> memref<1x128xi32, #tpu.memory_space<vmem>>
        %dma_start3A_235 = tpu.memref_squeeze %dma_start3A_234 : memref<1x128xi32, #tpu.memory_space<vmem>> -> memref<128xi32, #tpu.memory_space<vmem>>
        %dma_start3A_236 = tpu.memref_slice %arg3[%multiple_of3A_186] : memref<320000xi32, #tpu.memory_space<hbm>> -> memref<128xi32, #tpu.memory_space<hbm>>
        tpu.enqueue_dma source(%dma_start3A_236 : memref<128xi32, #tpu.memory_space<hbm>>) target(%dma_start3A_235 : memref<128xi32, #tpu.memory_space<vmem>>) target_semaphore(%run_scoped3A_228 : memref<!tpu.dma_semaphore, #tpu.memory_space<semaphore_mem>>)
        %dma_wait3A_237 = arith.constant 0 : i32
        %dma_wait3A_238 = tpu.memref_slice %arg7[%run_scoped3A_188, %dma_wait3A_237] : memref<3x128xi32, #tpu.memory_space<vmem>> -> memref<1x128xi32, #tpu.memory_space<vmem>>
        %dma_wait3A_239 = tpu.memref_squeeze %dma_wait3A_238 : memref<1x128xi32, #tpu.memory_space<vmem>> -> memref<128xi32, #tpu.memory_space<vmem>>
        %dma_wait3A_240 = tpu.memref_slice %arg3[%multiple_of3A_186] : memref<320000xi32, #tpu.memory_space<hbm>> -> memref<128xi32, #tpu.memory_space<hbm>>
        %dma_wait3A_241 = arith.constant 0 : i32
        %dma_wait3A_242 = tpu.memref_slice %arg7[%run_scoped3A_188, %dma_wait3A_241] : memref<3x128xi32, #tpu.memory_space<vmem>> -> memref<1x128xi32, #tpu.memory_space<vmem>>
        %dma_wait3A_243 = tpu.memref_squeeze %dma_wait3A_242 : memref<1x128xi32, #tpu.memory_space<vmem>> -> memref<128xi32, #tpu.memory_space<vmem>>
        %dma_wait3A_244 = tpu.memref_slice %arg3[%multiple_of3A_186] : memref<320000xi32, #tpu.memory_space<hbm>> -> memref<128xi32, #tpu.memory_space<hbm>>
        tpu.wait_dma2 semaphore(%run_scoped3A_228 : memref<!tpu.dma_semaphore, #tpu.memory_space<semaphore_mem>>) src(%dma_wait3A_244 : memref<128xi32, #tpu.memory_space<hbm>>) dst(%dma_wait3A_243 : memref<128xi32, #tpu.memory_space<vmem>>)
        tpu.yield
      }) : () -> ()
      %dma_start3A_189 = arith.constant 2 : i32
      %dma_start3A_190 = arith.constant 2 : i32
      %dma_start3A_191 = arith.constant 0 : i32
      %dma_start3A_192 = arith.constant 0 : i32
      %dma_start3A_193 = tpu.memref_slice %arg9[%dma_start3A_190, %dma_start3A_191, %dma_start3A_192] : memref<3x128x128xf32, #tpu.memory_space<vmem>> -> memref<1x128x128xf32, #tpu.memory_space<vmem>>
      %dma_start3A_194 = tpu.memref_squeeze %dma_start3A_193 : memref<1x128x128xf32, #tpu.memory_space<vmem>> -> memref<128x128xf32, #tpu.memory_space<vmem>>
      %dma_start3A_195 = arith.constant 0 : i32
      %dma_start3A_196 = tpu.memref_slice %arg7[%dma_start3A_189, %dma_start3A_195] : memref<3x128xi32, #tpu.memory_space<vmem>> -> memref<1x128xi32, #tpu.memory_space<vmem>>
      %dma_start3A_197 = tpu.memref_squeeze %dma_start3A_196 : memref<1x128xi32, #tpu.memory_space<vmem>> -> memref<128xi32, #tpu.memory_space<vmem>>
      %dma_start3A_198 = arith.constant 0 : i32
      %dma_start3A_199 = arith.constant 0 : i32
      %dma_start3A_200 = tpu.memref_slice %arg2[%dma_start3A_198, %dma_start3A_199] : memref<10112x128xf32, #tpu.memory_space<hbm>> -> memref<10112x128xf32, #tpu.memory_space<hbm>>
      tpu.enqueue_indirect_dma source(%dma_start3A_200 : memref<10112x128xf32, #tpu.memory_space<hbm>>) target(%dma_start3A_194 : memref<128x128xf32, #tpu.memory_space<vmem>>) offsets(%dma_start3A_197 : memref<128xi32, #tpu.memory_space<vmem>>) semaphore(%arg13 : memref<!tpu.dma_semaphore, #tpu.memory_space<semaphore_mem>>)
      %dma_wait3A_201 = arith.constant 1 : i32
      %dma_wait3A_202 = arith.constant 0 : i32
      %dma_wait3A_203 = arith.constant 0 : i32
      %dma_wait3A_204 = tpu.memref_slice %arg9[%dma_wait3A_201, %dma_wait3A_202, %dma_wait3A_203] : memref<3x128x128xf32, #tpu.memory_space<vmem>> -> memref<1x128x128xf32, #tpu.memory_space<vmem>>
      %dma_wait3A_205 = tpu.memref_squeeze %dma_wait3A_204 : memref<1x128x128xf32, #tpu.memory_space<vmem>> -> memref<128x128xf32, #tpu.memory_space<vmem>>
      %dma_wait3A_206 = arith.constant 0 : i32
      %dma_wait3A_207 = arith.constant 0 : i32
      %dma_wait3A_208 = tpu.memref_slice %arg5[%dma_wait3A_206, %dma_wait3A_207] : memref<10112x128xf32, #tpu.memory_space<hbm>> -> memref<128x128xf32, #tpu.memory_space<hbm>>
      %dma_wait3A_209 = arith.constant 0 : i32
      %dma_wait3A_210 = arith.constant 0 : i32
      %dma_wait3A_211 = tpu.memref_slice %arg9[%dma_wait3A_201, %dma_wait3A_209, %dma_wait3A_210] : memref<3x128x128xf32, #tpu.memory_space<vmem>> -> memref<1x128x128xf32, #tpu.memory_space<vmem>>
      %dma_wait3A_212 = tpu.memref_squeeze %dma_wait3A_211 : memref<1x128x128xf32, #tpu.memory_space<vmem>> -> memref<128x128xf32, #tpu.memory_space<vmem>>
      %dma_wait3A_213 = arith.constant 0 : i32
      %dma_wait3A_214 = arith.constant 0 : i32
      %dma_wait3A_215 = tpu.memref_slice %arg5[%dma_wait3A_213, %dma_wait3A_214] : memref<10112x128xf32, #tpu.memory_space<hbm>> -> memref<128x128xf32, #tpu.memory_space<hbm>>
      tpu.wait_dma2 semaphore(%arg12 : memref<!tpu.dma_semaphore, #tpu.memory_space<semaphore_mem>>) src(%dma_wait3A_215 : memref<128x128xf32, #tpu.memory_space<hbm>>) dst(%dma_wait3A_212 : memref<128x128xf32, #tpu.memory_space<vmem>>)
      %dma_start3A_216 = arith.constant 1 : i32
      %dma_start3A_217 = arith.constant 1 : i32
      %dma_start3A_218 = arith.constant 0 : i32
      %dma_start3A_219 = arith.constant 0 : i32
      %dma_start3A_220 = tpu.memref_slice %arg9[%dma_start3A_216, %dma_start3A_218, %dma_start3A_219] : memref<3x128x128xf32, #tpu.memory_space<vmem>> -> memref<1x128x128xf32, #tpu.memory_space<vmem>>
      %dma_start3A_221 = tpu.memref_squeeze %dma_start3A_220 : memref<1x128x128xf32, #tpu.memory_space<vmem>> -> memref<128x128xf32, #tpu.memory_space<vmem>>
      %dma_start3A_222 = arith.constant 0 : i32
      %dma_start3A_223 = tpu.memref_slice %arg8[%dma_start3A_217, %dma_start3A_222] : memref<3x128xi32, #tpu.memory_space<vmem>> -> memref<1x128xi32, #tpu.memory_space<vmem>>
      %dma_start3A_224 = tpu.memref_squeeze %dma_start3A_223 : memref<1x128xi32, #tpu.memory_space<vmem>> -> memref<128xi32, #tpu.memory_space<vmem>>
      %dma_start3A_225 = arith.constant 0 : i32
      %dma_start3A_226 = arith.constant 0 : i32
      %dma_start3A_227 = tpu.memref_slice %arg10[%dma_start3A_225, %dma_start3A_226] : memref<10112x128xf32, #tpu.memory_space<vmem_shared>> -> memref<10112x128xf32, #tpu.memory_space<vmem_shared>>
      tpu.enqueue_indirect_dma source(%dma_start3A_221 : memref<128x128xf32, #tpu.memory_space<vmem>>) target(%dma_start3A_227 : memref<10112x128xf32, #tpu.memory_space<vmem_shared>>) offsets(%dma_start3A_224 : memref<128xi32, #tpu.memory_space<vmem>>) semaphore(%arg15 : memref<!tpu.dma_semaphore, #tpu.memory_space<semaphore_mem>>) {add = true}
    }
    %scan3A_7 = arith.constant 26 : i32
    %dma_wait3A = arith.constant 2 : i32
    %dma_wait3A_8 = arith.constant 0 : i32
    %dma_wait3A_9 = arith.constant 0 : i32
    %dma_wait3A_10 = tpu.memref_slice %arg9[%dma_wait3A, %dma_wait3A_8, %dma_wait3A_9] : memref<3x128x128xf32, #tpu.memory_space<vmem>> -> memref<1x128x128xf32, #tpu.memory_space<vmem>>
    %dma_wait3A_11 = tpu.memref_squeeze %dma_wait3A_10 : memref<1x128x128xf32, #tpu.memory_space<vmem>> -> memref<128x128xf32, #tpu.memory_space<vmem>>
    %dma_wait3A_12 = arith.constant 0 : i32
    %dma_wait3A_13 = arith.constant 0 : i32
    %dma_wait3A_14 = tpu.memref_slice %arg5[%dma_wait3A_12, %dma_wait3A_13] : memref<10112x128xf32, #tpu.memory_space<hbm>> -> memref<128x128xf32, #tpu.memory_space<hbm>>
    %dma_wait3A_15 = arith.constant 0 : i32
    %dma_wait3A_16 = arith.constant 0 : i32
    %dma_wait3A_17 = tpu.memref_slice %arg9[%dma_wait3A, %dma_wait3A_15, %dma_wait3A_16] : memref<3x128x128xf32, #tpu.memory_space<vmem>> -> memref<1x128x128xf32, #tpu.memory_space<vmem>>
    %dma_wait3A_18 = tpu.memref_squeeze %dma_wait3A_17 : memref<1x128x128xf32, #tpu.memory_space<vmem>> -> memref<128x128xf32, #tpu.memory_space<vmem>>
    %dma_wait3A_19 = arith.constant 0 : i32
    %dma_wait3A_20 = arith.constant 0 : i32
    %dma_wait3A_21 = tpu.memref_slice %arg5[%dma_wait3A_19, %dma_wait3A_20] : memref<10112x128xf32, #tpu.memory_space<hbm>> -> memref<128x128xf32, #tpu.memory_space<hbm>>
    tpu.wait_dma2 semaphore(%arg13 : memref<!tpu.dma_semaphore, #tpu.memory_space<semaphore_mem>>) src(%dma_wait3A_21 : memref<128x128xf32, #tpu.memory_space<hbm>>) dst(%dma_wait3A_18 : memref<128x128xf32, #tpu.memory_space<vmem>>)
    %dma_start3A = arith.constant 2 : i32
    %dma_start3A_22 = arith.constant 2 : i32
    %dma_start3A_23 = arith.constant 0 : i32
    %dma_start3A_24 = arith.constant 0 : i32
    %dma_start3A_25 = tpu.memref_slice %arg9[%dma_start3A, %dma_start3A_23, %dma_start3A_24] : memref<3x128x128xf32, #tpu.memory_space<vmem>> -> memref<1x128x128xf32, #tpu.memory_space<vmem>>
    %dma_start3A_26 = tpu.memref_squeeze %dma_start3A_25 : memref<1x128x128xf32, #tpu.memory_space<vmem>> -> memref<128x128xf32, #tpu.memory_space<vmem>>
    %dma_start3A_27 = arith.constant 0 : i32
    %dma_start3A_28 = tpu.memref_slice %arg8[%dma_start3A_22, %dma_start3A_27] : memref<3x128xi32, #tpu.memory_space<vmem>> -> memref<1x128xi32, #tpu.memory_space<vmem>>
    %dma_start3A_29 = tpu.memref_squeeze %dma_start3A_28 : memref<1x128xi32, #tpu.memory_space<vmem>> -> memref<128xi32, #tpu.memory_space<vmem>>
    %dma_start3A_30 = arith.constant 0 : i32
    %dma_start3A_31 = arith.constant 0 : i32
    %dma_start3A_32 = tpu.memref_slice %arg10[%dma_start3A_30, %dma_start3A_31] : memref<10112x128xf32, #tpu.memory_space<vmem_shared>> -> memref<10112x128xf32, #tpu.memory_space<vmem_shared>>
    tpu.enqueue_indirect_dma source(%dma_start3A_26 : memref<128x128xf32, #tpu.memory_space<vmem>>) target(%dma_start3A_32 : memref<10112x128xf32, #tpu.memory_space<vmem_shared>>) offsets(%dma_start3A_29 : memref<128xi32, #tpu.memory_space<vmem>>) semaphore(%arg16 : memref<!tpu.dma_semaphore, #tpu.memory_space<semaphore_mem>>) {add = true}
    %dma_wait3A_33 = arith.constant 0 : i32
    %dma_wait3A_34 = arith.constant 0 : i32
    %dma_wait3A_35 = arith.constant 0 : i32
    %dma_wait3A_36 = tpu.memref_slice %arg9[%dma_wait3A_33, %dma_wait3A_34, %dma_wait3A_35] : memref<3x128x128xf32, #tpu.memory_space<vmem>> -> memref<1x128x128xf32, #tpu.memory_space<vmem>>
    %dma_wait3A_37 = tpu.memref_squeeze %dma_wait3A_36 : memref<1x128x128xf32, #tpu.memory_space<vmem>> -> memref<128x128xf32, #tpu.memory_space<vmem>>
    %dma_wait3A_38 = arith.constant 0 : i32
    %dma_wait3A_39 = arith.constant 0 : i32
    %dma_wait3A_40 = tpu.memref_slice %arg5[%dma_wait3A_38, %dma_wait3A_39] : memref<10112x128xf32, #tpu.memory_space<hbm>> -> memref<128x128xf32, #tpu.memory_space<hbm>>
    %dma_wait3A_41 = arith.constant 0 : i32
    %dma_wait3A_42 = arith.constant 0 : i32
    %dma_wait3A_43 = tpu.memref_slice %arg9[%dma_wait3A_33, %dma_wait3A_41, %dma_wait3A_42] : memref<3x128x128xf32, #tpu.memory_space<vmem>> -> memref<1x128x128xf32, #tpu.memory_space<vmem>>
    %dma_wait3A_44 = tpu.memref_squeeze %dma_wait3A_43 : memref<1x128x128xf32, #tpu.memory_space<vmem>> -> memref<128x128xf32, #tpu.memory_space<vmem>>
    %dma_wait3A_45 = arith.constant 0 : i32
    %dma_wait3A_46 = arith.constant 0 : i32
    %dma_wait3A_47 = tpu.memref_slice %arg5[%dma_wait3A_45, %dma_wait3A_46] : memref<10112x128xf32, #tpu.memory_space<hbm>> -> memref<128x128xf32, #tpu.memory_space<hbm>>
    tpu.wait_dma2 semaphore(%arg14 : memref<!tpu.dma_semaphore, #tpu.memory_space<semaphore_mem>>) src(%dma_wait3A_47 : memref<128x128xf32, #tpu.memory_space<hbm>>) dst(%dma_wait3A_44 : memref<128x128xf32, #tpu.memory_space<vmem>>)
    %dma_wait3A_48 = arith.constant 1 : i32
    %dma_wait3A_49 = arith.constant 0 : i32
    %dma_wait3A_50 = arith.constant 0 : i32
    %dma_wait3A_51 = tpu.memref_slice %arg9[%dma_wait3A_48, %dma_wait3A_49, %dma_wait3A_50] : memref<3x128x128xf32, #tpu.memory_space<vmem>> -> memref<1x128x128xf32, #tpu.memory_space<vmem>>
    %dma_wait3A_52 = tpu.memref_squeeze %dma_wait3A_51 : memref<1x128x128xf32, #tpu.memory_space<vmem>> -> memref<128x128xf32, #tpu.memory_space<vmem>>
    %dma_wait3A_53 = arith.constant 0 : i32
    %dma_wait3A_54 = arith.constant 0 : i32
    %dma_wait3A_55 = tpu.memref_slice %arg5[%dma_wait3A_53, %dma_wait3A_54] : memref<10112x128xf32, #tpu.memory_space<hbm>> -> memref<128x128xf32, #tpu.memory_space<hbm>>
    %dma_wait3A_56 = arith.constant 0 : i32
    %dma_wait3A_57 = arith.constant 0 : i32
    %dma_wait3A_58 = tpu.memref_slice %arg9[%dma_wait3A_48, %dma_wait3A_56, %dma_wait3A_57] : memref<3x128x128xf32, #tpu.memory_space<vmem>> -> memref<1x128x128xf32, #tpu.memory_space<vmem>>
    %dma_wait3A_59 = tpu.memref_squeeze %dma_wait3A_58 : memref<1x128x128xf32, #tpu.memory_space<vmem>> -> memref<128x128xf32, #tpu.memory_space<vmem>>
    %dma_wait3A_60 = arith.constant 0 : i32
    %dma_wait3A_61 = arith.constant 0 : i32
    %dma_wait3A_62 = tpu.memref_slice %arg5[%dma_wait3A_60, %dma_wait3A_61] : memref<10112x128xf32, #tpu.memory_space<hbm>> -> memref<128x128xf32, #tpu.memory_space<hbm>>
    tpu.wait_dma2 semaphore(%arg15 : memref<!tpu.dma_semaphore, #tpu.memory_space<semaphore_mem>>) src(%dma_wait3A_62 : memref<128x128xf32, #tpu.memory_space<hbm>>) dst(%dma_wait3A_59 : memref<128x128xf32, #tpu.memory_space<vmem>>)
    %dma_wait3A_63 = arith.constant 2 : i32
    %dma_wait3A_64 = arith.constant 0 : i32
    %dma_wait3A_65 = arith.constant 0 : i32
    %dma_wait3A_66 = tpu.memref_slice %arg9[%dma_wait3A_63, %dma_wait3A_64, %dma_wait3A_65] : memref<3x128x128xf32, #tpu.memory_space<vmem>> -> memref<1x128x128xf32, #tpu.memory_space<vmem>>
    %dma_wait3A_67 = tpu.memref_squeeze %dma_wait3A_66 : memref<1x128x128xf32, #tpu.memory_space<vmem>> -> memref<128x128xf32, #tpu.memory_space<vmem>>
    %dma_wait3A_68 = arith.constant 0 : i32
    %dma_wait3A_69 = arith.constant 0 : i32
    %dma_wait3A_70 = tpu.memref_slice %arg5[%dma_wait3A_68, %dma_wait3A_69] : memref<10112x128xf32, #tpu.memory_space<hbm>> -> memref<128x128xf32, #tpu.memory_space<hbm>>
    %dma_wait3A_71 = arith.constant 0 : i32
    %dma_wait3A_72 = arith.constant 0 : i32
    %dma_wait3A_73 = tpu.memref_slice %arg9[%dma_wait3A_63, %dma_wait3A_71, %dma_wait3A_72] : memref<3x128x128xf32, #tpu.memory_space<vmem>> -> memref<1x128x128xf32, #tpu.memory_space<vmem>>
    %dma_wait3A_74 = tpu.memref_squeeze %dma_wait3A_73 : memref<1x128x128xf32, #tpu.memory_space<vmem>> -> memref<128x128xf32, #tpu.memory_space<vmem>>
    %dma_wait3A_75 = arith.constant 0 : i32
    %dma_wait3A_76 = arith.constant 0 : i32
    %dma_wait3A_77 = tpu.memref_slice %arg5[%dma_wait3A_75, %dma_wait3A_76] : memref<10112x128xf32, #tpu.memory_space<hbm>> -> memref<128x128xf32, #tpu.memory_space<hbm>>
    tpu.wait_dma2 semaphore(%arg16 : memref<!tpu.dma_semaphore, #tpu.memory_space<semaphore_mem>>) src(%dma_wait3A_77 : memref<128x128xf32, #tpu.memory_space<hbm>>) dst(%dma_wait3A_74 : memref<128x128xf32, #tpu.memory_space<vmem>>)
    %lt3A = arith.constant 4 : i32
    %lt3A_78 = arith.cmpi slt, %add3A, %lt3A : i32
    %convert_element_type3A = arith.extui %lt3A_78 : i1 to i32
    %cond3A = arith.constant 0 : i32
    %cond3A_79 = arith.cmpi ne, %convert_element_type3A, %cond3A : i32
    scf.if %cond3A_79 {
      %add3A_84 = arith.constant 2496 : i32
      %add3A_85 = arith.addi %add3A, %add3A_84 : i32
      %mul3A_86 = arith.constant 128 : i32
      %mul3A_87 = arith.muli %add3A_85, %mul3A_86 : i32
      %multiple_of3A = tpu.assume_multiple %mul3A_87, 128 : i32
      %run_scoped3A = arith.constant 0 : i32
      "tpu.region"() ({
        %run_scoped3A_115 = tpu.sem_alloc : memref<!tpu.dma_semaphore, #tpu.memory_space<semaphore_mem>>
        %dma_start3A_116 = arith.constant 0 : i32
        %dma_start3A_117 = tpu.memref_slice %arg8[%run_scoped3A, %dma_start3A_116] : memref<3x128xi32, #tpu.memory_space<vmem>> -> memref<1x128xi32, #tpu.memory_space<vmem>>
        %dma_start3A_118 = tpu.memref_squeeze %dma_start3A_117 : memref<1x128xi32, #tpu.memory_space<vmem>> -> memref<128xi32, #tpu.memory_space<vmem>>
        %dma_start3A_119 = tpu.memref_slice %arg4[%multiple_of3A] : memref<320000xi32, #tpu.memory_space<hbm>> -> memref<128xi32, #tpu.memory_space<hbm>>
        %dma_start3A_120 = arith.constant 0 : i32
        %dma_start3A_121 = tpu.memref_slice %arg8[%run_scoped3A, %dma_start3A_120] : memref<3x128xi32, #tpu.memory_space<vmem>> -> memref<1x128xi32, #tpu.memory_space<vmem>>
        %dma_start3A_122 = tpu.memref_squeeze %dma_start3A_121 : memref<1x128xi32, #tpu.memory_space<vmem>> -> memref<128xi32, #tpu.memory_space<vmem>>
        %dma_start3A_123 = tpu.memref_slice %arg4[%multiple_of3A] : memref<320000xi32, #tpu.memory_space<hbm>> -> memref<128xi32, #tpu.memory_space<hbm>>
        tpu.enqueue_dma source(%dma_start3A_123 : memref<128xi32, #tpu.memory_space<hbm>>) target(%dma_start3A_122 : memref<128xi32, #tpu.memory_space<vmem>>) target_semaphore(%run_scoped3A_115 : memref<!tpu.dma_semaphore, #tpu.memory_space<semaphore_mem>>)
        %dma_wait3A_124 = arith.constant 0 : i32
        %dma_wait3A_125 = tpu.memref_slice %arg8[%run_scoped3A, %dma_wait3A_124] : memref<3x128xi32, #tpu.memory_space<vmem>> -> memref<1x128xi32, #tpu.memory_space<vmem>>
        %dma_wait3A_126 = tpu.memref_squeeze %dma_wait3A_125 : memref<1x128xi32, #tpu.memory_space<vmem>> -> memref<128xi32, #tpu.memory_space<vmem>>
        %dma_wait3A_127 = tpu.memref_slice %arg4[%multiple_of3A] : memref<320000xi32, #tpu.memory_space<hbm>> -> memref<128xi32, #tpu.memory_space<hbm>>
        %dma_wait3A_128 = arith.constant 0 : i32
        %dma_wait3A_129 = tpu.memref_slice %arg8[%run_scoped3A, %dma_wait3A_128] : memref<3x128xi32, #tpu.memory_space<vmem>> -> memref<1x128xi32, #tpu.memory_space<vmem>>
        %dma_wait3A_130 = tpu.memref_squeeze %dma_wait3A_129 : memref<1x128xi32, #tpu.memory_space<vmem>> -> memref<128xi32, #tpu.memory_space<vmem>>
        %dma_wait3A_131 = tpu.memref_slice %arg4[%multiple_of3A] : memref<320000xi32, #tpu.memory_space<hbm>> -> memref<128xi32, #tpu.memory_space<hbm>>
        tpu.wait_dma2 semaphore(%run_scoped3A_115 : memref<!tpu.dma_semaphore, #tpu.memory_space<semaphore_mem>>) src(%dma_wait3A_131 : memref<128xi32, #tpu.memory_space<hbm>>) dst(%dma_wait3A_130 : memref<128xi32, #tpu.memory_space<vmem>>)
        tpu.yield
      }) : () -> ()
      %run_scoped3A_88 = arith.constant 0 : i32
      "tpu.region"() ({
        %run_scoped3A_115 = tpu.sem_alloc : memref<!tpu.dma_semaphore, #tpu.memory_space<semaphore_mem>>
        %dma_start3A_116 = arith.constant 0 : i32
        %dma_start3A_117 = tpu.memref_slice %arg7[%run_scoped3A_88, %dma_start3A_116] : memref<3x128xi32, #tpu.memory_space<vmem>> -> memref<1x128xi32, #tpu.memory_space<vmem>>
        %dma_start3A_118 = tpu.memref_squeeze %dma_start3A_117 : memref<1x128xi32, #tpu.memory_space<vmem>> -> memref<128xi32, #tpu.memory_space<vmem>>
        %dma_start3A_119 = tpu.memref_slice %arg3[%multiple_of3A] : memref<320000xi32, #tpu.memory_space<hbm>> -> memref<128xi32, #tpu.memory_space<hbm>>
        %dma_start3A_120 = arith.constant 0 : i32
        %dma_start3A_121 = tpu.memref_slice %arg7[%run_scoped3A_88, %dma_start3A_120] : memref<3x128xi32, #tpu.memory_space<vmem>> -> memref<1x128xi32, #tpu.memory_space<vmem>>
        %dma_start3A_122 = tpu.memref_squeeze %dma_start3A_121 : memref<1x128xi32, #tpu.memory_space<vmem>> -> memref<128xi32, #tpu.memory_space<vmem>>
        %dma_start3A_123 = tpu.memref_slice %arg3[%multiple_of3A] : memref<320000xi32, #tpu.memory_space<hbm>> -> memref<128xi32, #tpu.memory_space<hbm>>
        tpu.enqueue_dma source(%dma_start3A_123 : memref<128xi32, #tpu.memory_space<hbm>>) target(%dma_start3A_122 : memref<128xi32, #tpu.memory_space<vmem>>) target_semaphore(%run_scoped3A_115 : memref<!tpu.dma_semaphore, #tpu.memory_space<semaphore_mem>>)
        %dma_wait3A_124 = arith.constant 0 : i32
        %dma_wait3A_125 = tpu.memref_slice %arg7[%run_scoped3A_88, %dma_wait3A_124] : memref<3x128xi32, #tpu.memory_space<vmem>> -> memref<1x128xi32, #tpu.memory_space<vmem>>
        %dma_wait3A_126 = tpu.memref_squeeze %dma_wait3A_125 : memref<1x128xi32, #tpu.memory_space<vmem>> -> memref<128xi32, #tpu.memory_space<vmem>>
        %dma_wait3A_127 = tpu.memref_slice %arg3[%multiple_of3A] : memref<320000xi32, #tpu.memory_space<hbm>> -> memref<128xi32, #tpu.memory_space<hbm>>
        %dma_wait3A_128 = arith.constant 0 : i32
        %dma_wait3A_129 = tpu.memref_slice %arg7[%run_scoped3A_88, %dma_wait3A_128] : memref<3x128xi32, #tpu.memory_space<vmem>> -> memref<1x128xi32, #tpu.memory_space<vmem>>
        %dma_wait3A_130 = tpu.memref_squeeze %dma_wait3A_129 : memref<1x128xi32, #tpu.memory_space<vmem>> -> memref<128xi32, #tpu.memory_space<vmem>>
        %dma_wait3A_131 = tpu.memref_slice %arg3[%multiple_of3A] : memref<320000xi32, #tpu.memory_space<hbm>> -> memref<128xi32, #tpu.memory_space<hbm>>
        tpu.wait_dma2 semaphore(%run_scoped3A_115 : memref<!tpu.dma_semaphore, #tpu.memory_space<semaphore_mem>>) src(%dma_wait3A_131 : memref<128xi32, #tpu.memory_space<hbm>>) dst(%dma_wait3A_130 : memref<128xi32, #tpu.memory_space<vmem>>)
        tpu.yield
      }) : () -> ()
      %dma_start3A_89 = arith.constant 0 : i32
      %dma_start3A_90 = arith.constant 0 : i32
      %dma_start3A_91 = arith.constant 0 : i32
      %dma_start3A_92 = arith.constant 0 : i32
      %dma_start3A_93 = tpu.memref_slice %arg9[%dma_start3A_90, %dma_start3A_91, %dma_start3A_92] : memref<3x128x128xf32, #tpu.memory_space<vmem>> -> memref<1x128x128xf32, #tpu.memory_space<vmem>>
      %dma_start3A_94 = tpu.memref_squeeze %dma_start3A_93 : memref<1x128x128xf32, #tpu.memory_space<vmem>> -> memref<128x128xf32, #tpu.memory_space<vmem>>
      %dma_start3A_95 = arith.constant 0 : i32
      %dma_start3A_96 = tpu.memref_slice %arg7[%dma_start3A_89, %dma_start3A_95] : memref<3x128xi32, #tpu.memory_space<vmem>> -> memref<1x128xi32, #tpu.memory_space<vmem>>
      %dma_start3A_97 = tpu.memref_squeeze %dma_start3A_96 : memref<1x128xi32, #tpu.memory_space<vmem>> -> memref<128xi32, #tpu.memory_space<vmem>>
      %dma_start3A_98 = arith.constant 0 : i32
      %dma_start3A_99 = arith.constant 0 : i32
      %dma_start3A_100 = tpu.memref_slice %arg2[%dma_start3A_98, %dma_start3A_99] : memref<10112x128xf32, #tpu.memory_space<hbm>> -> memref<10112x128xf32, #tpu.memory_space<hbm>>
      tpu.enqueue_indirect_dma source(%dma_start3A_100 : memref<10112x128xf32, #tpu.memory_space<hbm>>) target(%dma_start3A_94 : memref<128x128xf32, #tpu.memory_space<vmem>>) offsets(%dma_start3A_97 : memref<128xi32, #tpu.memory_space<vmem>>) semaphore(%arg11 : memref<!tpu.dma_semaphore, #tpu.memory_space<semaphore_mem>>)
      %dma_wait3A_101 = arith.constant 0 : i32
      %dma_wait3A_102 = arith.constant 0 : i32
      %dma_wait3A_103 = arith.constant 0 : i32
      %dma_wait3A_104 = arith.constant 0 : i32
      %dma_wait3A_105 = tpu.memref_slice %arg9[%dma_wait3A_102, %dma_wait3A_103, %dma_wait3A_104] : memref<3x128x128xf32, #tpu.memory_space<vmem>> -> memref<1x128x128xf32, #tpu.memory_space<vmem>>
      %dma_wait3A_106 = tpu.memref_squeeze %dma_wait3A_105 : memref<1x128x128xf32, #tpu.memory_space<vmem>> -> memref<128x128xf32, #tpu.memory_space<vmem>>
      %dma_wait3A_107 = arith.constant 0 : i32
      %dma_wait3A_108 = tpu.memref_slice %arg7[%dma_wait3A_101, %dma_wait3A_107] : memref<3x128xi32, #tpu.memory_space<vmem>> -> memref<1x128xi32, #tpu.memory_space<vmem>>
      %dma_wait3A_109 = tpu.memref_squeeze %dma_wait3A_108 : memref<1x128xi32, #tpu.memory_space<vmem>> -> memref<128xi32, #tpu.memory_space<vmem>>
      %dma_wait3A_110 = arith.constant 0 : i32
      %dma_wait3A_111 = arith.constant 0 : i32
      %dma_wait3A_112 = tpu.memref_slice %arg2[%dma_wait3A_110, %dma_wait3A_111] : memref<10112x128xf32, #tpu.memory_space<hbm>> -> memref<10112x128xf32, #tpu.memory_space<hbm>>
      tpu.wait_indirect_dma semaphore(%arg11 : memref<!tpu.dma_semaphore, #tpu.memory_space<semaphore_mem>>) src(%dma_wait3A_112 : memref<10112x128xf32, #tpu.memory_space<hbm>>) dst(%dma_wait3A_106 : memref<128x128xf32, #tpu.memory_space<vmem>>)
      %run_scoped3A_113 = arith.constant 0 : i32
      %run_scoped3A_114 = arith.constant 0 : i32
      "tpu.region"() ({
        %run_scoped3A_115 = tpu.sem_alloc : memref<!tpu.dma_semaphore, #tpu.memory_space<semaphore_mem>>
        %dma_start3A_116 = arith.constant 0 : i32
        %dma_start3A_117 = arith.constant 0 : i32
        %dma_start3A_118 = tpu.memref_slice %arg9[%run_scoped3A_113, %dma_start3A_116, %dma_start3A_117] : memref<3x128x128xf32, #tpu.memory_space<vmem>> -> memref<1x128x128xf32, #tpu.memory_space<vmem>>
        %dma_start3A_119 = tpu.memref_squeeze %dma_start3A_118 : memref<1x128x128xf32, #tpu.memory_space<vmem>> -> memref<128x128xf32, #tpu.memory_space<vmem>>
        %dma_start3A_120 = arith.constant 0 : i32
        %dma_start3A_121 = tpu.memref_slice %arg8[%run_scoped3A_114, %dma_start3A_120] : memref<3x128xi32, #tpu.memory_space<vmem>> -> memref<1x128xi32, #tpu.memory_space<vmem>>
        %dma_start3A_122 = tpu.memref_squeeze %dma_start3A_121 : memref<1x128xi32, #tpu.memory_space<vmem>> -> memref<128xi32, #tpu.memory_space<vmem>>
        %dma_start3A_123 = arith.constant 0 : i32
        %dma_start3A_124 = arith.constant 0 : i32
        %dma_start3A_125 = tpu.memref_slice %arg10[%dma_start3A_123, %dma_start3A_124] : memref<10112x128xf32, #tpu.memory_space<vmem_shared>> -> memref<10112x128xf32, #tpu.memory_space<vmem_shared>>
        tpu.enqueue_indirect_dma source(%dma_start3A_119 : memref<128x128xf32, #tpu.memory_space<vmem>>) target(%dma_start3A_125 : memref<10112x128xf32, #tpu.memory_space<vmem_shared>>) offsets(%dma_start3A_122 : memref<128xi32, #tpu.memory_space<vmem>>) semaphore(%run_scoped3A_115 : memref<!tpu.dma_semaphore, #tpu.memory_space<semaphore_mem>>) {add = true}
        %dma_wait3A_126 = arith.constant 0 : i32
        %dma_wait3A_127 = arith.constant 0 : i32
        %dma_wait3A_128 = tpu.memref_slice %arg9[%run_scoped3A_113, %dma_wait3A_126, %dma_wait3A_127] : memref<3x128x128xf32, #tpu.memory_space<vmem>> -> memref<1x128x128xf32, #tpu.memory_space<vmem>>
        %dma_wait3A_129 = tpu.memref_squeeze %dma_wait3A_128 : memref<1x128x128xf32, #tpu.memory_space<vmem>> -> memref<128x128xf32, #tpu.memory_space<vmem>>
        %dma_wait3A_130 = arith.constant 0 : i32
        %dma_wait3A_131 = tpu.memref_slice %arg8[%run_scoped3A_114, %dma_wait3A_130] : memref<3x128xi32, #tpu.memory_space<vmem>> -> memref<1x128xi32, #tpu.memory_space<vmem>>
        %dma_wait3A_132 = tpu.memref_squeeze %dma_wait3A_131 : memref<1x128xi32, #tpu.memory_space<vmem>> -> memref<128xi32, #tpu.memory_space<vmem>>
        %dma_wait3A_133 = arith.constant 0 : i32
        %dma_wait3A_134 = arith.constant 0 : i32
        %dma_wait3A_135 = tpu.memref_slice %arg10[%dma_wait3A_133, %dma_wait3A_134] : memref<10112x128xf32, #tpu.memory_space<vmem_shared>> -> memref<10112x128xf32, #tpu.memory_space<vmem_shared>>
        tpu.wait_indirect_dma semaphore(%run_scoped3A_115 : memref<!tpu.dma_semaphore, #tpu.memory_space<semaphore_mem>>) src(%dma_wait3A_129 : memref<128x128xf32, #tpu.memory_space<vmem>>) dst(%dma_wait3A_135 : memref<10112x128xf32, #tpu.memory_space<vmem_shared>>)
        tpu.yield
      }) : () -> ()
    } else {
    }
    %barrier3A_80 = arith.constant 0 : index
    tpu.barrier barrier_id(%barrier3A_80)
    %mul3A_81 = arith.constant 10112 : i32
    %mul3A_82 = arith.muli %arg0, %mul3A_81 : i32
    %add3A_83 = arith.addi %mul3A_82, %mul3A_2 : i32
    "tpu.region"() ({
      %run_scoped3A = tpu.sem_alloc : memref<!tpu.dma_semaphore, #tpu.memory_space<semaphore_mem>>
      %dma_start3A_84 = arith.constant 0 : i32
      %dma_start3A_85 = tpu.memref_slice %arg6[%add3A_83, %dma_start3A_84] : memref<20224x128xf32, #tpu.memory_space<hbm>> -> memref<632x128xf32, #tpu.memory_space<hbm>>
      %dma_start3A_86 = arith.constant 0 : i32
      %dma_start3A_87 = tpu.memref_slice %arg10[%mul3A_2, %dma_start3A_86] : memref<10112x128xf32, #tpu.memory_space<vmem_shared>> -> memref<632x128xf32, #tpu.memory_space<vmem_shared>>
      tpu.enqueue_dma source(%dma_start3A_87 : memref<632x128xf32, #tpu.memory_space<vmem_shared>>) target(%dma_start3A_85 : memref<632x128xf32, #tpu.memory_space<hbm>>) target_semaphore(%run_scoped3A : memref<!tpu.dma_semaphore, #tpu.memory_space<semaphore_mem>>)
      %dma_wait3A_88 = arith.constant 0 : i32
      %dma_wait3A_89 = tpu.memref_slice %arg6[%add3A_83, %dma_wait3A_88] : memref<20224x128xf32, #tpu.memory_space<hbm>> -> memref<632x128xf32, #tpu.memory_space<hbm>>
      %dma_wait3A_90 = arith.constant 0 : i32
      %dma_wait3A_91 = tpu.memref_slice %arg10[%mul3A_2, %dma_wait3A_90] : memref<10112x128xf32, #tpu.memory_space<vmem_shared>> -> memref<632x128xf32, #tpu.memory_space<vmem_shared>>
      tpu.wait_dma2 semaphore(%run_scoped3A : memref<!tpu.dma_semaphore, #tpu.memory_space<semaphore_mem>>) src(%dma_wait3A_91 : memref<632x128xf32, #tpu.memory_space<vmem_shared>>) dst(%dma_wait3A_89 : memref<632x128xf32, #tpu.memory_space<hbm>>)
      tpu.yield
    }) : () -> ()
    return
  }
}

#map = affine_map<(d0, d1) -> (0, 0)>
#map1 = affine_map<(d0, d1) -> (0)>
module attributes {stable_mosaic.version = 14 : i64} {
  func.func @k(%arg0: i32, %arg1: i32, %arg2: memref<128x128xf32, #tpu.memory_space<hbm>>, %arg3: memref<320000xi32, #tpu.memory_space<hbm>>, %arg4: memref<320000xi32, #tpu.memory_space<hbm>>, %arg5: memref<10112x128xf32, #tpu.memory_space<hbm>>, %arg6: memref<20224x128xf32, #tpu.memory_space<hbm>>, %arg7: memref<128xi32, #tpu.memory_space<vmem>>, %arg8: memref<2x128xi32, #tpu.memory_space<vmem>>, %arg9: memref<128x128xf32, #tpu.memory_space<vmem>>, %arg10: memref<10112x128xf32, #tpu.memory_space<vmem_shared>>, %arg11: memref<!tpu.dma_semaphore, #tpu.memory_space<semaphore_mem>>, %arg12: memref<!tpu.dma_semaphore, #tpu.memory_space<semaphore_mem>>) attributes {dimension_semantics = [#tpu.dimension_semantics<core_parallel>, #tpu.dimension_semantics<subcore_parallel>], iteration_bounds = array<i64: 2, 16>, scalar_prefetch = 0 : i64, scratch_operands = 6 : i64, tpu.core_type = #tpu.core_type<sc_vector_subcore>, window_params = [{transform_indices = #map}, {transform_indices = #map1}, {transform_indices = #map1}, {transform_indices = #map}, {transform_indices = #map}]} {
    %mul3A = arith.constant 16 : i32
    %mul3A_0 = arith.muli %arg0, %mul3A : i32
    %add3A = arith.addi %mul3A_0, %arg1 : i32
    %mul3A_1 = arith.constant 632 : i32
    %mul3A_2 = arith.muli %arg1, %mul3A_1 : i32
    "tpu.region"() ({
      %run_scoped3A = tpu.sem_alloc : memref<!tpu.dma_semaphore, #tpu.memory_space<semaphore_mem>>
      %dma_start3A = arith.constant 0 : i32
      %dma_start3A_25 = tpu.memref_slice %arg10[%mul3A_2, %dma_start3A] : memref<10112x128xf32, #tpu.memory_space<vmem_shared>> -> memref<632x128xf32, #tpu.memory_space<vmem_shared>>
      %dma_start3A_26 = arith.constant 0 : i32
      %dma_start3A_27 = tpu.memref_slice %arg5[%mul3A_2, %dma_start3A_26] : memref<10112x128xf32, #tpu.memory_space<hbm>> -> memref<632x128xf32, #tpu.memory_space<hbm>>
      tpu.enqueue_dma source(%dma_start3A_27 : memref<632x128xf32, #tpu.memory_space<hbm>>) target(%dma_start3A_25 : memref<632x128xf32, #tpu.memory_space<vmem_shared>>) target_semaphore(%run_scoped3A : memref<!tpu.dma_semaphore, #tpu.memory_space<semaphore_mem>>)
      %dma_wait3A_28 = arith.constant 0 : i32
      %dma_wait3A_29 = tpu.memref_slice %arg10[%mul3A_2, %dma_wait3A_28] : memref<10112x128xf32, #tpu.memory_space<vmem_shared>> -> memref<632x128xf32, #tpu.memory_space<vmem_shared>>
      %dma_wait3A_30 = arith.constant 0 : i32
      %dma_wait3A_31 = tpu.memref_slice %arg5[%mul3A_2, %dma_wait3A_30] : memref<10112x128xf32, #tpu.memory_space<hbm>> -> memref<632x128xf32, #tpu.memory_space<hbm>>
      tpu.wait_dma2 semaphore(%run_scoped3A : memref<!tpu.dma_semaphore, #tpu.memory_space<semaphore_mem>>) src(%dma_wait3A_31 : memref<632x128xf32, #tpu.memory_space<hbm>>) dst(%dma_wait3A_29 : memref<632x128xf32, #tpu.memory_space<vmem_shared>>)
      tpu.yield
    }) : () -> ()
    "tpu.region"() ({
      %run_scoped3A = tpu.sem_alloc : memref<!tpu.dma_semaphore, #tpu.memory_space<semaphore_mem>>
      tpu.enqueue_dma source(%arg2 : memref<128x128xf32, #tpu.memory_space<hbm>>) target(%arg9 : memref<128x128xf32, #tpu.memory_space<vmem>>) target_semaphore(%run_scoped3A : memref<!tpu.dma_semaphore, #tpu.memory_space<semaphore_mem>>)
      tpu.wait_dma2 semaphore(%run_scoped3A : memref<!tpu.dma_semaphore, #tpu.memory_space<semaphore_mem>>) src(%arg2 : memref<128x128xf32, #tpu.memory_space<hbm>>) dst(%arg9 : memref<128x128xf32, #tpu.memory_space<vmem>>)
      tpu.yield
    }) : () -> ()
    %barrier3A = arith.constant 0 : index
    tpu.barrier barrier_id(%barrier3A)
    %scan3A = arith.constant 0 : i32
    %scan3A_3 = arith.constant 0 : i32
    %scan3A_4 = arith.constant 39 : i32
    %scan3A_5 = arith.addi %scan3A_3, %scan3A_4 : i32
    %scan3A_6 = arith.constant 1 : i32
    scf.for %scan3A_25 = %scan3A_3 to %scan3A_5 step %scan3A_6  : i32 {
      %gt3A = arith.constant 0 : i32
      %gt3A_26 = arith.cmpi sgt, %scan3A_25, %gt3A : i32
      %convert_element_type3A_27 = arith.extui %gt3A_26 : i1 to i32
      %cond3A_28 = arith.constant 0 : i32
      %cond3A_29 = arith.cmpi ne, %convert_element_type3A_27, %cond3A_28 : i32
      scf.if %cond3A_29 {
        %dma_wait3A_68 = arith.constant 0 : i32
        %dma_wait3A_69 = arith.constant 0 : i32
        %dma_wait3A_70 = tpu.memref_slice %arg5[%dma_wait3A_68, %dma_wait3A_69] : memref<10112x128xf32, #tpu.memory_space<hbm>> -> memref<128x128xf32, #tpu.memory_space<hbm>>
        %dma_wait3A_71 = arith.constant 0 : i32
        %dma_wait3A_72 = arith.constant 0 : i32
        %dma_wait3A_73 = tpu.memref_slice %arg5[%dma_wait3A_71, %dma_wait3A_72] : memref<10112x128xf32, #tpu.memory_space<hbm>> -> memref<128x128xf32, #tpu.memory_space<hbm>>
        tpu.wait_dma2 semaphore(%arg11 : memref<!tpu.dma_semaphore, #tpu.memory_space<semaphore_mem>>) src(%dma_wait3A_73 : memref<128x128xf32, #tpu.memory_space<hbm>>) dst(%arg9 : memref<128x128xf32, #tpu.memory_space<vmem>>)
      } else {
      }
      %mul3A_30 = arith.constant 2 : i32
      %mul3A_31 = arith.muli %mul3A_30, %scan3A_25 : i32
      %add3A_32 = arith.constant 0 : i32
      %add3A_33 = arith.addi %mul3A_31, %add3A_32 : i32
      %mul3A_34 = arith.constant 32 : i32
      %mul3A_35 = arith.muli %add3A_33, %mul3A_34 : i32
      %add3A_36 = arith.addi %add3A, %mul3A_35 : i32
      %mul3A_37 = arith.constant 128 : i32
      %mul3A_38 = arith.muli %add3A_36, %mul3A_37 : i32
      %multiple_of3A = tpu.assume_multiple %mul3A_38, 128 : i32
      %run_scoped3A = arith.constant 0 : i32
      "tpu.region"() ({
        %run_scoped3A_68 = tpu.sem_alloc : memref<!tpu.dma_semaphore, #tpu.memory_space<semaphore_mem>>
        %dma_start3A_69 = arith.constant 0 : i32
        %dma_start3A_70 = tpu.memref_slice %arg8[%run_scoped3A, %dma_start3A_69] : memref<2x128xi32, #tpu.memory_space<vmem>> -> memref<1x128xi32, #tpu.memory_space<vmem>>
        %dma_start3A_71 = tpu.memref_squeeze %dma_start3A_70 : memref<1x128xi32, #tpu.memory_space<vmem>> -> memref<128xi32, #tpu.memory_space<vmem>>
        %dma_start3A_72 = tpu.memref_slice %arg4[%multiple_of3A] : memref<320000xi32, #tpu.memory_space<hbm>> -> memref<128xi32, #tpu.memory_space<hbm>>
        %dma_start3A_73 = arith.constant 0 : i32
        %dma_start3A_74 = tpu.memref_slice %arg8[%run_scoped3A, %dma_start3A_73] : memref<2x128xi32, #tpu.memory_space<vmem>> -> memref<1x128xi32, #tpu.memory_space<vmem>>
        %dma_start3A_75 = tpu.memref_squeeze %dma_start3A_74 : memref<1x128xi32, #tpu.memory_space<vmem>> -> memref<128xi32, #tpu.memory_space<vmem>>
        %dma_start3A_76 = tpu.memref_slice %arg4[%multiple_of3A] : memref<320000xi32, #tpu.memory_space<hbm>> -> memref<128xi32, #tpu.memory_space<hbm>>
        tpu.enqueue_dma source(%dma_start3A_76 : memref<128xi32, #tpu.memory_space<hbm>>) target(%dma_start3A_75 : memref<128xi32, #tpu.memory_space<vmem>>) target_semaphore(%run_scoped3A_68 : memref<!tpu.dma_semaphore, #tpu.memory_space<semaphore_mem>>)
        %dma_wait3A_77 = arith.constant 0 : i32
        %dma_wait3A_78 = tpu.memref_slice %arg8[%run_scoped3A, %dma_wait3A_77] : memref<2x128xi32, #tpu.memory_space<vmem>> -> memref<1x128xi32, #tpu.memory_space<vmem>>
        %dma_wait3A_79 = tpu.memref_squeeze %dma_wait3A_78 : memref<1x128xi32, #tpu.memory_space<vmem>> -> memref<128xi32, #tpu.memory_space<vmem>>
        %dma_wait3A_80 = tpu.memref_slice %arg4[%multiple_of3A] : memref<320000xi32, #tpu.memory_space<hbm>> -> memref<128xi32, #tpu.memory_space<hbm>>
        %dma_wait3A_81 = arith.constant 0 : i32
        %dma_wait3A_82 = tpu.memref_slice %arg8[%run_scoped3A, %dma_wait3A_81] : memref<2x128xi32, #tpu.memory_space<vmem>> -> memref<1x128xi32, #tpu.memory_space<vmem>>
        %dma_wait3A_83 = tpu.memref_squeeze %dma_wait3A_82 : memref<1x128xi32, #tpu.memory_space<vmem>> -> memref<128xi32, #tpu.memory_space<vmem>>
        %dma_wait3A_84 = tpu.memref_slice %arg4[%multiple_of3A] : memref<320000xi32, #tpu.memory_space<hbm>> -> memref<128xi32, #tpu.memory_space<hbm>>
        tpu.wait_dma2 semaphore(%run_scoped3A_68 : memref<!tpu.dma_semaphore, #tpu.memory_space<semaphore_mem>>) src(%dma_wait3A_84 : memref<128xi32, #tpu.memory_space<hbm>>) dst(%dma_wait3A_83 : memref<128xi32, #tpu.memory_space<vmem>>)
        tpu.yield
      }) : () -> ()
      %dma_start3A = arith.constant 0 : i32
      %dma_start3A_39 = arith.constant 0 : i32
      %dma_start3A_40 = tpu.memref_slice %arg8[%dma_start3A, %dma_start3A_39] : memref<2x128xi32, #tpu.memory_space<vmem>> -> memref<1x128xi32, #tpu.memory_space<vmem>>
      %dma_start3A_41 = tpu.memref_squeeze %dma_start3A_40 : memref<1x128xi32, #tpu.memory_space<vmem>> -> memref<128xi32, #tpu.memory_space<vmem>>
      %dma_start3A_42 = arith.constant 0 : i32
      %dma_start3A_43 = arith.constant 0 : i32
      %dma_start3A_44 = tpu.memref_slice %arg10[%dma_start3A_42, %dma_start3A_43] : memref<10112x128xf32, #tpu.memory_space<vmem_shared>> -> memref<10112x128xf32, #tpu.memory_space<vmem_shared>>
      tpu.enqueue_indirect_dma source(%arg9 : memref<128x128xf32, #tpu.memory_space<vmem>>) target(%dma_start3A_44 : memref<10112x128xf32, #tpu.memory_space<vmem_shared>>) offsets(%dma_start3A_41 : memref<128xi32, #tpu.memory_space<vmem>>) semaphore(%arg11 : memref<!tpu.dma_semaphore, #tpu.memory_space<semaphore_mem>>) {add = true}
      %gt3A_45 = arith.constant 0 : i32
      %gt3A_46 = arith.cmpi sgt, %scan3A_25, %gt3A_45 : i32
      %convert_element_type3A_47 = arith.extui %gt3A_46 : i1 to i32
      %cond3A_48 = arith.constant 0 : i32
      %cond3A_49 = arith.cmpi ne, %convert_element_type3A_47, %cond3A_48 : i32
      scf.if %cond3A_49 {
        %dma_wait3A_68 = arith.constant 0 : i32
        %dma_wait3A_69 = arith.constant 0 : i32
        %dma_wait3A_70 = tpu.memref_slice %arg5[%dma_wait3A_68, %dma_wait3A_69] : memref<10112x128xf32, #tpu.memory_space<hbm>> -> memref<128x128xf32, #tpu.memory_space<hbm>>
        %dma_wait3A_71 = arith.constant 0 : i32
        %dma_wait3A_72 = arith.constant 0 : i32
        %dma_wait3A_73 = tpu.memref_slice %arg5[%dma_wait3A_71, %dma_wait3A_72] : memref<10112x128xf32, #tpu.memory_space<hbm>> -> memref<128x128xf32, #tpu.memory_space<hbm>>
        tpu.wait_dma2 semaphore(%arg12 : memref<!tpu.dma_semaphore, #tpu.memory_space<semaphore_mem>>) src(%dma_wait3A_73 : memref<128x128xf32, #tpu.memory_space<hbm>>) dst(%arg9 : memref<128x128xf32, #tpu.memory_space<vmem>>)
      } else {
      }
      %mul3A_50 = arith.constant 2 : i32
      %mul3A_51 = arith.muli %mul3A_50, %scan3A_25 : i32
      %add3A_52 = arith.constant 1 : i32
      %add3A_53 = arith.addi %mul3A_51, %add3A_52 : i32
      %mul3A_54 = arith.constant 32 : i32
      %mul3A_55 = arith.muli %add3A_53, %mul3A_54 : i32
      %add3A_56 = arith.addi %add3A, %mul3A_55 : i32
      %mul3A_57 = arith.constant 128 : i32
      %mul3A_58 = arith.muli %add3A_56, %mul3A_57 : i32
      %multiple_of3A_59 = tpu.assume_multiple %mul3A_58, 128 : i32
      %run_scoped3A_60 = arith.constant 1 : i32
      "tpu.region"() ({
        %run_scoped3A_68 = tpu.sem_alloc : memref<!tpu.dma_semaphore, #tpu.memory_space<semaphore_mem>>
        %dma_start3A_69 = arith.constant 0 : i32
        %dma_start3A_70 = tpu.memref_slice %arg8[%run_scoped3A_60, %dma_start3A_69] : memref<2x128xi32, #tpu.memory_space<vmem>> -> memref<1x128xi32, #tpu.memory_space<vmem>>
        %dma_start3A_71 = tpu.memref_squeeze %dma_start3A_70 : memref<1x128xi32, #tpu.memory_space<vmem>> -> memref<128xi32, #tpu.memory_space<vmem>>
        %dma_start3A_72 = tpu.memref_slice %arg4[%multiple_of3A_59] : memref<320000xi32, #tpu.memory_space<hbm>> -> memref<128xi32, #tpu.memory_space<hbm>>
        %dma_start3A_73 = arith.constant 0 : i32
        %dma_start3A_74 = tpu.memref_slice %arg8[%run_scoped3A_60, %dma_start3A_73] : memref<2x128xi32, #tpu.memory_space<vmem>> -> memref<1x128xi32, #tpu.memory_space<vmem>>
        %dma_start3A_75 = tpu.memref_squeeze %dma_start3A_74 : memref<1x128xi32, #tpu.memory_space<vmem>> -> memref<128xi32, #tpu.memory_space<vmem>>
        %dma_start3A_76 = tpu.memref_slice %arg4[%multiple_of3A_59] : memref<320000xi32, #tpu.memory_space<hbm>> -> memref<128xi32, #tpu.memory_space<hbm>>
        tpu.enqueue_dma source(%dma_start3A_76 : memref<128xi32, #tpu.memory_space<hbm>>) target(%dma_start3A_75 : memref<128xi32, #tpu.memory_space<vmem>>) target_semaphore(%run_scoped3A_68 : memref<!tpu.dma_semaphore, #tpu.memory_space<semaphore_mem>>)
        %dma_wait3A_77 = arith.constant 0 : i32
        %dma_wait3A_78 = tpu.memref_slice %arg8[%run_scoped3A_60, %dma_wait3A_77] : memref<2x128xi32, #tpu.memory_space<vmem>> -> memref<1x128xi32, #tpu.memory_space<vmem>>
        %dma_wait3A_79 = tpu.memref_squeeze %dma_wait3A_78 : memref<1x128xi32, #tpu.memory_space<vmem>> -> memref<128xi32, #tpu.memory_space<vmem>>
        %dma_wait3A_80 = tpu.memref_slice %arg4[%multiple_of3A_59] : memref<320000xi32, #tpu.memory_space<hbm>> -> memref<128xi32, #tpu.memory_space<hbm>>
        %dma_wait3A_81 = arith.constant 0 : i32
        %dma_wait3A_82 = tpu.memref_slice %arg8[%run_scoped3A_60, %dma_wait3A_81] : memref<2x128xi32, #tpu.memory_space<vmem>> -> memref<1x128xi32, #tpu.memory_space<vmem>>
        %dma_wait3A_83 = tpu.memref_squeeze %dma_wait3A_82 : memref<1x128xi32, #tpu.memory_space<vmem>> -> memref<128xi32, #tpu.memory_space<vmem>>
        %dma_wait3A_84 = tpu.memref_slice %arg4[%multiple_of3A_59] : memref<320000xi32, #tpu.memory_space<hbm>> -> memref<128xi32, #tpu.memory_space<hbm>>
        tpu.wait_dma2 semaphore(%run_scoped3A_68 : memref<!tpu.dma_semaphore, #tpu.memory_space<semaphore_mem>>) src(%dma_wait3A_84 : memref<128xi32, #tpu.memory_space<hbm>>) dst(%dma_wait3A_83 : memref<128xi32, #tpu.memory_space<vmem>>)
        tpu.yield
      }) : () -> ()
      %dma_start3A_61 = arith.constant 1 : i32
      %dma_start3A_62 = arith.constant 0 : i32
      %dma_start3A_63 = tpu.memref_slice %arg8[%dma_start3A_61, %dma_start3A_62] : memref<2x128xi32, #tpu.memory_space<vmem>> -> memref<1x128xi32, #tpu.memory_space<vmem>>
      %dma_start3A_64 = tpu.memref_squeeze %dma_start3A_63 : memref<1x128xi32, #tpu.memory_space<vmem>> -> memref<128xi32, #tpu.memory_space<vmem>>
      %dma_start3A_65 = arith.constant 0 : i32
      %dma_start3A_66 = arith.constant 0 : i32
      %dma_start3A_67 = tpu.memref_slice %arg10[%dma_start3A_65, %dma_start3A_66] : memref<10112x128xf32, #tpu.memory_space<vmem_shared>> -> memref<10112x128xf32, #tpu.memory_space<vmem_shared>>
      tpu.enqueue_indirect_dma source(%arg9 : memref<128x128xf32, #tpu.memory_space<vmem>>) target(%dma_start3A_67 : memref<10112x128xf32, #tpu.memory_space<vmem_shared>>) offsets(%dma_start3A_64 : memref<128xi32, #tpu.memory_space<vmem>>) semaphore(%arg12 : memref<!tpu.dma_semaphore, #tpu.memory_space<semaphore_mem>>) {add = true}
    }
    %scan3A_7 = arith.constant 39 : i32
    %dma_wait3A = arith.constant 0 : i32
    %dma_wait3A_8 = arith.constant 0 : i32
    %dma_wait3A_9 = tpu.memref_slice %arg5[%dma_wait3A, %dma_wait3A_8] : memref<10112x128xf32, #tpu.memory_space<hbm>> -> memref<128x128xf32, #tpu.memory_space<hbm>>
    %dma_wait3A_10 = arith.constant 0 : i32
    %dma_wait3A_11 = arith.constant 0 : i32
    %dma_wait3A_12 = tpu.memref_slice %arg5[%dma_wait3A_10, %dma_wait3A_11] : memref<10112x128xf32, #tpu.memory_space<hbm>> -> memref<128x128xf32, #tpu.memory_space<hbm>>
    tpu.wait_dma2 semaphore(%arg11 : memref<!tpu.dma_semaphore, #tpu.memory_space<semaphore_mem>>) src(%dma_wait3A_12 : memref<128x128xf32, #tpu.memory_space<hbm>>) dst(%arg9 : memref<128x128xf32, #tpu.memory_space<vmem>>)
    %dma_wait3A_13 = arith.constant 0 : i32
    %dma_wait3A_14 = arith.constant 0 : i32
    %dma_wait3A_15 = tpu.memref_slice %arg5[%dma_wait3A_13, %dma_wait3A_14] : memref<10112x128xf32, #tpu.memory_space<hbm>> -> memref<128x128xf32, #tpu.memory_space<hbm>>
    %dma_wait3A_16 = arith.constant 0 : i32
    %dma_wait3A_17 = arith.constant 0 : i32
    %dma_wait3A_18 = tpu.memref_slice %arg5[%dma_wait3A_16, %dma_wait3A_17] : memref<10112x128xf32, #tpu.memory_space<hbm>> -> memref<128x128xf32, #tpu.memory_space<hbm>>
    tpu.wait_dma2 semaphore(%arg12 : memref<!tpu.dma_semaphore, #tpu.memory_space<semaphore_mem>>) src(%dma_wait3A_18 : memref<128x128xf32, #tpu.memory_space<hbm>>) dst(%arg9 : memref<128x128xf32, #tpu.memory_space<vmem>>)
    %lt3A = arith.constant 4 : i32
    %lt3A_19 = arith.cmpi slt, %add3A, %lt3A : i32
    %convert_element_type3A = arith.extui %lt3A_19 : i1 to i32
    %cond3A = arith.constant 0 : i32
    %cond3A_20 = arith.cmpi ne, %convert_element_type3A, %cond3A : i32
    scf.if %cond3A_20 {
      %add3A_25 = arith.constant 2496 : i32
      %add3A_26 = arith.addi %add3A, %add3A_25 : i32
      %mul3A_27 = arith.constant 128 : i32
      %mul3A_28 = arith.muli %add3A_26, %mul3A_27 : i32
      %multiple_of3A = tpu.assume_multiple %mul3A_28, 128 : i32
      %run_scoped3A = arith.constant 0 : i32
      "tpu.region"() ({
        %run_scoped3A_30 = tpu.sem_alloc : memref<!tpu.dma_semaphore, #tpu.memory_space<semaphore_mem>>
        %dma_start3A = arith.constant 0 : i32
        %dma_start3A_31 = tpu.memref_slice %arg8[%run_scoped3A, %dma_start3A] : memref<2x128xi32, #tpu.memory_space<vmem>> -> memref<1x128xi32, #tpu.memory_space<vmem>>
        %dma_start3A_32 = tpu.memref_squeeze %dma_start3A_31 : memref<1x128xi32, #tpu.memory_space<vmem>> -> memref<128xi32, #tpu.memory_space<vmem>>
        %dma_start3A_33 = tpu.memref_slice %arg4[%multiple_of3A] : memref<320000xi32, #tpu.memory_space<hbm>> -> memref<128xi32, #tpu.memory_space<hbm>>
        %dma_start3A_34 = arith.constant 0 : i32
        %dma_start3A_35 = tpu.memref_slice %arg8[%run_scoped3A, %dma_start3A_34] : memref<2x128xi32, #tpu.memory_space<vmem>> -> memref<1x128xi32, #tpu.memory_space<vmem>>
        %dma_start3A_36 = tpu.memref_squeeze %dma_start3A_35 : memref<1x128xi32, #tpu.memory_space<vmem>> -> memref<128xi32, #tpu.memory_space<vmem>>
        %dma_start3A_37 = tpu.memref_slice %arg4[%multiple_of3A] : memref<320000xi32, #tpu.memory_space<hbm>> -> memref<128xi32, #tpu.memory_space<hbm>>
        tpu.enqueue_dma source(%dma_start3A_37 : memref<128xi32, #tpu.memory_space<hbm>>) target(%dma_start3A_36 : memref<128xi32, #tpu.memory_space<vmem>>) target_semaphore(%run_scoped3A_30 : memref<!tpu.dma_semaphore, #tpu.memory_space<semaphore_mem>>)
        %dma_wait3A_38 = arith.constant 0 : i32
        %dma_wait3A_39 = tpu.memref_slice %arg8[%run_scoped3A, %dma_wait3A_38] : memref<2x128xi32, #tpu.memory_space<vmem>> -> memref<1x128xi32, #tpu.memory_space<vmem>>
        %dma_wait3A_40 = tpu.memref_squeeze %dma_wait3A_39 : memref<1x128xi32, #tpu.memory_space<vmem>> -> memref<128xi32, #tpu.memory_space<vmem>>
        %dma_wait3A_41 = tpu.memref_slice %arg4[%multiple_of3A] : memref<320000xi32, #tpu.memory_space<hbm>> -> memref<128xi32, #tpu.memory_space<hbm>>
        %dma_wait3A_42 = arith.constant 0 : i32
        %dma_wait3A_43 = tpu.memref_slice %arg8[%run_scoped3A, %dma_wait3A_42] : memref<2x128xi32, #tpu.memory_space<vmem>> -> memref<1x128xi32, #tpu.memory_space<vmem>>
        %dma_wait3A_44 = tpu.memref_squeeze %dma_wait3A_43 : memref<1x128xi32, #tpu.memory_space<vmem>> -> memref<128xi32, #tpu.memory_space<vmem>>
        %dma_wait3A_45 = tpu.memref_slice %arg4[%multiple_of3A] : memref<320000xi32, #tpu.memory_space<hbm>> -> memref<128xi32, #tpu.memory_space<hbm>>
        tpu.wait_dma2 semaphore(%run_scoped3A_30 : memref<!tpu.dma_semaphore, #tpu.memory_space<semaphore_mem>>) src(%dma_wait3A_45 : memref<128xi32, #tpu.memory_space<hbm>>) dst(%dma_wait3A_44 : memref<128xi32, #tpu.memory_space<vmem>>)
        tpu.yield
      }) : () -> ()
      %run_scoped3A_29 = arith.constant 0 : i32
      "tpu.region"() ({
        %run_scoped3A_30 = tpu.sem_alloc : memref<!tpu.dma_semaphore, #tpu.memory_space<semaphore_mem>>
        %dma_start3A = arith.constant 0 : i32
        %dma_start3A_31 = tpu.memref_slice %arg8[%run_scoped3A_29, %dma_start3A] : memref<2x128xi32, #tpu.memory_space<vmem>> -> memref<1x128xi32, #tpu.memory_space<vmem>>
        %dma_start3A_32 = tpu.memref_squeeze %dma_start3A_31 : memref<1x128xi32, #tpu.memory_space<vmem>> -> memref<128xi32, #tpu.memory_space<vmem>>
        %dma_start3A_33 = arith.constant 0 : i32
        %dma_start3A_34 = arith.constant 0 : i32
        %dma_start3A_35 = tpu.memref_slice %arg10[%dma_start3A_33, %dma_start3A_34] : memref<10112x128xf32, #tpu.memory_space<vmem_shared>> -> memref<10112x128xf32, #tpu.memory_space<vmem_shared>>
        tpu.enqueue_indirect_dma source(%arg9 : memref<128x128xf32, #tpu.memory_space<vmem>>) target(%dma_start3A_35 : memref<10112x128xf32, #tpu.memory_space<vmem_shared>>) offsets(%dma_start3A_32 : memref<128xi32, #tpu.memory_space<vmem>>) semaphore(%run_scoped3A_30 : memref<!tpu.dma_semaphore, #tpu.memory_space<semaphore_mem>>) {add = true}
        %dma_wait3A_36 = arith.constant 0 : i32
        %dma_wait3A_37 = tpu.memref_slice %arg8[%run_scoped3A_29, %dma_wait3A_36] : memref<2x128xi32, #tpu.memory_space<vmem>> -> memref<1x128xi32, #tpu.memory_space<vmem>>
        %dma_wait3A_38 = tpu.memref_squeeze %dma_wait3A_37 : memref<1x128xi32, #tpu.memory_space<vmem>> -> memref<128xi32, #tpu.memory_space<vmem>>
        %dma_wait3A_39 = arith.constant 0 : i32
        %dma_wait3A_40 = arith.constant 0 : i32
        %dma_wait3A_41 = tpu.memref_slice %arg10[%dma_wait3A_39, %dma_wait3A_40] : memref<10112x128xf32, #tpu.memory_space<vmem_shared>> -> memref<10112x128xf32, #tpu.memory_space<vmem_shared>>
        tpu.wait_indirect_dma semaphore(%run_scoped3A_30 : memref<!tpu.dma_semaphore, #tpu.memory_space<semaphore_mem>>) src(%arg9 : memref<128x128xf32, #tpu.memory_space<vmem>>) dst(%dma_wait3A_41 : memref<10112x128xf32, #tpu.memory_space<vmem_shared>>)
        tpu.yield
      }) : () -> ()
    } else {
    }
    %barrier3A_21 = arith.constant 0 : index
    tpu.barrier barrier_id(%barrier3A_21)
    %mul3A_22 = arith.constant 10112 : i32
    %mul3A_23 = arith.muli %arg0, %mul3A_22 : i32
    %add3A_24 = arith.addi %mul3A_23, %mul3A_2 : i32
    "tpu.region"() ({
      %run_scoped3A = tpu.sem_alloc : memref<!tpu.dma_semaphore, #tpu.memory_space<semaphore_mem>>
      %dma_start3A = arith.constant 0 : i32
      %dma_start3A_25 = tpu.memref_slice %arg6[%add3A_24, %dma_start3A] : memref<20224x128xf32, #tpu.memory_space<hbm>> -> memref<632x128xf32, #tpu.memory_space<hbm>>
      %dma_start3A_26 = arith.constant 0 : i32
      %dma_start3A_27 = tpu.memref_slice %arg10[%mul3A_2, %dma_start3A_26] : memref<10112x128xf32, #tpu.memory_space<vmem_shared>> -> memref<632x128xf32, #tpu.memory_space<vmem_shared>>
      tpu.enqueue_dma source(%dma_start3A_27 : memref<632x128xf32, #tpu.memory_space<vmem_shared>>) target(%dma_start3A_25 : memref<632x128xf32, #tpu.memory_space<hbm>>) target_semaphore(%run_scoped3A : memref<!tpu.dma_semaphore, #tpu.memory_space<semaphore_mem>>)
      %dma_wait3A_28 = arith.constant 0 : i32
      %dma_wait3A_29 = tpu.memref_slice %arg6[%add3A_24, %dma_wait3A_28] : memref<20224x128xf32, #tpu.memory_space<hbm>> -> memref<632x128xf32, #tpu.memory_space<hbm>>
      %dma_wait3A_30 = arith.constant 0 : i32
      %dma_wait3A_31 = tpu.memref_slice %arg10[%mul3A_2, %dma_wait3A_30] : memref<10112x128xf32, #tpu.memory_space<vmem_shared>> -> memref<632x128xf32, #tpu.memory_space<vmem_shared>>
      tpu.wait_dma2 semaphore(%run_scoped3A : memref<!tpu.dma_semaphore, #tpu.memory_space<semaphore_mem>>) src(%dma_wait3A_31 : memref<632x128xf32, #tpu.memory_space<vmem_shared>>) dst(%dma_wait3A_29 : memref<632x128xf32, #tpu.memory_space<hbm>>)
      tpu.yield
    }) : () -> ()
    return
  }
}

#map = affine_map<(d0, d1) -> (0, 0)>
#map1 = affine_map<(d0, d1) -> (0)>
module attributes {stable_mosaic.version = 14 : i64} {
  func.func @k(%arg0: i32, %arg1: i32, %arg2: memref<10000x128xf32, #tpu.memory_space<hbm>>, %arg3: memref<320000xi32, #tpu.memory_space<hbm>>, %arg4: memref<320000xi32, #tpu.memory_space<hbm>>, %arg5: memref<10112x128xf32, #tpu.memory_space<hbm>>, %arg6: memref<20224x128xf32, #tpu.memory_space<hbm>>, %arg7: memref<3x128xi32, #tpu.memory_space<vmem>>, %arg8: memref<3x128xi32, #tpu.memory_space<vmem>>, %arg9: memref<3x128x128xf32, #tpu.memory_space<vmem>>, %arg10: memref<10112x128xf32, #tpu.memory_space<vmem_shared>>, %arg11: memref<!tpu.dma_semaphore, #tpu.memory_space<semaphore_mem>>, %arg12: memref<!tpu.dma_semaphore, #tpu.memory_space<semaphore_mem>>, %arg13: memref<!tpu.dma_semaphore, #tpu.memory_space<semaphore_mem>>, %arg14: memref<!tpu.dma_semaphore, #tpu.memory_space<semaphore_mem>>, %arg15: memref<!tpu.dma_semaphore, #tpu.memory_space<semaphore_mem>>, %arg16: memref<!tpu.dma_semaphore, #tpu.memory_space<semaphore_mem>>) attributes {dimension_semantics = [#tpu.dimension_semantics<core_parallel>, #tpu.dimension_semantics<subcore_parallel>], iteration_bounds = array<i64: 2, 16>, scalar_prefetch = 0 : i64, scratch_operands = 10 : i64, tpu.core_type = #tpu.core_type<sc_vector_subcore>, window_params = [{transform_indices = #map}, {transform_indices = #map1}, {transform_indices = #map1}, {transform_indices = #map}, {transform_indices = #map}]} {
    %mul3A = arith.constant 16 : i32
    %mul3A_0 = arith.muli %arg0, %mul3A : i32
    %add3A = arith.addi %mul3A_0, %arg1 : i32
    %mul3A_1 = arith.constant 632 : i32
    %mul3A_2 = arith.muli %arg1, %mul3A_1 : i32
    "tpu.region"() ({
      %run_scoped3A = tpu.sem_alloc : memref<!tpu.dma_semaphore, #tpu.memory_space<semaphore_mem>>
      %dma_start3A_84 = arith.constant 0 : i32
      %dma_start3A_85 = tpu.memref_slice %arg10[%mul3A_2, %dma_start3A_84] : memref<10112x128xf32, #tpu.memory_space<vmem_shared>> -> memref<632x128xf32, #tpu.memory_space<vmem_shared>>
      %dma_start3A_86 = arith.constant 0 : i32
      %dma_start3A_87 = tpu.memref_slice %arg5[%mul3A_2, %dma_start3A_86] : memref<10112x128xf32, #tpu.memory_space<hbm>> -> memref<632x128xf32, #tpu.memory_space<hbm>>
      tpu.enqueue_dma source(%dma_start3A_87 : memref<632x128xf32, #tpu.memory_space<hbm>>) target(%dma_start3A_85 : memref<632x128xf32, #tpu.memory_space<vmem_shared>>) target_semaphore(%run_scoped3A : memref<!tpu.dma_semaphore, #tpu.memory_space<semaphore_mem>>)
      %dma_wait3A_88 = arith.constant 0 : i32
      %dma_wait3A_89 = tpu.memref_slice %arg10[%mul3A_2, %dma_wait3A_88] : memref<10112x128xf32, #tpu.memory_space<vmem_shared>> -> memref<632x128xf32, #tpu.memory_space<vmem_shared>>
      %dma_wait3A_90 = arith.constant 0 : i32
      %dma_wait3A_91 = tpu.memref_slice %arg5[%mul3A_2, %dma_wait3A_90] : memref<10112x128xf32, #tpu.memory_space<hbm>> -> memref<632x128xf32, #tpu.memory_space<hbm>>
      tpu.wait_dma2 semaphore(%run_scoped3A : memref<!tpu.dma_semaphore, #tpu.memory_space<semaphore_mem>>) src(%dma_wait3A_91 : memref<632x128xf32, #tpu.memory_space<hbm>>) dst(%dma_wait3A_89 : memref<632x128xf32, #tpu.memory_space<vmem_shared>>)
      tpu.yield
    }) : () -> ()
    %barrier3A = arith.constant 0 : index
    tpu.barrier barrier_id(%barrier3A)
    %scan3A = arith.constant 0 : i32
    %scan3A_3 = arith.constant 0 : i32
    %scan3A_4 = arith.constant 26 : i32
    %scan3A_5 = arith.addi %scan3A_3, %scan3A_4 : i32
    %scan3A_6 = arith.constant 1 : i32
    scf.for %scan3A_84 = %scan3A_3 to %scan3A_5 step %scan3A_6  : i32 {
      %gt3A = arith.constant 0 : i32
      %gt3A_85 = arith.cmpi sgt, %scan3A_84, %gt3A : i32
      %convert_element_type3A_86 = arith.extui %gt3A_85 : i1 to i32
      %cond3A_87 = arith.constant 0 : i32
      %cond3A_88 = arith.cmpi ne, %convert_element_type3A_86, %cond3A_87 : i32
      scf.if %cond3A_88 {
        %dma_wait3A_228 = arith.constant 0 : i32
        %dma_wait3A_229 = arith.constant 0 : i32
        %dma_wait3A_230 = arith.constant 0 : i32
        %dma_wait3A_231 = tpu.memref_slice %arg9[%dma_wait3A_228, %dma_wait3A_229, %dma_wait3A_230] : memref<3x128x128xf32, #tpu.memory_space<vmem>> -> memref<1x128x128xf32, #tpu.memory_space<vmem>>
        %dma_wait3A_232 = tpu.memref_squeeze %dma_wait3A_231 : memref<1x128x128xf32, #tpu.memory_space<vmem>> -> memref<128x128xf32, #tpu.memory_space<vmem>>
        %dma_wait3A_233 = arith.constant 0 : i32
        %dma_wait3A_234 = arith.constant 0 : i32
        %dma_wait3A_235 = tpu.memref_slice %arg5[%dma_wait3A_233, %dma_wait3A_234] : memref<10112x128xf32, #tpu.memory_space<hbm>> -> memref<128x128xf32, #tpu.memory_space<hbm>>
        %dma_wait3A_236 = arith.constant 0 : i32
        %dma_wait3A_237 = arith.constant 0 : i32
        %dma_wait3A_238 = tpu.memref_slice %arg9[%dma_wait3A_228, %dma_wait3A_236, %dma_wait3A_237] : memref<3x128x128xf32, #tpu.memory_space<vmem>> -> memref<1x128x128xf32, #tpu.memory_space<vmem>>
        %dma_wait3A_239 = tpu.memref_squeeze %dma_wait3A_238 : memref<1x128x128xf32, #tpu.memory_space<vmem>> -> memref<128x128xf32, #tpu.memory_space<vmem>>
        %dma_wait3A_240 = arith.constant 0 : i32
        %dma_wait3A_241 = arith.constant 0 : i32
        %dma_wait3A_242 = tpu.memref_slice %arg5[%dma_wait3A_240, %dma_wait3A_241] : memref<10112x128xf32, #tpu.memory_space<hbm>> -> memref<128x128xf32, #tpu.memory_space<hbm>>
        tpu.wait_dma2 semaphore(%arg14 : memref<!tpu.dma_semaphore, #tpu.memory_space<semaphore_mem>>) src(%dma_wait3A_242 : memref<128x128xf32, #tpu.memory_space<hbm>>) dst(%dma_wait3A_239 : memref<128x128xf32, #tpu.memory_space<vmem>>)
      } else {
      }
      %mul3A_89 = arith.constant 3 : i32
      %mul3A_90 = arith.muli %mul3A_89, %scan3A_84 : i32
      %add3A_91 = arith.constant 0 : i32
      %add3A_92 = arith.addi %mul3A_90, %add3A_91 : i32
      %mul3A_93 = arith.constant 32 : i32
      %mul3A_94 = arith.muli %add3A_92, %mul3A_93 : i32
      %add3A_95 = arith.addi %add3A, %mul3A_94 : i32
      %mul3A_96 = arith.constant 128 : i32
      %mul3A_97 = arith.muli %add3A_95, %mul3A_96 : i32
      %multiple_of3A = tpu.assume_multiple %mul3A_97, 128 : i32
      %run_scoped3A = arith.constant 0 : i32
      "tpu.region"() ({
        %run_scoped3A_228 = tpu.sem_alloc : memref<!tpu.dma_semaphore, #tpu.memory_space<semaphore_mem>>
        %dma_start3A_229 = arith.constant 0 : i32
        %dma_start3A_230 = tpu.memref_slice %arg8[%run_scoped3A, %dma_start3A_229] : memref<3x128xi32, #tpu.memory_space<vmem>> -> memref<1x128xi32, #tpu.memory_space<vmem>>
        %dma_start3A_231 = tpu.memref_squeeze %dma_start3A_230 : memref<1x128xi32, #tpu.memory_space<vmem>> -> memref<128xi32, #tpu.memory_space<vmem>>
        %dma_start3A_232 = tpu.memref_slice %arg4[%multiple_of3A] : memref<320000xi32, #tpu.memory_space<hbm>> -> memref<128xi32, #tpu.memory_space<hbm>>
        %dma_start3A_233 = arith.constant 0 : i32
        %dma_start3A_234 = tpu.memref_slice %arg8[%run_scoped3A, %dma_start3A_233] : memref<3x128xi32, #tpu.memory_space<vmem>> -> memref<1x128xi32, #tpu.memory_space<vmem>>
        %dma_start3A_235 = tpu.memref_squeeze %dma_start3A_234 : memref<1x128xi32, #tpu.memory_space<vmem>> -> memref<128xi32, #tpu.memory_space<vmem>>
        %dma_start3A_236 = tpu.memref_slice %arg4[%multiple_of3A] : memref<320000xi32, #tpu.memory_space<hbm>> -> memref<128xi32, #tpu.memory_space<hbm>>
        tpu.enqueue_dma source(%dma_start3A_236 : memref<128xi32, #tpu.memory_space<hbm>>) target(%dma_start3A_235 : memref<128xi32, #tpu.memory_space<vmem>>) target_semaphore(%run_scoped3A_228 : memref<!tpu.dma_semaphore, #tpu.memory_space<semaphore_mem>>)
        %dma_wait3A_237 = arith.constant 0 : i32
        %dma_wait3A_238 = tpu.memref_slice %arg8[%run_scoped3A, %dma_wait3A_237] : memref<3x128xi32, #tpu.memory_space<vmem>> -> memref<1x128xi32, #tpu.memory_space<vmem>>
        %dma_wait3A_239 = tpu.memref_squeeze %dma_wait3A_238 : memref<1x128xi32, #tpu.memory_space<vmem>> -> memref<128xi32, #tpu.memory_space<vmem>>
        %dma_wait3A_240 = tpu.memref_slice %arg4[%multiple_of3A] : memref<320000xi32, #tpu.memory_space<hbm>> -> memref<128xi32, #tpu.memory_space<hbm>>
        %dma_wait3A_241 = arith.constant 0 : i32
        %dma_wait3A_242 = tpu.memref_slice %arg8[%run_scoped3A, %dma_wait3A_241] : memref<3x128xi32, #tpu.memory_space<vmem>> -> memref<1x128xi32, #tpu.memory_space<vmem>>
        %dma_wait3A_243 = tpu.memref_squeeze %dma_wait3A_242 : memref<1x128xi32, #tpu.memory_space<vmem>> -> memref<128xi32, #tpu.memory_space<vmem>>
        %dma_wait3A_244 = tpu.memref_slice %arg4[%multiple_of3A] : memref<320000xi32, #tpu.memory_space<hbm>> -> memref<128xi32, #tpu.memory_space<hbm>>
        tpu.wait_dma2 semaphore(%run_scoped3A_228 : memref<!tpu.dma_semaphore, #tpu.memory_space<semaphore_mem>>) src(%dma_wait3A_244 : memref<128xi32, #tpu.memory_space<hbm>>) dst(%dma_wait3A_243 : memref<128xi32, #tpu.memory_space<vmem>>)
        tpu.yield
      }) : () -> ()
      %run_scoped3A_98 = arith.constant 0 : i32
      "tpu.region"() ({
        %run_scoped3A_228 = tpu.sem_alloc : memref<!tpu.dma_semaphore, #tpu.memory_space<semaphore_mem>>
        %dma_start3A_229 = arith.constant 0 : i32
        %dma_start3A_230 = tpu.memref_slice %arg7[%run_scoped3A_98, %dma_start3A_229] : memref<3x128xi32, #tpu.memory_space<vmem>> -> memref<1x128xi32, #tpu.memory_space<vmem>>
        %dma_start3A_231 = tpu.memref_squeeze %dma_start3A_230 : memref<1x128xi32, #tpu.memory_space<vmem>> -> memref<128xi32, #tpu.memory_space<vmem>>
        %dma_start3A_232 = tpu.memref_slice %arg3[%multiple_of3A] : memref<320000xi32, #tpu.memory_space<hbm>> -> memref<128xi32, #tpu.memory_space<hbm>>
        %dma_start3A_233 = arith.constant 0 : i32
        %dma_start3A_234 = tpu.memref_slice %arg7[%run_scoped3A_98, %dma_start3A_233] : memref<3x128xi32, #tpu.memory_space<vmem>> -> memref<1x128xi32, #tpu.memory_space<vmem>>
        %dma_start3A_235 = tpu.memref_squeeze %dma_start3A_234 : memref<1x128xi32, #tpu.memory_space<vmem>> -> memref<128xi32, #tpu.memory_space<vmem>>
        %dma_start3A_236 = tpu.memref_slice %arg3[%multiple_of3A] : memref<320000xi32, #tpu.memory_space<hbm>> -> memref<128xi32, #tpu.memory_space<hbm>>
        tpu.enqueue_dma source(%dma_start3A_236 : memref<128xi32, #tpu.memory_space<hbm>>) target(%dma_start3A_235 : memref<128xi32, #tpu.memory_space<vmem>>) target_semaphore(%run_scoped3A_228 : memref<!tpu.dma_semaphore, #tpu.memory_space<semaphore_mem>>)
        %dma_wait3A_237 = arith.constant 0 : i32
        %dma_wait3A_238 = tpu.memref_slice %arg7[%run_scoped3A_98, %dma_wait3A_237] : memref<3x128xi32, #tpu.memory_space<vmem>> -> memref<1x128xi32, #tpu.memory_space<vmem>>
        %dma_wait3A_239 = tpu.memref_squeeze %dma_wait3A_238 : memref<1x128xi32, #tpu.memory_space<vmem>> -> memref<128xi32, #tpu.memory_space<vmem>>
        %dma_wait3A_240 = tpu.memref_slice %arg3[%multiple_of3A] : memref<320000xi32, #tpu.memory_space<hbm>> -> memref<128xi32, #tpu.memory_space<hbm>>
        %dma_wait3A_241 = arith.constant 0 : i32
        %dma_wait3A_242 = tpu.memref_slice %arg7[%run_scoped3A_98, %dma_wait3A_241] : memref<3x128xi32, #tpu.memory_space<vmem>> -> memref<1x128xi32, #tpu.memory_space<vmem>>
        %dma_wait3A_243 = tpu.memref_squeeze %dma_wait3A_242 : memref<1x128xi32, #tpu.memory_space<vmem>> -> memref<128xi32, #tpu.memory_space<vmem>>
        %dma_wait3A_244 = tpu.memref_slice %arg3[%multiple_of3A] : memref<320000xi32, #tpu.memory_space<hbm>> -> memref<128xi32, #tpu.memory_space<hbm>>
        tpu.wait_dma2 semaphore(%run_scoped3A_228 : memref<!tpu.dma_semaphore, #tpu.memory_space<semaphore_mem>>) src(%dma_wait3A_244 : memref<128xi32, #tpu.memory_space<hbm>>) dst(%dma_wait3A_243 : memref<128xi32, #tpu.memory_space<vmem>>)
        tpu.yield
      }) : () -> ()
      %dma_start3A_99 = arith.constant 0 : i32
      %dma_start3A_100 = arith.constant 0 : i32
      %dma_start3A_101 = arith.constant 0 : i32
      %dma_start3A_102 = arith.constant 0 : i32
      %dma_start3A_103 = tpu.memref_slice %arg9[%dma_start3A_100, %dma_start3A_101, %dma_start3A_102] : memref<3x128x128xf32, #tpu.memory_space<vmem>> -> memref<1x128x128xf32, #tpu.memory_space<vmem>>
      %dma_start3A_104 = tpu.memref_squeeze %dma_start3A_103 : memref<1x128x128xf32, #tpu.memory_space<vmem>> -> memref<128x128xf32, #tpu.memory_space<vmem>>
      %dma_start3A_105 = arith.constant 0 : i32
      %dma_start3A_106 = tpu.memref_slice %arg7[%dma_start3A_99, %dma_start3A_105] : memref<3x128xi32, #tpu.memory_space<vmem>> -> memref<1x128xi32, #tpu.memory_space<vmem>>
      %dma_start3A_107 = tpu.memref_squeeze %dma_start3A_106 : memref<1x128xi32, #tpu.memory_space<vmem>> -> memref<128xi32, #tpu.memory_space<vmem>>
      %dma_start3A_108 = arith.constant 0 : i32
      %dma_start3A_109 = arith.constant 0 : i32
      %dma_start3A_110 = tpu.memref_slice %arg2[%dma_start3A_108, %dma_start3A_109] : memref<10000x128xf32, #tpu.memory_space<hbm>> -> memref<10000x128xf32, #tpu.memory_space<hbm>>
      tpu.enqueue_indirect_dma source(%dma_start3A_110 : memref<10000x128xf32, #tpu.memory_space<hbm>>) target(%dma_start3A_104 : memref<128x128xf32, #tpu.memory_space<vmem>>) offsets(%dma_start3A_107 : memref<128xi32, #tpu.memory_space<vmem>>) semaphore(%arg11 : memref<!tpu.dma_semaphore, #tpu.memory_space<semaphore_mem>>)
      %gt3A_111 = arith.constant 0 : i32
      %gt3A_112 = arith.cmpi sgt, %scan3A_84, %gt3A_111 : i32
      %convert_element_type3A_113 = arith.extui %gt3A_112 : i1 to i32
      %cond3A_114 = arith.constant 0 : i32
      %cond3A_115 = arith.cmpi ne, %convert_element_type3A_113, %cond3A_114 : i32
      scf.if %cond3A_115 {
        %dma_wait3A_228 = arith.constant 2 : i32
        %dma_wait3A_229 = arith.constant 0 : i32
        %dma_wait3A_230 = arith.constant 0 : i32
        %dma_wait3A_231 = tpu.memref_slice %arg9[%dma_wait3A_228, %dma_wait3A_229, %dma_wait3A_230] : memref<3x128x128xf32, #tpu.memory_space<vmem>> -> memref<1x128x128xf32, #tpu.memory_space<vmem>>
        %dma_wait3A_232 = tpu.memref_squeeze %dma_wait3A_231 : memref<1x128x128xf32, #tpu.memory_space<vmem>> -> memref<128x128xf32, #tpu.memory_space<vmem>>
        %dma_wait3A_233 = arith.constant 0 : i32
        %dma_wait3A_234 = arith.constant 0 : i32
        %dma_wait3A_235 = tpu.memref_slice %arg5[%dma_wait3A_233, %dma_wait3A_234] : memref<10112x128xf32, #tpu.memory_space<hbm>> -> memref<128x128xf32, #tpu.memory_space<hbm>>
        %dma_wait3A_236 = arith.constant 0 : i32
        %dma_wait3A_237 = arith.constant 0 : i32
        %dma_wait3A_238 = tpu.memref_slice %arg9[%dma_wait3A_228, %dma_wait3A_236, %dma_wait3A_237] : memref<3x128x128xf32, #tpu.memory_space<vmem>> -> memref<1x128x128xf32, #tpu.memory_space<vmem>>
        %dma_wait3A_239 = tpu.memref_squeeze %dma_wait3A_238 : memref<1x128x128xf32, #tpu.memory_space<vmem>> -> memref<128x128xf32, #tpu.memory_space<vmem>>
        %dma_wait3A_240 = arith.constant 0 : i32
        %dma_wait3A_241 = arith.constant 0 : i32
        %dma_wait3A_242 = tpu.memref_slice %arg5[%dma_wait3A_240, %dma_wait3A_241] : memref<10112x128xf32, #tpu.memory_space<hbm>> -> memref<128x128xf32, #tpu.memory_space<hbm>>
        tpu.wait_dma2 semaphore(%arg13 : memref<!tpu.dma_semaphore, #tpu.memory_space<semaphore_mem>>) src(%dma_wait3A_242 : memref<128x128xf32, #tpu.memory_space<hbm>>) dst(%dma_wait3A_239 : memref<128x128xf32, #tpu.memory_space<vmem>>)
        %dma_start3A_243 = arith.constant 2 : i32
        %dma_start3A_244 = arith.constant 2 : i32
        %dma_start3A_245 = arith.constant 0 : i32
        %dma_start3A_246 = arith.constant 0 : i32
        %dma_start3A_247 = tpu.memref_slice %arg9[%dma_start3A_243, %dma_start3A_245, %dma_start3A_246] : memref<3x128x128xf32, #tpu.memory_space<vmem>> -> memref<1x128x128xf32, #tpu.memory_space<vmem>>
        %dma_start3A_248 = tpu.memref_squeeze %dma_start3A_247 : memref<1x128x128xf32, #tpu.memory_space<vmem>> -> memref<128x128xf32, #tpu.memory_space<vmem>>
        %dma_start3A_249 = arith.constant 0 : i32
        %dma_start3A_250 = tpu.memref_slice %arg8[%dma_start3A_244, %dma_start3A_249] : memref<3x128xi32, #tpu.memory_space<vmem>> -> memref<1x128xi32, #tpu.memory_space<vmem>>
        %dma_start3A_251 = tpu.memref_squeeze %dma_start3A_250 : memref<1x128xi32, #tpu.memory_space<vmem>> -> memref<128xi32, #tpu.memory_space<vmem>>
        %dma_start3A_252 = arith.constant 0 : i32
        %dma_start3A_253 = arith.constant 0 : i32
        %dma_start3A_254 = tpu.memref_slice %arg10[%dma_start3A_252, %dma_start3A_253] : memref<10112x128xf32, #tpu.memory_space<vmem_shared>> -> memref<10112x128xf32, #tpu.memory_space<vmem_shared>>
        tpu.enqueue_indirect_dma source(%dma_start3A_248 : memref<128x128xf32, #tpu.memory_space<vmem>>) target(%dma_start3A_254 : memref<10112x128xf32, #tpu.memory_space<vmem_shared>>) offsets(%dma_start3A_251 : memref<128xi32, #tpu.memory_space<vmem>>) semaphore(%arg16 : memref<!tpu.dma_semaphore, #tpu.memory_space<semaphore_mem>>) {add = true}
      } else {
      }
      %gt3A_116 = arith.constant 0 : i32
      %gt3A_117 = arith.cmpi sgt, %scan3A_84, %gt3A_116 : i32
      %convert_element_type3A_118 = arith.extui %gt3A_117 : i1 to i32
      %cond3A_119 = arith.constant 0 : i32
      %cond3A_120 = arith.cmpi ne, %convert_element_type3A_118, %cond3A_119 : i32
      scf.if %cond3A_120 {
        %dma_wait3A_228 = arith.constant 1 : i32
        %dma_wait3A_229 = arith.constant 0 : i32
        %dma_wait3A_230 = arith.constant 0 : i32
        %dma_wait3A_231 = tpu.memref_slice %arg9[%dma_wait3A_228, %dma_wait3A_229, %dma_wait3A_230] : memref<3x128x128xf32, #tpu.memory_space<vmem>> -> memref<1x128x128xf32, #tpu.memory_space<vmem>>
        %dma_wait3A_232 = tpu.memref_squeeze %dma_wait3A_231 : memref<1x128x128xf32, #tpu.memory_space<vmem>> -> memref<128x128xf32, #tpu.memory_space<vmem>>
        %dma_wait3A_233 = arith.constant 0 : i32
        %dma_wait3A_234 = arith.constant 0 : i32
        %dma_wait3A_235 = tpu.memref_slice %arg5[%dma_wait3A_233, %dma_wait3A_234] : memref<10112x128xf32, #tpu.memory_space<hbm>> -> memref<128x128xf32, #tpu.memory_space<hbm>>
        %dma_wait3A_236 = arith.constant 0 : i32
        %dma_wait3A_237 = arith.constant 0 : i32
        %dma_wait3A_238 = tpu.memref_slice %arg9[%dma_wait3A_228, %dma_wait3A_236, %dma_wait3A_237] : memref<3x128x128xf32, #tpu.memory_space<vmem>> -> memref<1x128x128xf32, #tpu.memory_space<vmem>>
        %dma_wait3A_239 = tpu.memref_squeeze %dma_wait3A_238 : memref<1x128x128xf32, #tpu.memory_space<vmem>> -> memref<128x128xf32, #tpu.memory_space<vmem>>
        %dma_wait3A_240 = arith.constant 0 : i32
        %dma_wait3A_241 = arith.constant 0 : i32
        %dma_wait3A_242 = tpu.memref_slice %arg5[%dma_wait3A_240, %dma_wait3A_241] : memref<10112x128xf32, #tpu.memory_space<hbm>> -> memref<128x128xf32, #tpu.memory_space<hbm>>
        tpu.wait_dma2 semaphore(%arg15 : memref<!tpu.dma_semaphore, #tpu.memory_space<semaphore_mem>>) src(%dma_wait3A_242 : memref<128x128xf32, #tpu.memory_space<hbm>>) dst(%dma_wait3A_239 : memref<128x128xf32, #tpu.memory_space<vmem>>)
      } else {
      }
      %mul3A_121 = arith.constant 3 : i32
      %mul3A_122 = arith.muli %mul3A_121, %scan3A_84 : i32
      %add3A_123 = arith.constant 1 : i32
      %add3A_124 = arith.addi %mul3A_122, %add3A_123 : i32
      %mul3A_125 = arith.constant 32 : i32
      %mul3A_126 = arith.muli %add3A_124, %mul3A_125 : i32
      %add3A_127 = arith.addi %add3A, %mul3A_126 : i32
      %mul3A_128 = arith.constant 128 : i32
      %mul3A_129 = arith.muli %add3A_127, %mul3A_128 : i32
      %multiple_of3A_130 = tpu.assume_multiple %mul3A_129, 128 : i32
      %run_scoped3A_131 = arith.constant 1 : i32
      "tpu.region"() ({
        %run_scoped3A_228 = tpu.sem_alloc : memref<!tpu.dma_semaphore, #tpu.memory_space<semaphore_mem>>
        %dma_start3A_229 = arith.constant 0 : i32
        %dma_start3A_230 = tpu.memref_slice %arg8[%run_scoped3A_131, %dma_start3A_229] : memref<3x128xi32, #tpu.memory_space<vmem>> -> memref<1x128xi32, #tpu.memory_space<vmem>>
        %dma_start3A_231 = tpu.memref_squeeze %dma_start3A_230 : memref<1x128xi32, #tpu.memory_space<vmem>> -> memref<128xi32, #tpu.memory_space<vmem>>
        %dma_start3A_232 = tpu.memref_slice %arg4[%multiple_of3A_130] : memref<320000xi32, #tpu.memory_space<hbm>> -> memref<128xi32, #tpu.memory_space<hbm>>
        %dma_start3A_233 = arith.constant 0 : i32
        %dma_start3A_234 = tpu.memref_slice %arg8[%run_scoped3A_131, %dma_start3A_233] : memref<3x128xi32, #tpu.memory_space<vmem>> -> memref<1x128xi32, #tpu.memory_space<vmem>>
        %dma_start3A_235 = tpu.memref_squeeze %dma_start3A_234 : memref<1x128xi32, #tpu.memory_space<vmem>> -> memref<128xi32, #tpu.memory_space<vmem>>
        %dma_start3A_236 = tpu.memref_slice %arg4[%multiple_of3A_130] : memref<320000xi32, #tpu.memory_space<hbm>> -> memref<128xi32, #tpu.memory_space<hbm>>
        tpu.enqueue_dma source(%dma_start3A_236 : memref<128xi32, #tpu.memory_space<hbm>>) target(%dma_start3A_235 : memref<128xi32, #tpu.memory_space<vmem>>) target_semaphore(%run_scoped3A_228 : memref<!tpu.dma_semaphore, #tpu.memory_space<semaphore_mem>>)
        %dma_wait3A_237 = arith.constant 0 : i32
        %dma_wait3A_238 = tpu.memref_slice %arg8[%run_scoped3A_131, %dma_wait3A_237] : memref<3x128xi32, #tpu.memory_space<vmem>> -> memref<1x128xi32, #tpu.memory_space<vmem>>
        %dma_wait3A_239 = tpu.memref_squeeze %dma_wait3A_238 : memref<1x128xi32, #tpu.memory_space<vmem>> -> memref<128xi32, #tpu.memory_space<vmem>>
        %dma_wait3A_240 = tpu.memref_slice %arg4[%multiple_of3A_130] : memref<320000xi32, #tpu.memory_space<hbm>> -> memref<128xi32, #tpu.memory_space<hbm>>
        %dma_wait3A_241 = arith.constant 0 : i32
        %dma_wait3A_242 = tpu.memref_slice %arg8[%run_scoped3A_131, %dma_wait3A_241] : memref<3x128xi32, #tpu.memory_space<vmem>> -> memref<1x128xi32, #tpu.memory_space<vmem>>
        %dma_wait3A_243 = tpu.memref_squeeze %dma_wait3A_242 : memref<1x128xi32, #tpu.memory_space<vmem>> -> memref<128xi32, #tpu.memory_space<vmem>>
        %dma_wait3A_244 = tpu.memref_slice %arg4[%multiple_of3A_130] : memref<320000xi32, #tpu.memory_space<hbm>> -> memref<128xi32, #tpu.memory_space<hbm>>
        tpu.wait_dma2 semaphore(%run_scoped3A_228 : memref<!tpu.dma_semaphore, #tpu.memory_space<semaphore_mem>>) src(%dma_wait3A_244 : memref<128xi32, #tpu.memory_space<hbm>>) dst(%dma_wait3A_243 : memref<128xi32, #tpu.memory_space<vmem>>)
        tpu.yield
      }) : () -> ()
      %run_scoped3A_132 = arith.constant 1 : i32
      "tpu.region"() ({
        %run_scoped3A_228 = tpu.sem_alloc : memref<!tpu.dma_semaphore, #tpu.memory_space<semaphore_mem>>
        %dma_start3A_229 = arith.constant 0 : i32
        %dma_start3A_230 = tpu.memref_slice %arg7[%run_scoped3A_132, %dma_start3A_229] : memref<3x128xi32, #tpu.memory_space<vmem>> -> memref<1x128xi32, #tpu.memory_space<vmem>>
        %dma_start3A_231 = tpu.memref_squeeze %dma_start3A_230 : memref<1x128xi32, #tpu.memory_space<vmem>> -> memref<128xi32, #tpu.memory_space<vmem>>
        %dma_start3A_232 = tpu.memref_slice %arg3[%multiple_of3A_130] : memref<320000xi32, #tpu.memory_space<hbm>> -> memref<128xi32, #tpu.memory_space<hbm>>
        %dma_start3A_233 = arith.constant 0 : i32
        %dma_start3A_234 = tpu.memref_slice %arg7[%run_scoped3A_132, %dma_start3A_233] : memref<3x128xi32, #tpu.memory_space<vmem>> -> memref<1x128xi32, #tpu.memory_space<vmem>>
        %dma_start3A_235 = tpu.memref_squeeze %dma_start3A_234 : memref<1x128xi32, #tpu.memory_space<vmem>> -> memref<128xi32, #tpu.memory_space<vmem>>
        %dma_start3A_236 = tpu.memref_slice %arg3[%multiple_of3A_130] : memref<320000xi32, #tpu.memory_space<hbm>> -> memref<128xi32, #tpu.memory_space<hbm>>
        tpu.enqueue_dma source(%dma_start3A_236 : memref<128xi32, #tpu.memory_space<hbm>>) target(%dma_start3A_235 : memref<128xi32, #tpu.memory_space<vmem>>) target_semaphore(%run_scoped3A_228 : memref<!tpu.dma_semaphore, #tpu.memory_space<semaphore_mem>>)
        %dma_wait3A_237 = arith.constant 0 : i32
        %dma_wait3A_238 = tpu.memref_slice %arg7[%run_scoped3A_132, %dma_wait3A_237] : memref<3x128xi32, #tpu.memory_space<vmem>> -> memref<1x128xi32, #tpu.memory_space<vmem>>
        %dma_wait3A_239 = tpu.memref_squeeze %dma_wait3A_238 : memref<1x128xi32, #tpu.memory_space<vmem>> -> memref<128xi32, #tpu.memory_space<vmem>>
        %dma_wait3A_240 = tpu.memref_slice %arg3[%multiple_of3A_130] : memref<320000xi32, #tpu.memory_space<hbm>> -> memref<128xi32, #tpu.memory_space<hbm>>
        %dma_wait3A_241 = arith.constant 0 : i32
        %dma_wait3A_242 = tpu.memref_slice %arg7[%run_scoped3A_132, %dma_wait3A_241] : memref<3x128xi32, #tpu.memory_space<vmem>> -> memref<1x128xi32, #tpu.memory_space<vmem>>
        %dma_wait3A_243 = tpu.memref_squeeze %dma_wait3A_242 : memref<1x128xi32, #tpu.memory_space<vmem>> -> memref<128xi32, #tpu.memory_space<vmem>>
        %dma_wait3A_244 = tpu.memref_slice %arg3[%multiple_of3A_130] : memref<320000xi32, #tpu.memory_space<hbm>> -> memref<128xi32, #tpu.memory_space<hbm>>
        tpu.wait_dma2 semaphore(%run_scoped3A_228 : memref<!tpu.dma_semaphore, #tpu.memory_space<semaphore_mem>>) src(%dma_wait3A_244 : memref<128xi32, #tpu.memory_space<hbm>>) dst(%dma_wait3A_243 : memref<128xi32, #tpu.memory_space<vmem>>)
        tpu.yield
      }) : () -> ()
      %dma_start3A_133 = arith.constant 1 : i32
      %dma_start3A_134 = arith.constant 1 : i32
      %dma_start3A_135 = arith.constant 0 : i32
      %dma_start3A_136 = arith.constant 0 : i32
      %dma_start3A_137 = tpu.memref_slice %arg9[%dma_start3A_134, %dma_start3A_135, %dma_start3A_136] : memref<3x128x128xf32, #tpu.memory_space<vmem>> -> memref<1x128x128xf32, #tpu.memory_space<vmem>>
      %dma_start3A_138 = tpu.memref_squeeze %dma_start3A_137 : memref<1x128x128xf32, #tpu.memory_space<vmem>> -> memref<128x128xf32, #tpu.memory_space<vmem>>
      %dma_start3A_139 = arith.constant 0 : i32
      %dma_start3A_140 = tpu.memref_slice %arg7[%dma_start3A_133, %dma_start3A_139] : memref<3x128xi32, #tpu.memory_space<vmem>> -> memref<1x128xi32, #tpu.memory_space<vmem>>
      %dma_start3A_141 = tpu.memref_squeeze %dma_start3A_140 : memref<1x128xi32, #tpu.memory_space<vmem>> -> memref<128xi32, #tpu.memory_space<vmem>>
      %dma_start3A_142 = arith.constant 0 : i32
      %dma_start3A_143 = arith.constant 0 : i32
      %dma_start3A_144 = tpu.memref_slice %arg2[%dma_start3A_142, %dma_start3A_143] : memref<10000x128xf32, #tpu.memory_space<hbm>> -> memref<10000x128xf32, #tpu.memory_space<hbm>>
      tpu.enqueue_indirect_dma source(%dma_start3A_144 : memref<10000x128xf32, #tpu.memory_space<hbm>>) target(%dma_start3A_138 : memref<128x128xf32, #tpu.memory_space<vmem>>) offsets(%dma_start3A_141 : memref<128xi32, #tpu.memory_space<vmem>>) semaphore(%arg12 : memref<!tpu.dma_semaphore, #tpu.memory_space<semaphore_mem>>)
      %dma_wait3A_145 = arith.constant 0 : i32
      %dma_wait3A_146 = arith.constant 0 : i32
      %dma_wait3A_147 = arith.constant 0 : i32
      %dma_wait3A_148 = tpu.memref_slice %arg9[%dma_wait3A_145, %dma_wait3A_146, %dma_wait3A_147] : memref<3x128x128xf32, #tpu.memory_space<vmem>> -> memref<1x128x128xf32, #tpu.memory_space<vmem>>
      %dma_wait3A_149 = tpu.memref_squeeze %dma_wait3A_148 : memref<1x128x128xf32, #tpu.memory_space<vmem>> -> memref<128x128xf32, #tpu.memory_space<vmem>>
      %dma_wait3A_150 = arith.constant 0 : i32
      %dma_wait3A_151 = arith.constant 0 : i32
      %dma_wait3A_152 = tpu.memref_slice %arg5[%dma_wait3A_150, %dma_wait3A_151] : memref<10112x128xf32, #tpu.memory_space<hbm>> -> memref<128x128xf32, #tpu.memory_space<hbm>>
      %dma_wait3A_153 = arith.constant 0 : i32
      %dma_wait3A_154 = arith.constant 0 : i32
      %dma_wait3A_155 = tpu.memref_slice %arg9[%dma_wait3A_145, %dma_wait3A_153, %dma_wait3A_154] : memref<3x128x128xf32, #tpu.memory_space<vmem>> -> memref<1x128x128xf32, #tpu.memory_space<vmem>>
      %dma_wait3A_156 = tpu.memref_squeeze %dma_wait3A_155 : memref<1x128x128xf32, #tpu.memory_space<vmem>> -> memref<128x128xf32, #tpu.memory_space<vmem>>
      %dma_wait3A_157 = arith.constant 0 : i32
      %dma_wait3A_158 = arith.constant 0 : i32
      %dma_wait3A_159 = tpu.memref_slice %arg5[%dma_wait3A_157, %dma_wait3A_158] : memref<10112x128xf32, #tpu.memory_space<hbm>> -> memref<128x128xf32, #tpu.memory_space<hbm>>
      tpu.wait_dma2 semaphore(%arg11 : memref<!tpu.dma_semaphore, #tpu.memory_space<semaphore_mem>>) src(%dma_wait3A_159 : memref<128x128xf32, #tpu.memory_space<hbm>>) dst(%dma_wait3A_156 : memref<128x128xf32, #tpu.memory_space<vmem>>)
      %dma_start3A_160 = arith.constant 0 : i32
      %dma_start3A_161 = arith.constant 0 : i32
      %dma_start3A_162 = arith.constant 0 : i32
      %dma_start3A_163 = arith.constant 0 : i32
      %dma_start3A_164 = tpu.memref_slice %arg9[%dma_start3A_160, %dma_start3A_162, %dma_start3A_163] : memref<3x128x128xf32, #tpu.memory_space<vmem>> -> memref<1x128x128xf32, #tpu.memory_space<vmem>>
      %dma_start3A_165 = tpu.memref_squeeze %dma_start3A_164 : memref<1x128x128xf32, #tpu.memory_space<vmem>> -> memref<128x128xf32, #tpu.memory_space<vmem>>
      %dma_start3A_166 = arith.constant 0 : i32
      %dma_start3A_167 = tpu.memref_slice %arg8[%dma_start3A_161, %dma_start3A_166] : memref<3x128xi32, #tpu.memory_space<vmem>> -> memref<1x128xi32, #tpu.memory_space<vmem>>
      %dma_start3A_168 = tpu.memref_squeeze %dma_start3A_167 : memref<1x128xi32, #tpu.memory_space<vmem>> -> memref<128xi32, #tpu.memory_space<vmem>>
      %dma_start3A_169 = arith.constant 0 : i32
      %dma_start3A_170 = arith.constant 0 : i32
      %dma_start3A_171 = tpu.memref_slice %arg10[%dma_start3A_169, %dma_start3A_170] : memref<10112x128xf32, #tpu.memory_space<vmem_shared>> -> memref<10112x128xf32, #tpu.memory_space<vmem_shared>>
      tpu.enqueue_indirect_dma source(%dma_start3A_165 : memref<128x128xf32, #tpu.memory_space<vmem>>) target(%dma_start3A_171 : memref<10112x128xf32, #tpu.memory_space<vmem_shared>>) offsets(%dma_start3A_168 : memref<128xi32, #tpu.memory_space<vmem>>) semaphore(%arg14 : memref<!tpu.dma_semaphore, #tpu.memory_space<semaphore_mem>>) {add = true}
      %gt3A_172 = arith.constant 0 : i32
      %gt3A_173 = arith.cmpi sgt, %scan3A_84, %gt3A_172 : i32
      %convert_element_type3A_174 = arith.extui %gt3A_173 : i1 to i32
      %cond3A_175 = arith.constant 0 : i32
      %cond3A_176 = arith.cmpi ne, %convert_element_type3A_174, %cond3A_175 : i32
      scf.if %cond3A_176 {
        %dma_wait3A_228 = arith.constant 2 : i32
        %dma_wait3A_229 = arith.constant 0 : i32
        %dma_wait3A_230 = arith.constant 0 : i32
        %dma_wait3A_231 = tpu.memref_slice %arg9[%dma_wait3A_228, %dma_wait3A_229, %dma_wait3A_230] : memref<3x128x128xf32, #tpu.memory_space<vmem>> -> memref<1x128x128xf32, #tpu.memory_space<vmem>>
        %dma_wait3A_232 = tpu.memref_squeeze %dma_wait3A_231 : memref<1x128x128xf32, #tpu.memory_space<vmem>> -> memref<128x128xf32, #tpu.memory_space<vmem>>
        %dma_wait3A_233 = arith.constant 0 : i32
        %dma_wait3A_234 = arith.constant 0 : i32
        %dma_wait3A_235 = tpu.memref_slice %arg5[%dma_wait3A_233, %dma_wait3A_234] : memref<10112x128xf32, #tpu.memory_space<hbm>> -> memref<128x128xf32, #tpu.memory_space<hbm>>
        %dma_wait3A_236 = arith.constant 0 : i32
        %dma_wait3A_237 = arith.constant 0 : i32
        %dma_wait3A_238 = tpu.memref_slice %arg9[%dma_wait3A_228, %dma_wait3A_236, %dma_wait3A_237] : memref<3x128x128xf32, #tpu.memory_space<vmem>> -> memref<1x128x128xf32, #tpu.memory_space<vmem>>
        %dma_wait3A_239 = tpu.memref_squeeze %dma_wait3A_238 : memref<1x128x128xf32, #tpu.memory_space<vmem>> -> memref<128x128xf32, #tpu.memory_space<vmem>>
        %dma_wait3A_240 = arith.constant 0 : i32
        %dma_wait3A_241 = arith.constant 0 : i32
        %dma_wait3A_242 = tpu.memref_slice %arg5[%dma_wait3A_240, %dma_wait3A_241] : memref<10112x128xf32, #tpu.memory_space<hbm>> -> memref<128x128xf32, #tpu.memory_space<hbm>>
        tpu.wait_dma2 semaphore(%arg16 : memref<!tpu.dma_semaphore, #tpu.memory_space<semaphore_mem>>) src(%dma_wait3A_242 : memref<128x128xf32, #tpu.memory_space<hbm>>) dst(%dma_wait3A_239 : memref<128x128xf32, #tpu.memory_space<vmem>>)
      } else {
      }
      %mul3A_177 = arith.constant 3 : i32
      %mul3A_178 = arith.muli %mul3A_177, %scan3A_84 : i32
      %add3A_179 = arith.constant 2 : i32
      %add3A_180 = arith.addi %mul3A_178, %add3A_179 : i32
      %mul3A_181 = arith.constant 32 : i32
      %mul3A_182 = arith.muli %add3A_180, %mul3A_181 : i32
      %add3A_183 = arith.addi %add3A, %mul3A_182 : i32
      %mul3A_184 = arith.constant 128 : i32
      %mul3A_185 = arith.muli %add3A_183, %mul3A_184 : i32
      %multiple_of3A_186 = tpu.assume_multiple %mul3A_185, 128 : i32
      %run_scoped3A_187 = arith.constant 2 : i32
      "tpu.region"() ({
        %run_scoped3A_228 = tpu.sem_alloc : memref<!tpu.dma_semaphore, #tpu.memory_space<semaphore_mem>>
        %dma_start3A_229 = arith.constant 0 : i32
        %dma_start3A_230 = tpu.memref_slice %arg8[%run_scoped3A_187, %dma_start3A_229] : memref<3x128xi32, #tpu.memory_space<vmem>> -> memref<1x128xi32, #tpu.memory_space<vmem>>
        %dma_start3A_231 = tpu.memref_squeeze %dma_start3A_230 : memref<1x128xi32, #tpu.memory_space<vmem>> -> memref<128xi32, #tpu.memory_space<vmem>>
        %dma_start3A_232 = tpu.memref_slice %arg4[%multiple_of3A_186] : memref<320000xi32, #tpu.memory_space<hbm>> -> memref<128xi32, #tpu.memory_space<hbm>>
        %dma_start3A_233 = arith.constant 0 : i32
        %dma_start3A_234 = tpu.memref_slice %arg8[%run_scoped3A_187, %dma_start3A_233] : memref<3x128xi32, #tpu.memory_space<vmem>> -> memref<1x128xi32, #tpu.memory_space<vmem>>
        %dma_start3A_235 = tpu.memref_squeeze %dma_start3A_234 : memref<1x128xi32, #tpu.memory_space<vmem>> -> memref<128xi32, #tpu.memory_space<vmem>>
        %dma_start3A_236 = tpu.memref_slice %arg4[%multiple_of3A_186] : memref<320000xi32, #tpu.memory_space<hbm>> -> memref<128xi32, #tpu.memory_space<hbm>>
        tpu.enqueue_dma source(%dma_start3A_236 : memref<128xi32, #tpu.memory_space<hbm>>) target(%dma_start3A_235 : memref<128xi32, #tpu.memory_space<vmem>>) target_semaphore(%run_scoped3A_228 : memref<!tpu.dma_semaphore, #tpu.memory_space<semaphore_mem>>)
        %dma_wait3A_237 = arith.constant 0 : i32
        %dma_wait3A_238 = tpu.memref_slice %arg8[%run_scoped3A_187, %dma_wait3A_237] : memref<3x128xi32, #tpu.memory_space<vmem>> -> memref<1x128xi32, #tpu.memory_space<vmem>>
        %dma_wait3A_239 = tpu.memref_squeeze %dma_wait3A_238 : memref<1x128xi32, #tpu.memory_space<vmem>> -> memref<128xi32, #tpu.memory_space<vmem>>
        %dma_wait3A_240 = tpu.memref_slice %arg4[%multiple_of3A_186] : memref<320000xi32, #tpu.memory_space<hbm>> -> memref<128xi32, #tpu.memory_space<hbm>>
        %dma_wait3A_241 = arith.constant 0 : i32
        %dma_wait3A_242 = tpu.memref_slice %arg8[%run_scoped3A_187, %dma_wait3A_241] : memref<3x128xi32, #tpu.memory_space<vmem>> -> memref<1x128xi32, #tpu.memory_space<vmem>>
        %dma_wait3A_243 = tpu.memref_squeeze %dma_wait3A_242 : memref<1x128xi32, #tpu.memory_space<vmem>> -> memref<128xi32, #tpu.memory_space<vmem>>
        %dma_wait3A_244 = tpu.memref_slice %arg4[%multiple_of3A_186] : memref<320000xi32, #tpu.memory_space<hbm>> -> memref<128xi32, #tpu.memory_space<hbm>>
        tpu.wait_dma2 semaphore(%run_scoped3A_228 : memref<!tpu.dma_semaphore, #tpu.memory_space<semaphore_mem>>) src(%dma_wait3A_244 : memref<128xi32, #tpu.memory_space<hbm>>) dst(%dma_wait3A_243 : memref<128xi32, #tpu.memory_space<vmem>>)
        tpu.yield
      }) : () -> ()
      %run_scoped3A_188 = arith.constant 2 : i32
      "tpu.region"() ({
        %run_scoped3A_228 = tpu.sem_alloc : memref<!tpu.dma_semaphore, #tpu.memory_space<semaphore_mem>>
        %dma_start3A_229 = arith.constant 0 : i32
        %dma_start3A_230 = tpu.memref_slice %arg7[%run_scoped3A_188, %dma_start3A_229] : memref<3x128xi32, #tpu.memory_space<vmem>> -> memref<1x128xi32, #tpu.memory_space<vmem>>
        %dma_start3A_231 = tpu.memref_squeeze %dma_start3A_230 : memref<1x128xi32, #tpu.memory_space<vmem>> -> memref<128xi32, #tpu.memory_space<vmem>>
        %dma_start3A_232 = tpu.memref_slice %arg3[%multiple_of3A_186] : memref<320000xi32, #tpu.memory_space<hbm>> -> memref<128xi32, #tpu.memory_space<hbm>>
        %dma_start3A_233 = arith.constant 0 : i32
        %dma_start3A_234 = tpu.memref_slice %arg7[%run_scoped3A_188, %dma_start3A_233] : memref<3x128xi32, #tpu.memory_space<vmem>> -> memref<1x128xi32, #tpu.memory_space<vmem>>
        %dma_start3A_235 = tpu.memref_squeeze %dma_start3A_234 : memref<1x128xi32, #tpu.memory_space<vmem>> -> memref<128xi32, #tpu.memory_space<vmem>>
        %dma_start3A_236 = tpu.memref_slice %arg3[%multiple_of3A_186] : memref<320000xi32, #tpu.memory_space<hbm>> -> memref<128xi32, #tpu.memory_space<hbm>>
        tpu.enqueue_dma source(%dma_start3A_236 : memref<128xi32, #tpu.memory_space<hbm>>) target(%dma_start3A_235 : memref<128xi32, #tpu.memory_space<vmem>>) target_semaphore(%run_scoped3A_228 : memref<!tpu.dma_semaphore, #tpu.memory_space<semaphore_mem>>)
        %dma_wait3A_237 = arith.constant 0 : i32
        %dma_wait3A_238 = tpu.memref_slice %arg7[%run_scoped3A_188, %dma_wait3A_237] : memref<3x128xi32, #tpu.memory_space<vmem>> -> memref<1x128xi32, #tpu.memory_space<vmem>>
        %dma_wait3A_239 = tpu.memref_squeeze %dma_wait3A_238 : memref<1x128xi32, #tpu.memory_space<vmem>> -> memref<128xi32, #tpu.memory_space<vmem>>
        %dma_wait3A_240 = tpu.memref_slice %arg3[%multiple_of3A_186] : memref<320000xi32, #tpu.memory_space<hbm>> -> memref<128xi32, #tpu.memory_space<hbm>>
        %dma_wait3A_241 = arith.constant 0 : i32
        %dma_wait3A_242 = tpu.memref_slice %arg7[%run_scoped3A_188, %dma_wait3A_241] : memref<3x128xi32, #tpu.memory_space<vmem>> -> memref<1x128xi32, #tpu.memory_space<vmem>>
        %dma_wait3A_243 = tpu.memref_squeeze %dma_wait3A_242 : memref<1x128xi32, #tpu.memory_space<vmem>> -> memref<128xi32, #tpu.memory_space<vmem>>
        %dma_wait3A_244 = tpu.memref_slice %arg3[%multiple_of3A_186] : memref<320000xi32, #tpu.memory_space<hbm>> -> memref<128xi32, #tpu.memory_space<hbm>>
        tpu.wait_dma2 semaphore(%run_scoped3A_228 : memref<!tpu.dma_semaphore, #tpu.memory_space<semaphore_mem>>) src(%dma_wait3A_244 : memref<128xi32, #tpu.memory_space<hbm>>) dst(%dma_wait3A_243 : memref<128xi32, #tpu.memory_space<vmem>>)
        tpu.yield
      }) : () -> ()
      %dma_start3A_189 = arith.constant 2 : i32
      %dma_start3A_190 = arith.constant 2 : i32
      %dma_start3A_191 = arith.constant 0 : i32
      %dma_start3A_192 = arith.constant 0 : i32
      %dma_start3A_193 = tpu.memref_slice %arg9[%dma_start3A_190, %dma_start3A_191, %dma_start3A_192] : memref<3x128x128xf32, #tpu.memory_space<vmem>> -> memref<1x128x128xf32, #tpu.memory_space<vmem>>
      %dma_start3A_194 = tpu.memref_squeeze %dma_start3A_193 : memref<1x128x128xf32, #tpu.memory_space<vmem>> -> memref<128x128xf32, #tpu.memory_space<vmem>>
      %dma_start3A_195 = arith.constant 0 : i32
      %dma_start3A_196 = tpu.memref_slice %arg7[%dma_start3A_189, %dma_start3A_195] : memref<3x128xi32, #tpu.memory_space<vmem>> -> memref<1x128xi32, #tpu.memory_space<vmem>>
      %dma_start3A_197 = tpu.memref_squeeze %dma_start3A_196 : memref<1x128xi32, #tpu.memory_space<vmem>> -> memref<128xi32, #tpu.memory_space<vmem>>
      %dma_start3A_198 = arith.constant 0 : i32
      %dma_start3A_199 = arith.constant 0 : i32
      %dma_start3A_200 = tpu.memref_slice %arg2[%dma_start3A_198, %dma_start3A_199] : memref<10000x128xf32, #tpu.memory_space<hbm>> -> memref<10000x128xf32, #tpu.memory_space<hbm>>
      tpu.enqueue_indirect_dma source(%dma_start3A_200 : memref<10000x128xf32, #tpu.memory_space<hbm>>) target(%dma_start3A_194 : memref<128x128xf32, #tpu.memory_space<vmem>>) offsets(%dma_start3A_197 : memref<128xi32, #tpu.memory_space<vmem>>) semaphore(%arg13 : memref<!tpu.dma_semaphore, #tpu.memory_space<semaphore_mem>>)
      %dma_wait3A_201 = arith.constant 1 : i32
      %dma_wait3A_202 = arith.constant 0 : i32
      %dma_wait3A_203 = arith.constant 0 : i32
      %dma_wait3A_204 = tpu.memref_slice %arg9[%dma_wait3A_201, %dma_wait3A_202, %dma_wait3A_203] : memref<3x128x128xf32, #tpu.memory_space<vmem>> -> memref<1x128x128xf32, #tpu.memory_space<vmem>>
      %dma_wait3A_205 = tpu.memref_squeeze %dma_wait3A_204 : memref<1x128x128xf32, #tpu.memory_space<vmem>> -> memref<128x128xf32, #tpu.memory_space<vmem>>
      %dma_wait3A_206 = arith.constant 0 : i32
      %dma_wait3A_207 = arith.constant 0 : i32
      %dma_wait3A_208 = tpu.memref_slice %arg5[%dma_wait3A_206, %dma_wait3A_207] : memref<10112x128xf32, #tpu.memory_space<hbm>> -> memref<128x128xf32, #tpu.memory_space<hbm>>
      %dma_wait3A_209 = arith.constant 0 : i32
      %dma_wait3A_210 = arith.constant 0 : i32
      %dma_wait3A_211 = tpu.memref_slice %arg9[%dma_wait3A_201, %dma_wait3A_209, %dma_wait3A_210] : memref<3x128x128xf32, #tpu.memory_space<vmem>> -> memref<1x128x128xf32, #tpu.memory_space<vmem>>
      %dma_wait3A_212 = tpu.memref_squeeze %dma_wait3A_211 : memref<1x128x128xf32, #tpu.memory_space<vmem>> -> memref<128x128xf32, #tpu.memory_space<vmem>>
      %dma_wait3A_213 = arith.constant 0 : i32
      %dma_wait3A_214 = arith.constant 0 : i32
      %dma_wait3A_215 = tpu.memref_slice %arg5[%dma_wait3A_213, %dma_wait3A_214] : memref<10112x128xf32, #tpu.memory_space<hbm>> -> memref<128x128xf32, #tpu.memory_space<hbm>>
      tpu.wait_dma2 semaphore(%arg12 : memref<!tpu.dma_semaphore, #tpu.memory_space<semaphore_mem>>) src(%dma_wait3A_215 : memref<128x128xf32, #tpu.memory_space<hbm>>) dst(%dma_wait3A_212 : memref<128x128xf32, #tpu.memory_space<vmem>>)
      %dma_start3A_216 = arith.constant 1 : i32
      %dma_start3A_217 = arith.constant 1 : i32
      %dma_start3A_218 = arith.constant 0 : i32
      %dma_start3A_219 = arith.constant 0 : i32
      %dma_start3A_220 = tpu.memref_slice %arg9[%dma_start3A_216, %dma_start3A_218, %dma_start3A_219] : memref<3x128x128xf32, #tpu.memory_space<vmem>> -> memref<1x128x128xf32, #tpu.memory_space<vmem>>
      %dma_start3A_221 = tpu.memref_squeeze %dma_start3A_220 : memref<1x128x128xf32, #tpu.memory_space<vmem>> -> memref<128x128xf32, #tpu.memory_space<vmem>>
      %dma_start3A_222 = arith.constant 0 : i32
      %dma_start3A_223 = tpu.memref_slice %arg8[%dma_start3A_217, %dma_start3A_222] : memref<3x128xi32, #tpu.memory_space<vmem>> -> memref<1x128xi32, #tpu.memory_space<vmem>>
      %dma_start3A_224 = tpu.memref_squeeze %dma_start3A_223 : memref<1x128xi32, #tpu.memory_space<vmem>> -> memref<128xi32, #tpu.memory_space<vmem>>
      %dma_start3A_225 = arith.constant 0 : i32
      %dma_start3A_226 = arith.constant 0 : i32
      %dma_start3A_227 = tpu.memref_slice %arg10[%dma_start3A_225, %dma_start3A_226] : memref<10112x128xf32, #tpu.memory_space<vmem_shared>> -> memref<10112x128xf32, #tpu.memory_space<vmem_shared>>
      tpu.enqueue_indirect_dma source(%dma_start3A_221 : memref<128x128xf32, #tpu.memory_space<vmem>>) target(%dma_start3A_227 : memref<10112x128xf32, #tpu.memory_space<vmem_shared>>) offsets(%dma_start3A_224 : memref<128xi32, #tpu.memory_space<vmem>>) semaphore(%arg15 : memref<!tpu.dma_semaphore, #tpu.memory_space<semaphore_mem>>) {add = true}
    }
    %scan3A_7 = arith.constant 26 : i32
    %dma_wait3A = arith.constant 2 : i32
    %dma_wait3A_8 = arith.constant 0 : i32
    %dma_wait3A_9 = arith.constant 0 : i32
    %dma_wait3A_10 = tpu.memref_slice %arg9[%dma_wait3A, %dma_wait3A_8, %dma_wait3A_9] : memref<3x128x128xf32, #tpu.memory_space<vmem>> -> memref<1x128x128xf32, #tpu.memory_space<vmem>>
    %dma_wait3A_11 = tpu.memref_squeeze %dma_wait3A_10 : memref<1x128x128xf32, #tpu.memory_space<vmem>> -> memref<128x128xf32, #tpu.memory_space<vmem>>
    %dma_wait3A_12 = arith.constant 0 : i32
    %dma_wait3A_13 = arith.constant 0 : i32
    %dma_wait3A_14 = tpu.memref_slice %arg5[%dma_wait3A_12, %dma_wait3A_13] : memref<10112x128xf32, #tpu.memory_space<hbm>> -> memref<128x128xf32, #tpu.memory_space<hbm>>
    %dma_wait3A_15 = arith.constant 0 : i32
    %dma_wait3A_16 = arith.constant 0 : i32
    %dma_wait3A_17 = tpu.memref_slice %arg9[%dma_wait3A, %dma_wait3A_15, %dma_wait3A_16] : memref<3x128x128xf32, #tpu.memory_space<vmem>> -> memref<1x128x128xf32, #tpu.memory_space<vmem>>
    %dma_wait3A_18 = tpu.memref_squeeze %dma_wait3A_17 : memref<1x128x128xf32, #tpu.memory_space<vmem>> -> memref<128x128xf32, #tpu.memory_space<vmem>>
    %dma_wait3A_19 = arith.constant 0 : i32
    %dma_wait3A_20 = arith.constant 0 : i32
    %dma_wait3A_21 = tpu.memref_slice %arg5[%dma_wait3A_19, %dma_wait3A_20] : memref<10112x128xf32, #tpu.memory_space<hbm>> -> memref<128x128xf32, #tpu.memory_space<hbm>>
    tpu.wait_dma2 semaphore(%arg13 : memref<!tpu.dma_semaphore, #tpu.memory_space<semaphore_mem>>) src(%dma_wait3A_21 : memref<128x128xf32, #tpu.memory_space<hbm>>) dst(%dma_wait3A_18 : memref<128x128xf32, #tpu.memory_space<vmem>>)
    %dma_start3A = arith.constant 2 : i32
    %dma_start3A_22 = arith.constant 2 : i32
    %dma_start3A_23 = arith.constant 0 : i32
    %dma_start3A_24 = arith.constant 0 : i32
    %dma_start3A_25 = tpu.memref_slice %arg9[%dma_start3A, %dma_start3A_23, %dma_start3A_24] : memref<3x128x128xf32, #tpu.memory_space<vmem>> -> memref<1x128x128xf32, #tpu.memory_space<vmem>>
    %dma_start3A_26 = tpu.memref_squeeze %dma_start3A_25 : memref<1x128x128xf32, #tpu.memory_space<vmem>> -> memref<128x128xf32, #tpu.memory_space<vmem>>
    %dma_start3A_27 = arith.constant 0 : i32
    %dma_start3A_28 = tpu.memref_slice %arg8[%dma_start3A_22, %dma_start3A_27] : memref<3x128xi32, #tpu.memory_space<vmem>> -> memref<1x128xi32, #tpu.memory_space<vmem>>
    %dma_start3A_29 = tpu.memref_squeeze %dma_start3A_28 : memref<1x128xi32, #tpu.memory_space<vmem>> -> memref<128xi32, #tpu.memory_space<vmem>>
    %dma_start3A_30 = arith.constant 0 : i32
    %dma_start3A_31 = arith.constant 0 : i32
    %dma_start3A_32 = tpu.memref_slice %arg10[%dma_start3A_30, %dma_start3A_31] : memref<10112x128xf32, #tpu.memory_space<vmem_shared>> -> memref<10112x128xf32, #tpu.memory_space<vmem_shared>>
    tpu.enqueue_indirect_dma source(%dma_start3A_26 : memref<128x128xf32, #tpu.memory_space<vmem>>) target(%dma_start3A_32 : memref<10112x128xf32, #tpu.memory_space<vmem_shared>>) offsets(%dma_start3A_29 : memref<128xi32, #tpu.memory_space<vmem>>) semaphore(%arg16 : memref<!tpu.dma_semaphore, #tpu.memory_space<semaphore_mem>>) {add = true}
    %dma_wait3A_33 = arith.constant 0 : i32
    %dma_wait3A_34 = arith.constant 0 : i32
    %dma_wait3A_35 = arith.constant 0 : i32
    %dma_wait3A_36 = tpu.memref_slice %arg9[%dma_wait3A_33, %dma_wait3A_34, %dma_wait3A_35] : memref<3x128x128xf32, #tpu.memory_space<vmem>> -> memref<1x128x128xf32, #tpu.memory_space<vmem>>
    %dma_wait3A_37 = tpu.memref_squeeze %dma_wait3A_36 : memref<1x128x128xf32, #tpu.memory_space<vmem>> -> memref<128x128xf32, #tpu.memory_space<vmem>>
    %dma_wait3A_38 = arith.constant 0 : i32
    %dma_wait3A_39 = arith.constant 0 : i32
    %dma_wait3A_40 = tpu.memref_slice %arg5[%dma_wait3A_38, %dma_wait3A_39] : memref<10112x128xf32, #tpu.memory_space<hbm>> -> memref<128x128xf32, #tpu.memory_space<hbm>>
    %dma_wait3A_41 = arith.constant 0 : i32
    %dma_wait3A_42 = arith.constant 0 : i32
    %dma_wait3A_43 = tpu.memref_slice %arg9[%dma_wait3A_33, %dma_wait3A_41, %dma_wait3A_42] : memref<3x128x128xf32, #tpu.memory_space<vmem>> -> memref<1x128x128xf32, #tpu.memory_space<vmem>>
    %dma_wait3A_44 = tpu.memref_squeeze %dma_wait3A_43 : memref<1x128x128xf32, #tpu.memory_space<vmem>> -> memref<128x128xf32, #tpu.memory_space<vmem>>
    %dma_wait3A_45 = arith.constant 0 : i32
    %dma_wait3A_46 = arith.constant 0 : i32
    %dma_wait3A_47 = tpu.memref_slice %arg5[%dma_wait3A_45, %dma_wait3A_46] : memref<10112x128xf32, #tpu.memory_space<hbm>> -> memref<128x128xf32, #tpu.memory_space<hbm>>
    tpu.wait_dma2 semaphore(%arg14 : memref<!tpu.dma_semaphore, #tpu.memory_space<semaphore_mem>>) src(%dma_wait3A_47 : memref<128x128xf32, #tpu.memory_space<hbm>>) dst(%dma_wait3A_44 : memref<128x128xf32, #tpu.memory_space<vmem>>)
    %dma_wait3A_48 = arith.constant 1 : i32
    %dma_wait3A_49 = arith.constant 0 : i32
    %dma_wait3A_50 = arith.constant 0 : i32
    %dma_wait3A_51 = tpu.memref_slice %arg9[%dma_wait3A_48, %dma_wait3A_49, %dma_wait3A_50] : memref<3x128x128xf32, #tpu.memory_space<vmem>> -> memref<1x128x128xf32, #tpu.memory_space<vmem>>
    %dma_wait3A_52 = tpu.memref_squeeze %dma_wait3A_51 : memref<1x128x128xf32, #tpu.memory_space<vmem>> -> memref<128x128xf32, #tpu.memory_space<vmem>>
    %dma_wait3A_53 = arith.constant 0 : i32
    %dma_wait3A_54 = arith.constant 0 : i32
    %dma_wait3A_55 = tpu.memref_slice %arg5[%dma_wait3A_53, %dma_wait3A_54] : memref<10112x128xf32, #tpu.memory_space<hbm>> -> memref<128x128xf32, #tpu.memory_space<hbm>>
    %dma_wait3A_56 = arith.constant 0 : i32
    %dma_wait3A_57 = arith.constant 0 : i32
    %dma_wait3A_58 = tpu.memref_slice %arg9[%dma_wait3A_48, %dma_wait3A_56, %dma_wait3A_57] : memref<3x128x128xf32, #tpu.memory_space<vmem>> -> memref<1x128x128xf32, #tpu.memory_space<vmem>>
    %dma_wait3A_59 = tpu.memref_squeeze %dma_wait3A_58 : memref<1x128x128xf32, #tpu.memory_space<vmem>> -> memref<128x128xf32, #tpu.memory_space<vmem>>
    %dma_wait3A_60 = arith.constant 0 : i32
    %dma_wait3A_61 = arith.constant 0 : i32
    %dma_wait3A_62 = tpu.memref_slice %arg5[%dma_wait3A_60, %dma_wait3A_61] : memref<10112x128xf32, #tpu.memory_space<hbm>> -> memref<128x128xf32, #tpu.memory_space<hbm>>
    tpu.wait_dma2 semaphore(%arg15 : memref<!tpu.dma_semaphore, #tpu.memory_space<semaphore_mem>>) src(%dma_wait3A_62 : memref<128x128xf32, #tpu.memory_space<hbm>>) dst(%dma_wait3A_59 : memref<128x128xf32, #tpu.memory_space<vmem>>)
    %dma_wait3A_63 = arith.constant 2 : i32
    %dma_wait3A_64 = arith.constant 0 : i32
    %dma_wait3A_65 = arith.constant 0 : i32
    %dma_wait3A_66 = tpu.memref_slice %arg9[%dma_wait3A_63, %dma_wait3A_64, %dma_wait3A_65] : memref<3x128x128xf32, #tpu.memory_space<vmem>> -> memref<1x128x128xf32, #tpu.memory_space<vmem>>
    %dma_wait3A_67 = tpu.memref_squeeze %dma_wait3A_66 : memref<1x128x128xf32, #tpu.memory_space<vmem>> -> memref<128x128xf32, #tpu.memory_space<vmem>>
    %dma_wait3A_68 = arith.constant 0 : i32
    %dma_wait3A_69 = arith.constant 0 : i32
    %dma_wait3A_70 = tpu.memref_slice %arg5[%dma_wait3A_68, %dma_wait3A_69] : memref<10112x128xf32, #tpu.memory_space<hbm>> -> memref<128x128xf32, #tpu.memory_space<hbm>>
    %dma_wait3A_71 = arith.constant 0 : i32
    %dma_wait3A_72 = arith.constant 0 : i32
    %dma_wait3A_73 = tpu.memref_slice %arg9[%dma_wait3A_63, %dma_wait3A_71, %dma_wait3A_72] : memref<3x128x128xf32, #tpu.memory_space<vmem>> -> memref<1x128x128xf32, #tpu.memory_space<vmem>>
    %dma_wait3A_74 = tpu.memref_squeeze %dma_wait3A_73 : memref<1x128x128xf32, #tpu.memory_space<vmem>> -> memref<128x128xf32, #tpu.memory_space<vmem>>
    %dma_wait3A_75 = arith.constant 0 : i32
    %dma_wait3A_76 = arith.constant 0 : i32
    %dma_wait3A_77 = tpu.memref_slice %arg5[%dma_wait3A_75, %dma_wait3A_76] : memref<10112x128xf32, #tpu.memory_space<hbm>> -> memref<128x128xf32, #tpu.memory_space<hbm>>
    tpu.wait_dma2 semaphore(%arg16 : memref<!tpu.dma_semaphore, #tpu.memory_space<semaphore_mem>>) src(%dma_wait3A_77 : memref<128x128xf32, #tpu.memory_space<hbm>>) dst(%dma_wait3A_74 : memref<128x128xf32, #tpu.memory_space<vmem>>)
    %lt3A = arith.constant 4 : i32
    %lt3A_78 = arith.cmpi slt, %add3A, %lt3A : i32
    %convert_element_type3A = arith.extui %lt3A_78 : i1 to i32
    %cond3A = arith.constant 0 : i32
    %cond3A_79 = arith.cmpi ne, %convert_element_type3A, %cond3A : i32
    scf.if %cond3A_79 {
      %add3A_84 = arith.constant 2496 : i32
      %add3A_85 = arith.addi %add3A, %add3A_84 : i32
      %mul3A_86 = arith.constant 128 : i32
      %mul3A_87 = arith.muli %add3A_85, %mul3A_86 : i32
      %multiple_of3A = tpu.assume_multiple %mul3A_87, 128 : i32
      %run_scoped3A = arith.constant 0 : i32
      "tpu.region"() ({
        %run_scoped3A_115 = tpu.sem_alloc : memref<!tpu.dma_semaphore, #tpu.memory_space<semaphore_mem>>
        %dma_start3A_116 = arith.constant 0 : i32
        %dma_start3A_117 = tpu.memref_slice %arg8[%run_scoped3A, %dma_start3A_116] : memref<3x128xi32, #tpu.memory_space<vmem>> -> memref<1x128xi32, #tpu.memory_space<vmem>>
        %dma_start3A_118 = tpu.memref_squeeze %dma_start3A_117 : memref<1x128xi32, #tpu.memory_space<vmem>> -> memref<128xi32, #tpu.memory_space<vmem>>
        %dma_start3A_119 = tpu.memref_slice %arg4[%multiple_of3A] : memref<320000xi32, #tpu.memory_space<hbm>> -> memref<128xi32, #tpu.memory_space<hbm>>
        %dma_start3A_120 = arith.constant 0 : i32
        %dma_start3A_121 = tpu.memref_slice %arg8[%run_scoped3A, %dma_start3A_120] : memref<3x128xi32, #tpu.memory_space<vmem>> -> memref<1x128xi32, #tpu.memory_space<vmem>>
        %dma_start3A_122 = tpu.memref_squeeze %dma_start3A_121 : memref<1x128xi32, #tpu.memory_space<vmem>> -> memref<128xi32, #tpu.memory_space<vmem>>
        %dma_start3A_123 = tpu.memref_slice %arg4[%multiple_of3A] : memref<320000xi32, #tpu.memory_space<hbm>> -> memref<128xi32, #tpu.memory_space<hbm>>
        tpu.enqueue_dma source(%dma_start3A_123 : memref<128xi32, #tpu.memory_space<hbm>>) target(%dma_start3A_122 : memref<128xi32, #tpu.memory_space<vmem>>) target_semaphore(%run_scoped3A_115 : memref<!tpu.dma_semaphore, #tpu.memory_space<semaphore_mem>>)
        %dma_wait3A_124 = arith.constant 0 : i32
        %dma_wait3A_125 = tpu.memref_slice %arg8[%run_scoped3A, %dma_wait3A_124] : memref<3x128xi32, #tpu.memory_space<vmem>> -> memref<1x128xi32, #tpu.memory_space<vmem>>
        %dma_wait3A_126 = tpu.memref_squeeze %dma_wait3A_125 : memref<1x128xi32, #tpu.memory_space<vmem>> -> memref<128xi32, #tpu.memory_space<vmem>>
        %dma_wait3A_127 = tpu.memref_slice %arg4[%multiple_of3A] : memref<320000xi32, #tpu.memory_space<hbm>> -> memref<128xi32, #tpu.memory_space<hbm>>
        %dma_wait3A_128 = arith.constant 0 : i32
        %dma_wait3A_129 = tpu.memref_slice %arg8[%run_scoped3A, %dma_wait3A_128] : memref<3x128xi32, #tpu.memory_space<vmem>> -> memref<1x128xi32, #tpu.memory_space<vmem>>
        %dma_wait3A_130 = tpu.memref_squeeze %dma_wait3A_129 : memref<1x128xi32, #tpu.memory_space<vmem>> -> memref<128xi32, #tpu.memory_space<vmem>>
        %dma_wait3A_131 = tpu.memref_slice %arg4[%multiple_of3A] : memref<320000xi32, #tpu.memory_space<hbm>> -> memref<128xi32, #tpu.memory_space<hbm>>
        tpu.wait_dma2 semaphore(%run_scoped3A_115 : memref<!tpu.dma_semaphore, #tpu.memory_space<semaphore_mem>>) src(%dma_wait3A_131 : memref<128xi32, #tpu.memory_space<hbm>>) dst(%dma_wait3A_130 : memref<128xi32, #tpu.memory_space<vmem>>)
        tpu.yield
      }) : () -> ()
      %run_scoped3A_88 = arith.constant 0 : i32
      "tpu.region"() ({
        %run_scoped3A_115 = tpu.sem_alloc : memref<!tpu.dma_semaphore, #tpu.memory_space<semaphore_mem>>
        %dma_start3A_116 = arith.constant 0 : i32
        %dma_start3A_117 = tpu.memref_slice %arg7[%run_scoped3A_88, %dma_start3A_116] : memref<3x128xi32, #tpu.memory_space<vmem>> -> memref<1x128xi32, #tpu.memory_space<vmem>>
        %dma_start3A_118 = tpu.memref_squeeze %dma_start3A_117 : memref<1x128xi32, #tpu.memory_space<vmem>> -> memref<128xi32, #tpu.memory_space<vmem>>
        %dma_start3A_119 = tpu.memref_slice %arg3[%multiple_of3A] : memref<320000xi32, #tpu.memory_space<hbm>> -> memref<128xi32, #tpu.memory_space<hbm>>
        %dma_start3A_120 = arith.constant 0 : i32
        %dma_start3A_121 = tpu.memref_slice %arg7[%run_scoped3A_88, %dma_start3A_120] : memref<3x128xi32, #tpu.memory_space<vmem>> -> memref<1x128xi32, #tpu.memory_space<vmem>>
        %dma_start3A_122 = tpu.memref_squeeze %dma_start3A_121 : memref<1x128xi32, #tpu.memory_space<vmem>> -> memref<128xi32, #tpu.memory_space<vmem>>
        %dma_start3A_123 = tpu.memref_slice %arg3[%multiple_of3A] : memref<320000xi32, #tpu.memory_space<hbm>> -> memref<128xi32, #tpu.memory_space<hbm>>
        tpu.enqueue_dma source(%dma_start3A_123 : memref<128xi32, #tpu.memory_space<hbm>>) target(%dma_start3A_122 : memref<128xi32, #tpu.memory_space<vmem>>) target_semaphore(%run_scoped3A_115 : memref<!tpu.dma_semaphore, #tpu.memory_space<semaphore_mem>>)
        %dma_wait3A_124 = arith.constant 0 : i32
        %dma_wait3A_125 = tpu.memref_slice %arg7[%run_scoped3A_88, %dma_wait3A_124] : memref<3x128xi32, #tpu.memory_space<vmem>> -> memref<1x128xi32, #tpu.memory_space<vmem>>
        %dma_wait3A_126 = tpu.memref_squeeze %dma_wait3A_125 : memref<1x128xi32, #tpu.memory_space<vmem>> -> memref<128xi32, #tpu.memory_space<vmem>>
        %dma_wait3A_127 = tpu.memref_slice %arg3[%multiple_of3A] : memref<320000xi32, #tpu.memory_space<hbm>> -> memref<128xi32, #tpu.memory_space<hbm>>
        %dma_wait3A_128 = arith.constant 0 : i32
        %dma_wait3A_129 = tpu.memref_slice %arg7[%run_scoped3A_88, %dma_wait3A_128] : memref<3x128xi32, #tpu.memory_space<vmem>> -> memref<1x128xi32, #tpu.memory_space<vmem>>
        %dma_wait3A_130 = tpu.memref_squeeze %dma_wait3A_129 : memref<1x128xi32, #tpu.memory_space<vmem>> -> memref<128xi32, #tpu.memory_space<vmem>>
        %dma_wait3A_131 = tpu.memref_slice %arg3[%multiple_of3A] : memref<320000xi32, #tpu.memory_space<hbm>> -> memref<128xi32, #tpu.memory_space<hbm>>
        tpu.wait_dma2 semaphore(%run_scoped3A_115 : memref<!tpu.dma_semaphore, #tpu.memory_space<semaphore_mem>>) src(%dma_wait3A_131 : memref<128xi32, #tpu.memory_space<hbm>>) dst(%dma_wait3A_130 : memref<128xi32, #tpu.memory_space<vmem>>)
        tpu.yield
      }) : () -> ()
      %dma_start3A_89 = arith.constant 0 : i32
      %dma_start3A_90 = arith.constant 0 : i32
      %dma_start3A_91 = arith.constant 0 : i32
      %dma_start3A_92 = arith.constant 0 : i32
      %dma_start3A_93 = tpu.memref_slice %arg9[%dma_start3A_90, %dma_start3A_91, %dma_start3A_92] : memref<3x128x128xf32, #tpu.memory_space<vmem>> -> memref<1x128x128xf32, #tpu.memory_space<vmem>>
      %dma_start3A_94 = tpu.memref_squeeze %dma_start3A_93 : memref<1x128x128xf32, #tpu.memory_space<vmem>> -> memref<128x128xf32, #tpu.memory_space<vmem>>
      %dma_start3A_95 = arith.constant 0 : i32
      %dma_start3A_96 = tpu.memref_slice %arg7[%dma_start3A_89, %dma_start3A_95] : memref<3x128xi32, #tpu.memory_space<vmem>> -> memref<1x128xi32, #tpu.memory_space<vmem>>
      %dma_start3A_97 = tpu.memref_squeeze %dma_start3A_96 : memref<1x128xi32, #tpu.memory_space<vmem>> -> memref<128xi32, #tpu.memory_space<vmem>>
      %dma_start3A_98 = arith.constant 0 : i32
      %dma_start3A_99 = arith.constant 0 : i32
      %dma_start3A_100 = tpu.memref_slice %arg2[%dma_start3A_98, %dma_start3A_99] : memref<10000x128xf32, #tpu.memory_space<hbm>> -> memref<10000x128xf32, #tpu.memory_space<hbm>>
      tpu.enqueue_indirect_dma source(%dma_start3A_100 : memref<10000x128xf32, #tpu.memory_space<hbm>>) target(%dma_start3A_94 : memref<128x128xf32, #tpu.memory_space<vmem>>) offsets(%dma_start3A_97 : memref<128xi32, #tpu.memory_space<vmem>>) semaphore(%arg11 : memref<!tpu.dma_semaphore, #tpu.memory_space<semaphore_mem>>)
      %dma_wait3A_101 = arith.constant 0 : i32
      %dma_wait3A_102 = arith.constant 0 : i32
      %dma_wait3A_103 = arith.constant 0 : i32
      %dma_wait3A_104 = arith.constant 0 : i32
      %dma_wait3A_105 = tpu.memref_slice %arg9[%dma_wait3A_102, %dma_wait3A_103, %dma_wait3A_104] : memref<3x128x128xf32, #tpu.memory_space<vmem>> -> memref<1x128x128xf32, #tpu.memory_space<vmem>>
      %dma_wait3A_106 = tpu.memref_squeeze %dma_wait3A_105 : memref<1x128x128xf32, #tpu.memory_space<vmem>> -> memref<128x128xf32, #tpu.memory_space<vmem>>
      %dma_wait3A_107 = arith.constant 0 : i32
      %dma_wait3A_108 = tpu.memref_slice %arg7[%dma_wait3A_101, %dma_wait3A_107] : memref<3x128xi32, #tpu.memory_space<vmem>> -> memref<1x128xi32, #tpu.memory_space<vmem>>
      %dma_wait3A_109 = tpu.memref_squeeze %dma_wait3A_108 : memref<1x128xi32, #tpu.memory_space<vmem>> -> memref<128xi32, #tpu.memory_space<vmem>>
      %dma_wait3A_110 = arith.constant 0 : i32
      %dma_wait3A_111 = arith.constant 0 : i32
      %dma_wait3A_112 = tpu.memref_slice %arg2[%dma_wait3A_110, %dma_wait3A_111] : memref<10000x128xf32, #tpu.memory_space<hbm>> -> memref<10000x128xf32, #tpu.memory_space<hbm>>
      tpu.wait_indirect_dma semaphore(%arg11 : memref<!tpu.dma_semaphore, #tpu.memory_space<semaphore_mem>>) src(%dma_wait3A_112 : memref<10000x128xf32, #tpu.memory_space<hbm>>) dst(%dma_wait3A_106 : memref<128x128xf32, #tpu.memory_space<vmem>>)
      %run_scoped3A_113 = arith.constant 0 : i32
      %run_scoped3A_114 = arith.constant 0 : i32
      "tpu.region"() ({
        %run_scoped3A_115 = tpu.sem_alloc : memref<!tpu.dma_semaphore, #tpu.memory_space<semaphore_mem>>
        %dma_start3A_116 = arith.constant 0 : i32
        %dma_start3A_117 = arith.constant 0 : i32
        %dma_start3A_118 = tpu.memref_slice %arg9[%run_scoped3A_113, %dma_start3A_116, %dma_start3A_117] : memref<3x128x128xf32, #tpu.memory_space<vmem>> -> memref<1x128x128xf32, #tpu.memory_space<vmem>>
        %dma_start3A_119 = tpu.memref_squeeze %dma_start3A_118 : memref<1x128x128xf32, #tpu.memory_space<vmem>> -> memref<128x128xf32, #tpu.memory_space<vmem>>
        %dma_start3A_120 = arith.constant 0 : i32
        %dma_start3A_121 = tpu.memref_slice %arg8[%run_scoped3A_114, %dma_start3A_120] : memref<3x128xi32, #tpu.memory_space<vmem>> -> memref<1x128xi32, #tpu.memory_space<vmem>>
        %dma_start3A_122 = tpu.memref_squeeze %dma_start3A_121 : memref<1x128xi32, #tpu.memory_space<vmem>> -> memref<128xi32, #tpu.memory_space<vmem>>
        %dma_start3A_123 = arith.constant 0 : i32
        %dma_start3A_124 = arith.constant 0 : i32
        %dma_start3A_125 = tpu.memref_slice %arg10[%dma_start3A_123, %dma_start3A_124] : memref<10112x128xf32, #tpu.memory_space<vmem_shared>> -> memref<10112x128xf32, #tpu.memory_space<vmem_shared>>
        tpu.enqueue_indirect_dma source(%dma_start3A_119 : memref<128x128xf32, #tpu.memory_space<vmem>>) target(%dma_start3A_125 : memref<10112x128xf32, #tpu.memory_space<vmem_shared>>) offsets(%dma_start3A_122 : memref<128xi32, #tpu.memory_space<vmem>>) semaphore(%run_scoped3A_115 : memref<!tpu.dma_semaphore, #tpu.memory_space<semaphore_mem>>) {add = true}
        %dma_wait3A_126 = arith.constant 0 : i32
        %dma_wait3A_127 = arith.constant 0 : i32
        %dma_wait3A_128 = tpu.memref_slice %arg9[%run_scoped3A_113, %dma_wait3A_126, %dma_wait3A_127] : memref<3x128x128xf32, #tpu.memory_space<vmem>> -> memref<1x128x128xf32, #tpu.memory_space<vmem>>
        %dma_wait3A_129 = tpu.memref_squeeze %dma_wait3A_128 : memref<1x128x128xf32, #tpu.memory_space<vmem>> -> memref<128x128xf32, #tpu.memory_space<vmem>>
        %dma_wait3A_130 = arith.constant 0 : i32
        %dma_wait3A_131 = tpu.memref_slice %arg8[%run_scoped3A_114, %dma_wait3A_130] : memref<3x128xi32, #tpu.memory_space<vmem>> -> memref<1x128xi32, #tpu.memory_space<vmem>>
        %dma_wait3A_132 = tpu.memref_squeeze %dma_wait3A_131 : memref<1x128xi32, #tpu.memory_space<vmem>> -> memref<128xi32, #tpu.memory_space<vmem>>
        %dma_wait3A_133 = arith.constant 0 : i32
        %dma_wait3A_134 = arith.constant 0 : i32
        %dma_wait3A_135 = tpu.memref_slice %arg10[%dma_wait3A_133, %dma_wait3A_134] : memref<10112x128xf32, #tpu.memory_space<vmem_shared>> -> memref<10112x128xf32, #tpu.memory_space<vmem_shared>>
        tpu.wait_indirect_dma semaphore(%run_scoped3A_115 : memref<!tpu.dma_semaphore, #tpu.memory_space<semaphore_mem>>) src(%dma_wait3A_129 : memref<128x128xf32, #tpu.memory_space<vmem>>) dst(%dma_wait3A_135 : memref<10112x128xf32, #tpu.memory_space<vmem_shared>>)
        tpu.yield
      }) : () -> ()
    } else {
    }
    %barrier3A_80 = arith.constant 0 : index
    tpu.barrier barrier_id(%barrier3A_80)
    %mul3A_81 = arith.constant 10112 : i32
    %mul3A_82 = arith.muli %arg0, %mul3A_81 : i32
    %add3A_83 = arith.addi %mul3A_82, %mul3A_2 : i32
    "tpu.region"() ({
      %run_scoped3A = tpu.sem_alloc : memref<!tpu.dma_semaphore, #tpu.memory_space<semaphore_mem>>
      %dma_start3A_84 = arith.constant 0 : i32
      %dma_start3A_85 = tpu.memref_slice %arg6[%add3A_83, %dma_start3A_84] : memref<20224x128xf32, #tpu.memory_space<hbm>> -> memref<632x128xf32, #tpu.memory_space<hbm>>
      %dma_start3A_86 = arith.constant 0 : i32
      %dma_start3A_87 = tpu.memref_slice %arg10[%mul3A_2, %dma_start3A_86] : memref<10112x128xf32, #tpu.memory_space<vmem_shared>> -> memref<632x128xf32, #tpu.memory_space<vmem_shared>>
      tpu.enqueue_dma source(%dma_start3A_87 : memref<632x128xf32, #tpu.memory_space<vmem_shared>>) target(%dma_start3A_85 : memref<632x128xf32, #tpu.memory_space<hbm>>) target_semaphore(%run_scoped3A : memref<!tpu.dma_semaphore, #tpu.memory_space<semaphore_mem>>)
      %dma_wait3A_88 = arith.constant 0 : i32
      %dma_wait3A_89 = tpu.memref_slice %arg6[%add3A_83, %dma_wait3A_88] : memref<20224x128xf32, #tpu.memory_space<hbm>> -> memref<632x128xf32, #tpu.memory_space<hbm>>
      %dma_wait3A_90 = arith.constant 0 : i32
      %dma_wait3A_91 = tpu.memref_slice %arg10[%mul3A_2, %dma_wait3A_90] : memref<10112x128xf32, #tpu.memory_space<vmem_shared>> -> memref<632x128xf32, #tpu.memory_space<vmem_shared>>
      tpu.wait_dma2 semaphore(%run_scoped3A : memref<!tpu.dma_semaphore, #tpu.memory_space<semaphore_mem>>) src(%dma_wait3A_91 : memref<632x128xf32, #tpu.memory_space<vmem_shared>>) dst(%dma_wait3A_89 : memref<632x128xf32, #tpu.memory_space<hbm>>)
      tpu.yield
    }) : () -> ()
    return
  }
}

module attributes {stable_mosaic.version = 14 : i64} {
  func.func @_tc_scale_kernel(%arg0: i32, %arg1: memref<2000x128xf32, #tpu.memory_space<vmem>>, %arg2: memref<2000x128xf32, #tpu.memory_space<vmem>>, %arg3: memref<2000x128xf32, #tpu.memory_space<vmem>>, %arg4: memref<2000x128xf32, #tpu.memory_space<vmem>>, %arg5: memref<2000x16xf32, #tpu.memory_space<vmem>>) attributes {dimension_semantics = [#tpu.dimension_semantics<arbitrary>], iteration_bounds = array<i64: 5>, scalar_prefetch = 0 : i64, scratch_operands = 0 : i64, tpu.core_type = #tpu.core_type<tc>, window_params = [{transform_indices = @transform_0, window_bounds = array<i64: 2000, 128>}, {transform_indices = @transform_1, window_bounds = array<i64: 2000, 128>}, {transform_indices = @transform_2, window_bounds = array<i64: 2000, 128>}, {transform_indices = @transform_3, window_bounds = array<i64: 2000, 128>}, {transform_indices = @transform_4, window_bounds = array<i64: 2000, 16>}]} {
    %get3A = arith.constant 0 : index
    %get3A_0 = arith.constant 0 : index
    %get3A_1 = vector.load %arg1[%get3A, %get3A_0] : memref<2000x128xf32, #tpu.memory_space<vmem>>, vector<2000x128xf32>
    %slice3A = vector.extract_strided_slice %get3A_1 {offsets = [0, 0], sizes = [2000, 16], strides = [1, 1]} : vector<2000x128xf32> to vector<2000x16xf32>
    %get3A_2 = arith.constant 0 : index
    %get3A_3 = arith.constant 0 : index
    %get3A_4 = vector.load %arg2[%get3A_2, %get3A_3] : memref<2000x128xf32, #tpu.memory_space<vmem>>, vector<2000x128xf32>
    %slice3A_5 = vector.extract_strided_slice %get3A_4 {offsets = [0, 0], sizes = [2000, 16], strides = [1, 1]} : vector<2000x128xf32> to vector<2000x16xf32>
    %add3A = arith.addf %slice3A, %slice3A_5 : vector<2000x16xf32>
    %add3A_6 = arith.constant 1.000000e+00 : f32
    %add3A_7 = vector.broadcast %add3A_6 : f32 to vector<2000x16xf32>
    %add3A_8 = arith.addf %add3A, %add3A_7 : vector<2000x16xf32>
    %rsqrt3A = math.rsqrt %add3A_8 : vector<2000x16xf32>
    %swap3A = arith.constant 0 : index
    %swap3A_9 = arith.constant 0 : index
    %swap3A_10 = vector.load %arg5[%swap3A, %swap3A_9] : memref<2000x16xf32, #tpu.memory_space<vmem>>, vector<2000x16xf32>
    tpu.vector_store %arg5[%swap3A, %swap3A_9], %rsqrt3A {strides = array<i32>} : memref<2000x16xf32, #tpu.memory_space<vmem>>, vector<2000x16xf32>,
    %get3A_11 = arith.constant 0 : index
    %get3A_12 = arith.constant 0 : index
    %get3A_13 = vector.load %arg3[%get3A_11, %get3A_12] : memref<2000x128xf32, #tpu.memory_space<vmem>>, vector<2000x128xf32>
    %slice3A_14 = vector.extract_strided_slice %rsqrt3A {offsets = [0, 0], sizes = [2000, 1], strides = [1, 1]} : vector<2000x16xf32> to vector<2000x1xf32>
    %mul3A = vector.broadcast %slice3A_14 : vector<2000x1xf32> to vector<2000x128xf32>
    %mul3A_15 = arith.mulf %get3A_13, %mul3A : vector<2000x128xf32>
    %swap3A_16 = arith.constant 0 : index
    %swap3A_17 = arith.constant 0 : index
    %swap3A_18 = vector.load %arg4[%swap3A_16, %swap3A_17] : memref<2000x128xf32, #tpu.memory_space<vmem>>, vector<2000x128xf32>
    tpu.vector_store %arg4[%swap3A_16, %swap3A_17], %mul3A_15 {strides = array<i32>} : memref<2000x128xf32, #tpu.memory_space<vmem>>, vector<2000x128xf32>,
    return
  }
  func.func @transform_0(%arg0: i32) -> (i32, i32) {
    %c0_i32 = arith.constant 0 : i32
    %c0_i32_0 = arith.constant 0 : i32
    return %arg0, %c0_i32 : i32, i32
  }
  func.func @transform_1(%arg0: i32) -> (i32, i32) {
    %c0_i32 = arith.constant 0 : i32
    %c0_i32_0 = arith.constant 0 : i32
    return %arg0, %c0_i32 : i32, i32
  }
  func.func @transform_2(%arg0: i32) -> (i32, i32) {
    %c0_i32 = arith.constant 0 : i32
    %c0_i32_0 = arith.constant 0 : i32
    return %arg0, %c0_i32 : i32, i32
  }
  func.func @transform_3(%arg0: i32) -> (i32, i32) {
    %c0_i32 = arith.constant 0 : i32
    %c0_i32_0 = arith.constant 0 : i32
    return %arg0, %c0_i32 : i32, i32
  }
  func.func @transform_4(%arg0: i32) -> (i32, i32) {
    %c0_i32 = arith.constant 0 : i32
    %c0_i32_0 = arith.constant 0 : i32
    return %arg0, %c0_i32 : i32, i32
  }
}

module attributes {stable_mosaic.version = 14 : i64} {
  func.func @_tc_dense_kernel(%arg0: i32, %arg1: memref<2000x128xf32, #tpu.memory_space<vmem>>, %arg2: memref<2000x128xf32, #tpu.memory_space<vmem>>, %arg3: memref<2000x128xf32, #tpu.memory_space<vmem>>, %arg4: memref<2000x16xf32, #tpu.memory_space<vmem>>, %arg5: memref<128x256xf32, #tpu.memory_space<vmem>>, %arg6: memref<1x256xf32, #tpu.memory_space<vmem>>, %arg7: memref<256x16xf32, #tpu.memory_space<vmem>>, %arg8: memref<2000x128xf32, #tpu.memory_space<vmem>>) attributes {dimension_semantics = [#tpu.dimension_semantics<arbitrary>], iteration_bounds = array<i64: 5>, scalar_prefetch = 0 : i64, scratch_operands = 0 : i64, tpu.core_type = #tpu.core_type<tc>, window_params = [{transform_indices = @transform_0, window_bounds = array<i64: 2000, 128>}, {transform_indices = @transform_1, window_bounds = array<i64: 2000, 128>}, {transform_indices = @transform_2, window_bounds = array<i64: 2000, 128>}, {transform_indices = @transform_3, window_bounds = array<i64: 2000, 16>}, {pipeline_mode = #tpu.pipeline_mode<synchronous>, transform_indices = @transform_4, window_bounds = array<i64: 128, 256>}, {pipeline_mode = #tpu.pipeline_mode<synchronous>, transform_indices = @transform_5, window_bounds = array<i64: 1, 256>}, {pipeline_mode = #tpu.pipeline_mode<synchronous>, transform_indices = @transform_6, window_bounds = array<i64: 256, 16>}, {transform_indices = @transform_7, window_bounds = array<i64: 2000, 128>}]} {
    %get3A = arith.constant 0 : index
    %get3A_0 = arith.constant 0 : index
    %get3A_1 = vector.load %arg4[%get3A, %get3A_0] : memref<2000x16xf32, #tpu.memory_space<vmem>>, vector<2000x16xf32>
    %get3A_2 = arith.constant 0 : index
    %get3A_3 = arith.constant 0 : index
    %get3A_4 = vector.load %arg1[%get3A_2, %get3A_3] : memref<2000x128xf32, #tpu.memory_space<vmem>>, vector<2000x128xf32>
    %get3A_5 = arith.constant 0 : index
    %get3A_6 = arith.constant 0 : index
    %get3A_7 = vector.load %arg2[%get3A_5, %get3A_6] : memref<2000x128xf32, #tpu.memory_space<vmem>>, vector<2000x128xf32>
    %add3A = arith.addf %get3A_4, %get3A_7 : vector<2000x128xf32>
    %get3A_8 = arith.constant 0 : index
    %get3A_9 = arith.constant 0 : index
    %get3A_10 = vector.load %arg3[%get3A_8, %get3A_9] : memref<2000x128xf32, #tpu.memory_space<vmem>>, vector<2000x128xf32>
    %add3A_11 = arith.addf %add3A, %get3A_10 : vector<2000x128xf32>
    %slice3A = vector.extract_strided_slice %get3A_1 {offsets = [0, 0], sizes = [2000, 1], strides = [1, 1]} : vector<2000x16xf32> to vector<2000x1xf32>
    %mul3A = vector.broadcast %slice3A : vector<2000x1xf32> to vector<2000x128xf32>
    %mul3A_12 = arith.mulf %add3A_11, %mul3A : vector<2000x128xf32>
    %get3A_13 = arith.constant 0 : index
    %get3A_14 = arith.constant 0 : index
    %get3A_15 = vector.load %arg5[%get3A_13, %get3A_14] : memref<128x256xf32, #tpu.memory_space<vmem>>, vector<128x256xf32>
    %dot_general3A = arith.constant dense<0.000000e+00> : vector<2000x256xf32>
    %dot_general3A_16 = tpu.matmul %mul3A_12, %get3A_15, %dot_general3A {dimension_numbers = #tpu.dot_dimension_numbers<[1], [0], [0], [1], [0, 0, 1, 1], [], []>, transpose_lhs_hint = false} : vector<2000x128xf32>, vector<128x256xf32>, vector<2000x256xf32> -> vector<2000x256xf32>
    %get3A_17 = arith.constant 0 : index
    %get3A_18 = arith.constant 0 : index
    %get3A_19 = vector.load %arg6[%get3A_17, %get3A_18] : memref<1x256xf32, #tpu.memory_space<vmem>>, vector<1x256xf32>
    %add3A_20 = vector.broadcast %get3A_19 : vector<1x256xf32> to vector<2000x256xf32>
    %add3A_21 = arith.addf %dot_general3A_16, %add3A_20 : vector<2000x256xf32>
    %max3A = arith.constant 0.000000e+00 : f32
    %max3A_22 = vector.broadcast %max3A : f32 to vector<2000x256xf32>
    %max3A_23 = arith.maximumf %add3A_21, %max3A_22 : vector<2000x256xf32>
    %get3A_24 = arith.constant 0 : index
    %get3A_25 = arith.constant 0 : index
    %get3A_26 = vector.load %arg7[%get3A_24, %get3A_25] : memref<256x16xf32, #tpu.memory_space<vmem>>, vector<256x16xf32>
    %dot_general3A_27 = arith.constant dense<0.000000e+00> : vector<2000x16xf32>
    %dot_general3A_28 = tpu.matmul %max3A_23, %get3A_26, %dot_general3A_27 {dimension_numbers = #tpu.dot_dimension_numbers<[1], [0], [0], [1], [0, 0, 1, 1], [], []>, transpose_lhs_hint = false} : vector<2000x256xf32>, vector<256x16xf32>, vector<2000x16xf32> -> vector<2000x16xf32>
    %mul3A_29 = arith.mulf %dot_general3A_28, %get3A_1 : vector<2000x16xf32>
    %broadcast_in_dim3A = arith.constant 0.000000e+00 : f32
    %broadcast_in_dim3A_30 = vector.broadcast %broadcast_in_dim3A : f32 to vector<2000x112xf32>
    %concatenate3A = tpu.concatenate %mul3A_29, %broadcast_in_dim3A_30 in 1 : vector<2000x16xf32>, vector<2000x112xf32> -> vector<2000x128xf32>
    %swap3A = arith.constant 0 : index
    %swap3A_31 = arith.constant 0 : index
    %swap3A_32 = vector.load %arg8[%swap3A, %swap3A_31] : memref<2000x128xf32, #tpu.memory_space<vmem>>, vector<2000x128xf32>
    tpu.vector_store %arg8[%swap3A, %swap3A_31], %concatenate3A {strides = array<i32>} : memref<2000x128xf32, #tpu.memory_space<vmem>>, vector<2000x128xf32>,
    return
  }
  func.func @transform_0(%arg0: i32) -> (i32, i32) {
    %c0_i32 = arith.constant 0 : i32
    %c0_i32_0 = arith.constant 0 : i32
    return %arg0, %c0_i32 : i32, i32
  }
  func.func @transform_1(%arg0: i32) -> (i32, i32) {
    %c0_i32 = arith.constant 0 : i32
    %c0_i32_0 = arith.constant 0 : i32
    return %arg0, %c0_i32 : i32, i32
  }
  func.func @transform_2(%arg0: i32) -> (i32, i32) {
    %c0_i32 = arith.constant 0 : i32
    %c0_i32_0 = arith.constant 0 : i32
    return %arg0, %c0_i32 : i32, i32
  }
  func.func @transform_3(%arg0: i32) -> (i32, i32) {
    %c0_i32 = arith.constant 0 : i32
    %c0_i32_0 = arith.constant 0 : i32
    return %arg0, %c0_i32 : i32, i32
  }
  func.func @transform_4(%arg0: i32) -> (i32, i32) {
    %c0_i32 = arith.constant 0 : i32
    %c0_i32_0 = arith.constant 0 : i32
    %c0_i32_1 = arith.constant 0 : i32
    return %c0_i32, %c0_i32_0 : i32, i32
  }
  func.func @transform_5(%arg0: i32) -> (i32, i32) {
    %c0_i32 = arith.constant 0 : i32
    %c0_i32_0 = arith.constant 0 : i32
    %c0_i32_1 = arith.constant 0 : i32
    return %c0_i32, %c0_i32_0 : i32, i32
  }
  func.func @transform_6(%arg0: i32) -> (i32, i32) {
    %c0_i32 = arith.constant 0 : i32
    %c0_i32_0 = arith.constant 0 : i32
    %c0_i32_1 = arith.constant 0 : i32
    return %c0_i32, %c0_i32_0 : i32, i32
  }
  func.func @transform_7(%arg0: i32) -> (i32, i32) {
    %c0_i32 = arith.constant 0 : i32
    %c0_i32_0 = arith.constant 0 : i32
    return %arg0, %c0_i32 : i32, i32
  }
}

module attributes {stable_mosaic.version = 14 : i64} {
  func.func @_tc_final_kernel(%arg0: i32, %arg1: memref<2000x128xf32, #tpu.memory_space<vmem>>, %arg2: memref<2000x128xf32, #tpu.memory_space<vmem>>, %arg3: memref<2000x128xf32, #tpu.memory_space<vmem>>, %arg4: memref<2000x16xf32, #tpu.memory_space<vmem>>, %arg5: memref<1x16xf32, #tpu.memory_space<vmem>>, %arg6: memref<2000x16xf32, #tpu.memory_space<vmem>>) attributes {dimension_semantics = [#tpu.dimension_semantics<arbitrary>], iteration_bounds = array<i64: 5>, scalar_prefetch = 0 : i64, scratch_operands = 0 : i64, tpu.core_type = #tpu.core_type<tc>, window_params = [{transform_indices = @transform_0, window_bounds = array<i64: 2000, 128>}, {transform_indices = @transform_1, window_bounds = array<i64: 2000, 128>}, {transform_indices = @transform_2, window_bounds = array<i64: 2000, 128>}, {transform_indices = @transform_3, window_bounds = array<i64: 2000, 16>}, {pipeline_mode = #tpu.pipeline_mode<synchronous>, transform_indices = @transform_4, window_bounds = array<i64: 1, 16>}, {transform_indices = @transform_5, window_bounds = array<i64: 2000, 16>}]} {
    %get3A = arith.constant 0 : index
    %get3A_0 = arith.constant 0 : index
    %get3A_1 = vector.load %arg1[%get3A, %get3A_0] : memref<2000x128xf32, #tpu.memory_space<vmem>>, vector<2000x128xf32>
    %slice3A = vector.extract_strided_slice %get3A_1 {offsets = [0, 0], sizes = [2000, 16], strides = [1, 1]} : vector<2000x128xf32> to vector<2000x16xf32>
    %get3A_2 = arith.constant 0 : index
    %get3A_3 = arith.constant 0 : index
    %get3A_4 = vector.load %arg2[%get3A_2, %get3A_3] : memref<2000x128xf32, #tpu.memory_space<vmem>>, vector<2000x128xf32>
    %slice3A_5 = vector.extract_strided_slice %get3A_4 {offsets = [0, 0], sizes = [2000, 16], strides = [1, 1]} : vector<2000x128xf32> to vector<2000x16xf32>
    %add3A = arith.addf %slice3A, %slice3A_5 : vector<2000x16xf32>
    %get3A_6 = arith.constant 0 : index
    %get3A_7 = arith.constant 0 : index
    %get3A_8 = vector.load %arg3[%get3A_6, %get3A_7] : memref<2000x128xf32, #tpu.memory_space<vmem>>, vector<2000x128xf32>
    %slice3A_9 = vector.extract_strided_slice %get3A_8 {offsets = [0, 0], sizes = [2000, 16], strides = [1, 1]} : vector<2000x128xf32> to vector<2000x16xf32>
    %add3A_10 = arith.addf %add3A, %slice3A_9 : vector<2000x16xf32>
    %get3A_11 = arith.constant 0 : index
    %get3A_12 = arith.constant 0 : index
    %get3A_13 = vector.load %arg4[%get3A_11, %get3A_12] : memref<2000x16xf32, #tpu.memory_space<vmem>>, vector<2000x16xf32>
    %mul3A = arith.mulf %add3A_10, %get3A_13 : vector<2000x16xf32>
    %get3A_14 = arith.constant 0 : index
    %get3A_15 = arith.constant 0 : index
    %get3A_16 = vector.load %arg5[%get3A_14, %get3A_15] : memref<1x16xf32, #tpu.memory_space<vmem>>, vector<1x16xf32>
    %add3A_17 = vector.broadcast %get3A_16 : vector<1x16xf32> to vector<2000x16xf32>
    %add3A_18 = arith.addf %mul3A, %add3A_17 : vector<2000x16xf32>
    %swap3A = arith.constant 0 : index
    %swap3A_19 = arith.constant 0 : index
    %swap3A_20 = vector.load %arg6[%swap3A, %swap3A_19] : memref<2000x16xf32, #tpu.memory_space<vmem>>, vector<2000x16xf32>
    tpu.vector_store %arg6[%swap3A, %swap3A_19], %add3A_18 {strides = array<i32>} : memref<2000x16xf32, #tpu.memory_space<vmem>>, vector<2000x16xf32>,
    return
  }
  func.func @transform_0(%arg0: i32) -> (i32, i32) {
    %c0_i32 = arith.constant 0 : i32
    %c0_i32_0 = arith.constant 0 : i32
    return %arg0, %c0_i32 : i32, i32
  }
  func.func @transform_1(%arg0: i32) -> (i32, i32) {
    %c0_i32 = arith.constant 0 : i32
    %c0_i32_0 = arith.constant 0 : i32
    return %arg0, %c0_i32 : i32, i32
  }
  func.func @transform_2(%arg0: i32) -> (i32, i32) {
    %c0_i32 = arith.constant 0 : i32
    %c0_i32_0 = arith.constant 0 : i32
    return %arg0, %c0_i32 : i32, i32
  }
  func.func @transform_3(%arg0: i32) -> (i32, i32) {
    %c0_i32 = arith.constant 0 : i32
    %c0_i32_0 = arith.constant 0 : i32
    return %arg0, %c0_i32 : i32, i32
  }
  func.func @transform_4(%arg0: i32) -> (i32, i32) {
    %c0_i32 = arith.constant 0 : i32
    %c0_i32_0 = arith.constant 0 : i32
    %c0_i32_1 = arith.constant 0 : i32
    return %c0_i32, %c0_i32_0 : i32, i32
  }
  func.func @transform_5(%arg0: i32) -> (i32, i32) {
    %c0_i32 = arith.constant 0 : i32
    %c0_i32_0 = arith.constant 0 : i32
    return %arg0, %c0_i32 : i32, i32
  }
}

</mosaic_0001>

<sc_bundles>
// kernel: kernel.11.cloned.1.call-start
scs
__scs_entry_jumppad:
0x0: {  	(pc) =	sbr.rel $0x88, $3  }
0x1: {  	(tag) =	ssettag $0x0;
	lr =	simm.s32 $0x1  }
0x2: {  	[smem:$0x3F9B] =	sst lr;
	_ =	strace $0xD0000000  }
0x3: {  	_ = 	snop  }
0x4: {  	_ = 	snop  }
0x5: {  	_ = 	snop  }
0x6: {  	_ = 	snop  }
0x7: {  	_ = 	snop  }
__scs_overlays_trampoline_lowered:
0x8: {  	[smem:$0x3FAA] =	sst s0  }
0x9: {  	[smem:$0x3FAB] =	sst s1  }
0xa: {  	[smem:$0x3FAC] =	sst s2  }
0xb: {  	[smem:$0x3FAD] =	sst s3  }
0xc: {  	[smem:$0x3FAE] =	sst s4  }
0xd: {  	[smem:$0x3FAF] =	sst s5  }
0xe: {  	[smem:$0x3FB0] =	sst s6  }
0xf: {  	[smem:$0x3FB1] =	sst s7  }
0x10: {  	[smem:$0x3FB2] =	sst s8  }
0x11: {  	[smem:$0x3FB3] =	sst s9;
	s0 =	simm.s32 @!p0 $0x0  }
0x12: {  	s1 =	sld [smem:$0x3F99];
	s0 =	simm.s32 @p0 $0x1  }
0x13: {  	[smem:$0x3FB4] =	sst s0;
	s0 =	simm.s32 @!p1 $0x0  }
0x14: {  	s2 =	sld [smem:$0x3F98];
	s0 =	simm.s32 @p1 $0x1  }
0x15: {  	[smem:$0x3FB5] =	sst s0;
	s0 =	simm.s32 @!p2 $0x0  }
0x16: {  	s3 =	sld [smem:$0x3FDB];
	s0 =	simm.s32 @p2 $0x1  }
0x17: {  	s4 =	simm.s32 $0x1BF5;
	[smem:$0x3FB7] =	sst s0  }
0x18: {  	s0 =	sld [smem:$0x3F9A];
	_ =	swait.ge [sflag:s4], $0x0  }
0x19: {  	s7 =	sld [smem:$0x3F9B]  }
0x1a: {  	s8 =	sadd.s32 $0xFFFFE003, lr  }
0x1b: {  	s9 =	sadd.s32 $0xFFFFFEF7, lr;
	s5 =	simm.s32 $0xFFFFFFFF;
	p2 =	slt.u32 s8, $0xFFFFF086  }
0x1c: {  	p1 =	slt.u32 s9, $0xF7A;
	s5 =	simm.s32 @!p2 $0x0  }
0x1d: {  	s5 =	simm.s32 @p1 $0x1;
	p0 =	seq.s32 s7, s2  }
0x1e: {  	s7 =	smul.u32 @!p0 $0xF7A, s2;
	p2 =	seq.s32 @!p0 s5, $0x0  }
0x1f: {  	s9 =	smul.u32 $0xF7A, s1;
	s8 =	simm.s32 @!p0 $0x1BF5;
	p2 =	por !p2, p0  }
0x20: {  	[sflag:s8] =	ssyncset.s32 @!p0 $0xFFFFF086;
	s6 =	sadd.s32 @!p0 s3, s7;
	s7 =	simm.s32 @!p0 $0x108  }
0x21: {  	s3 =	sadd.s32 s3, s9;
	s6 =	sadd.s32 @!p0 $0x88, s6;
	s7 =	simm.s32 @p2 $0x1082  }
0x22: {  	[simem:s7], [sflag:s8] =	dma.local @!p0 [hbm:s6], $0xF7A  }
0x23: {  	s9 =	sor.u32 $0xD0000000, s2;
	s6 =	simm.s32 $0x108;
	_ =	swait.ge @!p0 [sflag:s8], $0x0  }
0x24: {  	s3 =	sadd.s32 $0x88, s3;
	s6 =	simm.s32 @!p1 $0x1082;
	[sflag:s4] =	ssyncset.s32 $0xFFFFF086  }
0x25: {  	[simem:s6], [sflag:s4] =	dma.local [hbm:s3], $0xF7A  }
0x26: {  	[smem:$0x3F9B] =	sst s1;
	(tag) =	ssettag s2;
	_ =	strace s9  }
0x27: {  	s1 =	sld [smem:$0x3FAB]  }
0x28: {  	s2 =	sld [smem:$0x3FAC]  }
0x29: {  	s4 =	sld [smem:$0x3FAE]  }
0x2a: {  	p0 =	seq.s32 s5, $0x0;
	s5 =	sld [smem:$0x3FAF]  }
0x2b: {  	s6 =	sld [smem:$0x3FB0]  }
0x2c: {  	s7 =	sld [smem:$0x3FB1]  }
0x2d: {  	s3 =	simm.s32 $0x108;
	s8 =	sld [smem:$0x3FB2]  }
0x2e: {  	s3 =	simm.s32 @!p0 $0x1082;
	s9 =	sld [smem:$0x3FB3]  }
0x2f: {  	lr =	sadd.s32 s0, s3;
	s0 =	sld [smem:$0x3FAA]  }
0x30: {  	s3 =	sld [smem:$0x3FAD]  }
0x31: {  	[smem:$0x3FB6] =	sst s10  }
0x32: {  	s10 =	sld [smem:$0x3FB4];
	_ =	sdelay $0x3  }
0x33: {  	p0 =	seq.s32 s10, $0x1;
	s10 =	sld [smem:$0x3FB6];
	_ =	sdelay $0x3  }
0x34: {  	[smem:$0x3FB6] =	sst s10  }
0x35: {  	s10 =	sld [smem:$0x3FB5];
	_ =	sdelay $0x3  }
0x36: {  	p1 =	seq.s32 s10, $0x1;
	s10 =	sld [smem:$0x3FB6];
	_ =	sdelay $0x3  }
0x37: {  	[smem:$0x3FB6] =	sst s10  }
0x38: {  	s10 =	sld [smem:$0x3FB7]  }
0x39: {  	_ = 	snop;
	(pc) =	sbr.ind lr, $3  }
0x3a: {  	_ = 	snop  }
0x3b: {  	_ = 	snop  }
0x3c: {  	p2 =	seq.s32 s10, $0x1;
	s10 =	sld [smem:$0x3FB6]  }
0x3d: {  	_ =	shalt  }
0x3e: {  	_ =	shalt  }
0x3f: {  	_ =	shalt  }
0x40: {  	_ =	shalt  }
0x41: {  	_ =	shalt  }
0x42: {  	_ =	shalt  }
0x43: {  	_ =	shalt  }
0x44: {  	_ =	shalt  }
0x45: {  	_ =	shalt  }
0x46: {  	_ =	shalt  }
0x47: {  	_ =	shalt  }
0x48: {  	_ =	shalt  }
0x49: {  	_ =	shalt  }
0x4a: {  	_ =	shalt  }
0x4b: {  	_ =	shalt  }
0x4c: {  	_ =	shalt  }
0x4d: {  	_ =	shalt  }
0x4e: {  	_ =	shalt  }
0x4f: {  	_ =	shalt  }
0x50: {  	_ =	shalt  }
0x51: {  	_ =	shalt  }
0x52: {  	_ =	shalt  }
0x53: {  	_ =	shalt  }
0x54: {  	_ =	shalt  }
0x55: {  	_ =	shalt  }
0x56: {  	_ =	shalt  }
0x57: {  	_ =	shalt  }
0x58: {  	_ =	shalt  }
0x59: {  	_ =	shalt  }
0x5a: {  	_ =	shalt  }
0x5b: {  	_ =	shalt  }
0x5c: {  	_ =	shalt  }
0x5d: {  	_ =	shalt  }
0x5e: {  	_ =	shalt  }
0x5f: {  	_ =	shalt  }
0x60: {  	_ =	shalt  }
0x61: {  	_ =	shalt  }
0x62: {  	_ =	shalt  }
0x63: {  	_ =	shalt  }
0x64: {  	_ =	shalt  }
0x65: {  	_ =	shalt  }
0x66: {  	_ =	shalt  }
0x67: {  	_ =	shalt  }
0x68: {  	_ =	shalt  }
0x69: {  	_ =	shalt  }
0x6a: {  	_ =	shalt  }
0x6b: {  	_ =	shalt  }
0x6c: {  	_ =	shalt  }
0x6d: {  	_ =	shalt  }
0x6e: {  	_ =	shalt  }
0x6f: {  	_ =	shalt  }
0x70: {  	_ =	shalt  }
0x71: {  	_ =	shalt  }
0x72: {  	_ =	shalt  }
0x73: {  	_ =	shalt  }
0x74: {  	_ =	shalt  }
0x75: {  	_ =	shalt  }
0x76: {  	_ =	shalt  }
0x77: {  	_ =	shalt  }
0x78: {  	_ =	shalt  }
0x79: {  	_ =	shalt  }
0x7a: {  	_ =	shalt  }
0x7b: {  	_ =	shalt  }
0x7c: {  	_ =	shalt  }
0x7d: {  	_ =	shalt  }
0x7e: {  	_ =	shalt  }
0x7f: {  	_ =	shalt  }
0x80: {  	_ =	shalt  }
0x81: {  	_ =	shalt  }
0x82: {  	_ =	shalt  }
0x83: {  	_ =	shalt  }
0x84: {  	_ =	shalt  }
0x85: {  	_ =	shalt  }
0x86: {  	_ =	shalt  }
0x87: {  	_ =	shalt  }
.Lfunc_end0:
.L_simem_size_0:
called_computation.1_lowered:
.L_overlay_start_0:
0x88: {  	s2 =	sld [smem:$0x3FD9]  }
0x89: {  	s3 =	sld [smem:$0x3FFE];
	_ =	sdelay $0x1  }
0x8a: {  	s1 =	srdreg.scid  }
0x8b: {  	s0 =	sand.u32 $0x1, s1  }
0x8c: {  	s16 =	sshll.u32 s0, $0xA;
	s2 =	sadd.s32 s3, s2  }
0x8d: {  	s2 =	sadd.s32 s2, s16  }
0x8e: {  	[smem:$0x3FC2] =	sst s2  }
0x8f: {  	_ = 	snop  }
0x90: {  	(tm) =	ssettm $0x1  }
0x91: {  	s17 =	sld [smem:$0x3FFB];
	_ =	sdelay $0x3  }
0x92: {  	_ =	strace s17  }
0x93: {  	s2 =	sld [smem:$0x3FFC];
	_ =	sdelay $0x3  }
0x94: {  	_ =	strace s2  }
0x95: {  	s2 =	sld [smem:$0x3FFD];
	_ =	sdelay $0x3  }
0x96: {  	_ =	strace s2  }
0x97: {  	_ =	strace $0x8FFFFFFF  }
0x98: {  	s18 =	sld [smem:$0x3FDB];
	_ =	sdelay $0x1  }
0x99: {  	s19 =	simm.s32 $_scs_section_size  }
0x9a: {  	s4 =	simm.s32 $_size__tile_overlayer_lowered;
	s5 =	simm.s32 $_tile_overlayer_lowered  }
0x9b: {  	s22 =	simm.s32 $0x1BFF;
	s21 =	sshll.u32 s5, $0x1;
	s2 =	sadd.s32 s19, s18  }
0x9c: {  	s6 =	simm.s32 $0x0;
	s20 =	sshll.u32 s4, $0x1;
	s4 =	sadd.s32 s21, s2  }
0x9d: {  	[timem:s6], [sflag:s22] =	dma.local [hbm:s4], s20  }
0x9e: {  	_ =	swait.ge [sflag:s22], s20  }
0x9f: {  	s3 =	ssub.s32 $0x0, s20;
	[sflag:s22] =	ssyncset.done $0x0  }
0xa0: {  	[sflag:s22] =	ssyncadd.s32 s3;
	_ =	sdelay $0x1  }
0xa1: {  	s23 =	simm.s32 $0x1B8B  }
0xa2: {  	_ =	swait.ge [sflag:s23], $0x1  }
0xa3: {  	[sflag:s23] =	ssyncset.done $0x0  }
0xa4: {  	s25 =	simm.s32 $0x1B8E;
	s24 =	sld [smem:$0x3FFE];
	[sflag:s23] =	ssyncadd.s32 $0xFFFFFFFF  }
0xa5: {  	s26 =	simm.s32 $execute0_lowered;
	[smem:$0x3FD2] =	sst s25  }
0xa6: {  	s4 =	sshll.u32 s26, $0x1;
	_ =	strace $0x80000049;
	[dreg:$0x1] =	wrdreg $0xFFFFFFFF  }
0xa7: {  	s28 =	simm.s32 $_size_execute0_lowered;
	s2 =	sadd.s32 s2, s4;
	[dreg:$0x0] =	wrdreg $0x0  }
0xa8: {  	s4 =	sshll.u32 s28, $0x1;
	[dreg:$0x2] =	wrdreg s2  }
0xa9: {  	[dreg:$0x3] =	wrdreg s4  }
0xaa: {  	[dreg:$0x4] =	wrdreg $0xC0  }
0xab: {  	_ =	task [dreg:s6], $0x5FFFF  }
0xac: {  	[dreg:$0x1] =	wrdreg $0xFFFFFFFF  }
0xad: {  	[dreg:$0x0] =	wrdreg $0x60  }
0xae: {  	[dreg:$0x2] =	wrdreg s24  }
0xaf: {  	[dreg:$0x3] =	wrdreg $0xC4000  }
0xb0: {  	[dreg:$0x4] =	wrdreg $0x9  }
0xb1: {  	_ =	task.clear_ibuf [dreg:s6], $0x5FFFF;
	_ =	strace $0x90000049  }
0xb2: {  	s29 =	simm.s32 $0x9;
	_ =	strace $0x8000004B  }
0xb3: {  	_ =	swait.ge [sflag:s29], $0x1  }
0xb4: {  	[sflag:s29] =	ssyncadd.s32 $0xFFFFFFFF  }
0xb5: {  	_ =	strace $0x9000004B  }
0xb6: {  	_ =	sfence  }
0xb7: {  	s30 =	sld [smem:$0x0];
	_ =	sdelay $0x2  }
0xb8: {  	s31 =	sshll.u32 s1, $0xD;
	s1 =	sshrl.u32 s1, $0x2  }
0xb9: {  	s3 =	sand.u32 $0x4000, s31;
	s1 =	sadd.s32 s1, s30  }
0xba: {  	s0 =	sor.u32 s3, s0;
	s1 =	sshll.u32 s1, $0x11  }
0xbb: {  	s0 =	sor.u32 s1, s0  }
0xbc: {  	s0 =	sadd.s32 $0x8F2B, s0  }
0xbd: {  	[sflag:s0] =	ssyncadd.remote.s32 $0x1  }
0xbe: {  	_ =	sfence.sel $0xFFFF  }
0xbf: {  	[dreg:$0x0] =	wrdreg $0xFFFFFFFF;
	(pc) =	sbr.abs _section_cstart, $3  }
0xc0: {  	[dreg:$0x1] =	wrdreg $0xFFFFFFFF  }
0xc1: {  	_ =	task.clear_ibuf [dreg:s6], $0x2FFFF;
	_ =	strace $0x9FFFFFFF  }
0xc2: {  	(tm) =	ssettm $0x7FFFFFFF  }
0xc3: {  	_ =	shalt  }
tec
execute0_lowered:
.L_overlay_start_1:
0x0: {  	(tag) =	ssettag $0x1  }
0x1: {  	s0 =	rddreg [dreg:$0x0]  }
0x2: {  	s2 =	rddreg [dreg:$0x1];
	s3 =	simm.s32 $0x0;
	s12 =	stileid.u32  }
0x3: {  	s1 =	srdreg.scid;
	s14 =	simm.s32 $0x7;
	s15 =	simm.s32 $0x200  }
0x4: {  	s16 =	simm.s32 $0x80;
	s17 =	simm.s32 $0x400;
	s18 =	simm.s32 $0x280  }
0x5: {  	s28 =	simm.s32 $0x5;
	s29 =	simm.s32 $0x6;
	s30 =	simm.s32 $0x0  }
0x6: {  	[smem:$0x7FF] =	sst s3;
	s5 =	smul.u32 $0x2780, s12;
	s1 =	sand.u32 $0x1, s1  }
0x7: {  	s4 =	sadd.s32 $0x3D400, s0;
	s10 =	sadd.s32 $0xBE00, s0;
	s11 =	sadd.s32 $0x2000, s0  }
0x8: {  	s8 =	smul.u32 $0x4F000, s12;
	s22 =	sshll.u32 s12, $0x6;
	_ =	strace $0x8000004A  }
0x9: {  	s6 =	smul.u32 $0x27800, s1;
	s19 =	ssub.s32 $0x2, s1;
	s9 =	sshll.u32 s1, $0x4  }
0xa: {  	s1 =	sshll.u32 s1, $0x8;
	s7 =	sadd.s32 s5, s0;
	s20 =	sshrl.u32 s19, $0x1  }
0xb: {  	s25 =	sor.u32 s12, s9;
	s21 =	sshrl.u32 s8, $0x2;
	s12 =	sshll.u32 s12, $0x4  }
0xc: {  	s31 =	sadd.s32 s1, s10;
	s1 =	sadd.s32 s1, s11;
	s5 =	sadd.s32 s5, s6  }
0xd: {  	s13 =	sadd.s32 s21, s2;
	s7 =	sadd.s32 $0x15C00, s7;
	s6 =	sor.u32 $0x1C07, s22  }
0xe: {  	s23 =	sor.u32 $0x9C00, s12;
	s21 =	simm.s32 $0x300;
	s22 =	simm.s32 $0x100  }
0xf: {  	p0 =	sgt.u32 s25, $0x3;
	s25 =	simm.s32 $0x3;
	s0 =	sadd.s32 s5, s0  }
0x10: {  	s5 =	ssub.s32 s19, s20;
	[dreg:$0x3] =	wrdreg s7;
	s24 =	sadd.s32 s11, s23  }
0x11: {  	s26 =	sadd.s32 s10, s23;
	s11 =	sadd.s32 s12, s31;
	s12 =	sadd.s32 s12, s1  }
0x12: {  	s13 =	sshrl.u32 s13, $0x3;
	s19 =	simm.s32 $0x4400;
	[dreg:$0x4] =	wrdreg s24  }
0x13: {  	s20 =	simm.s32 $0x1;
	[dreg:$0x5] =	wrdreg s26;
	s0 =	sadd.s32 $0x8B800, s0  }
0x14: {  	s23 =	simm.s32 $0x8400;
	s5 =	smax.u32 s5, $0x1;
	[dreg:$0x6] =	wrdreg s0  }
0x15: {  	s24 =	simm.s32 $0x2;
	s26 =	simm.s32 $0x4;
	[dreg:$0x7] =	wrdreg s5  }
.LBB2_1:
0x16: {  	s0 =	rddreg [dreg:$0x3]  }
0x17: {  	[spmem:s13], [sflag:s6] =	dma.local [hbm:s0], $0x2780  }
0x18: {  	_ =	swait.ge [sflag:s14], $0x2780  }
0x19: {  	[sflag:s14] =	ssyncset.done $0x0  }
0x1a: {  	p1 =	por $0x1, $0x1;
	[sflag:s14] =	ssyncadd.s32 $0xFFFFD880  }
0x1b: {  	s0 =	simm.s32 @!p1 $0x4;
	[bflag:$0x0] =	sbarrier.arrive $0xFFFF  }
0x1c: {  	_ =	swait.ge @!p1 [sflag:s0], $0x4000  }
0x1d: {  	[sflag:s0] =	ssyncset.done @!p1 $0x0  }
0x1e: {  	s10 =	sadd.s32 $0x0, s12;
	[sflag:s0] =	ssyncadd.s32 @!p1 $0xFFFFC000  }
0x1f: {  	[tilespmem:s15], [sflag:$0x7] =	stream.linear.gather [hbm4b:s10+s3], $0x80, $0x38;
	v63 =	vld [tilespmem:$0x0]  }
0x20: {  	_ =	swait.ge [sflag:s14], $0x80  }
0x21: {  	[sflag:s14] =	ssyncset.done $0x0  }
0x22: {  	s1 =	sadd.s32 $0x0, s11;
	[sflag:s14] =	ssyncadd.s32 $0xFFFFFF80  }
0x23: {  	[tilespmem:s3], [sflag:$0x7] =	stream.linear.gather [hbm4b:s1+s3], $0x80, $0x38;
	v63 =	vld [tilespmem:$0x0]  }
0x24: {  	_ =	swait.ge [sflag:s14], $0x80  }
0x25: {  	[sflag:s14] =	ssyncset.done $0x0  }
0x26: {  	s5 =	simm.s32 @!p1 $0x3;
	[sflag:s14] =	ssyncadd.s32 $0xFFFFFF80  }
0x27: {  	[tilespmem:s17], [sflag:$0x1] =	stream.indirect.gather [hbm4b:s4+s16], $0x80, s3, s16, $0xb8;
	v63 =	vld [tilespmem:$0x0]  }
0x28: {  	_ =	swait.ge @!p1 [sflag:s5], $0x4000  }
0x29: {  	s31 =	simm.s32 @!p1 $0x8400;
	[sflag:s5] =	ssyncset.done @!p1 $0x0  }
0x2a: {  	s7 =	simm.s32 @!p1 $0x300;
	[sflag:s5] =	ssyncadd.s32 @!p1 $0xFFFFC000;
	s5 =	simm.s32 @!p1 $0x80  }
0x2b: {  	[spmem:s2] =	stream.indirect.scatter.add.f32 @!p1 [tilespmem:s31], [sflag:$0x6], $0x80, s7, s5, $0xb8;
	v63 =	vld [tilespmem:$0x0]  }
0x2c: {  	s5 =	simm.s32 @!p1 $0x5  }
0x2d: {  	_ =	swait.ge @!p1 [sflag:s5], $0x4000  }
0x2e: {  	[sflag:s5] =	ssyncset.done @!p1 $0x0  }
0x2f: {  	s8 =	sadd.s32 $0x200, s10;
	[sflag:s5] =	ssyncadd.s32 @!p1 $0xFFFFC000  }
0x30: {  	[tilespmem:s18], [sflag:$0x7] =	stream.linear.gather [hbm4b:s8+s3], $0x80, $0x38;
	v63 =	vld [tilespmem:$0x0]  }
0x31: {  	_ =	swait.ge [sflag:s14], $0x80  }
0x32: {  	[sflag:s14] =	ssyncset.done $0x0  }
0x33: {  	s9 =	sadd.s32 $0x200, s1;
	[sflag:s14] =	ssyncadd.s32 $0xFFFFFF80  }
0x34: {  	[tilespmem:s16], [sflag:$0x7] =	stream.linear.gather [hbm4b:s9+s3], $0x80, $0x38;
	v63 =	vld [tilespmem:$0x0]  }
0x35: {  	_ =	swait.ge [sflag:s14], $0x80  }
0x36: {  	[sflag:s14] =	ssyncset.done $0x0  }
0x37: {  	[sflag:s14] =	ssyncadd.s32 $0xFFFFFF80  }
0x38: {  	[tilespmem:s19], [sflag:$0x2] =	stream.indirect.gather [hbm4b:s4+s16], $0x80, s16, s16, $0xb8;
	v63 =	vld [tilespmem:$0x0]  }
0x39: {  	_ =	swait.ge [sflag:s20], $0x4000  }
0x3a: {  	[sflag:s20] =	ssyncset.done $0x0  }
0x3b: {  	s5 =	simm.s32 @!p1 $0x6;
	[sflag:s20] =	ssyncadd.s32 $0xFFFFC000  }
0x3c: {  	[spmem:s2] =	stream.indirect.scatter.add.f32 [tilespmem:s17], [sflag:$0x4], $0x80, s15, s16, $0xb8;
	v63 =	vld [tilespmem:$0x0]  }
0x3d: {  	_ =	swait.ge @!p1 [sflag:s5], $0x4000  }
0x3e: {  	[sflag:s5] =	ssyncset.done @!p1 $0x0  }
0x3f: {  	s0 =	sadd.s32 $0x400, s10;
	[sflag:s5] =	ssyncadd.s32 @!p1 $0xFFFFC000  }
0x40: {  	[tilespmem:s21], [sflag:$0x7] =	stream.linear.gather [hbm4b:s0+s3], $0x80, $0x38;
	v63 =	vld [tilespmem:$0x0]  }
0x41: {  	_ =	swait.ge [sflag:s14], $0x80  }
0x42: {  	[sflag:s14] =	ssyncset.done $0x0  }
0x43: {  	s10 =	sadd.s32 $0x400, s1;
	[sflag:s14] =	ssyncadd.s32 $0xFFFFFF80  }
0x44: {  	[tilespmem:s22], [sflag:$0x7] =	stream.linear.gather [hbm4b:s10+s3], $0x80, $0x38;
	v63 =	vld [tilespmem:$0x0]  }
0x45: {  	_ =	swait.ge [sflag:s14], $0x80  }
0x46: {  	[sflag:s14] =	ssyncset.done $0x0  }
0x47: {  	[sflag:s14] =	ssyncadd.s32 $0xFFFFFF80  }
0x48: {  	[tilespmem:s23], [sflag:$0x3] =	stream.indirect.gather [hbm4b:s4+s16], $0x80, s22, s16, $0xb8;
	v63 =	vld [tilespmem:$0x0]  }
0x49: {  	s31 =	simm.s32 $0x600;
	_ =	swait.ge [sflag:s24], $0x4000  }
0x4a: {  	p1 =	por $0x0, $0x0;
	s0 =	simm.s32 $0xC00;
	[sflag:s24] =	ssyncset.done $0x0  }
.LBB2_2:
0x4b: {  	s1 =	simm.s32 @!p1 $0x4  }
0x4c: {  	[sflag:s24] =	ssyncadd.s32 $0xFFFFC000;
	s7 =	smov.u32 s0;
	s0 =	sadd.s32 $0x600, s0  }
0x4d: {  	[spmem:s2] =	stream.indirect.scatter.add.f32 [tilespmem:s19], [sflag:$0x5], $0x80, s18, s16, $0xb8;
	v63 =	vld [tilespmem:$0x0]  }
0x4e: {  	p2 =	sne.s32 s0, $0x9C00;
	_ =	swait.ge @!p1 [sflag:s1], $0x4000  }
0x4f: {  	[sflag:s1] =	ssyncset.done @!p1 $0x0  }
0x50: {  	[sflag:s1] =	ssyncadd.s32 @!p1 $0xFFFFC000;
	s1 =	sadd.s32 s31, s12  }
0x51: {  	[tilespmem:s15], [sflag:$0x7] =	stream.linear.gather [hbm4b:s1+s3], $0x80, $0x38;
	v63 =	vld [tilespmem:$0x0]  }
0x52: {  	_ =	swait.ge [sflag:s14], $0x80  }
0x53: {  	[sflag:s14] =	ssyncset.done $0x0  }
0x54: {  	s5 =	sadd.s32 s31, s11;
	s31 =	smov.u32 s7;
	[sflag:s14] =	ssyncadd.s32 $0xFFFFFF80  }
0x55: {  	[tilespmem:s3], [sflag:$0x7] =	stream.linear.gather [hbm4b:s5+s3], $0x80, $0x38;
	v63 =	vld [tilespmem:$0x0]  }
0x56: {  	_ =	swait.ge [sflag:s14], $0x80  }
0x57: {  	[sflag:s14] =	ssyncset.done $0x0  }
0x58: {  	s7 =	simm.s32 @!p1 $0x3;
	[sflag:s14] =	ssyncadd.s32 $0xFFFFFF80  }
0x59: {  	[tilespmem:s17], [sflag:$0x1] =	stream.indirect.gather [hbm4b:s4+s16], $0x80, s3, s16, $0xb8;
	v63 =	vld [tilespmem:$0x0]  }
0x5a: {  	_ =	swait.ge @!p1 [sflag:s7], $0x4000  }
0x5b: {  	s8 =	simm.s32 @!p1 $0x8400;
	s9 =	simm.s32 @!p1 $0x5;
	[sflag:s7] =	ssyncset.done @!p1 $0x0  }
0x5c: {  	s10 =	simm.s32 @!p1 $0x300;
	[sflag:s7] =	ssyncadd.s32 @!p1 $0xFFFFC000;
	s7 =	simm.s32 @!p1 $0x80  }
0x5d: {  	[spmem:s2] =	stream.indirect.scatter.add.f32 @!p1 [tilespmem:s8], [sflag:$0x6], $0x80, s10, s7, $0xb8;
	v63 =	vld [tilespmem:$0x0]  }
0x5e: {  	_ =	swait.ge @!p1 [sflag:s9], $0x4000  }
0x5f: {  	[sflag:s9] =	ssyncset.done @!p1 $0x0  }
0x60: {  	s7 =	sadd.s32 $0x200, s1;
	[sflag:s9] =	ssyncadd.s32 @!p1 $0xFFFFC000  }
0x61: {  	[tilespmem:s18], [sflag:$0x7] =	stream.linear.gather [hbm4b:s7+s3], $0x80, $0x38;
	v63 =	vld [tilespmem:$0x0]  }
0x62: {  	_ =	swait.ge [sflag:s14], $0x80  }
0x63: {  	[sflag:s14] =	ssyncset.done $0x0  }
0x64: {  	s7 =	sadd.s32 $0x200, s5;
	[sflag:s14] =	ssyncadd.s32 $0xFFFFFF80  }
0x65: {  	[tilespmem:s16], [sflag:$0x7] =	stream.linear.gather [hbm4b:s7+s3], $0x80, $0x38;
	v63 =	vld [tilespmem:$0x0]  }
0x66: {  	_ =	swait.ge [sflag:s14], $0x80  }
0x67: {  	[sflag:s14] =	ssyncset.done $0x0  }
0x68: {  	[sflag:s14] =	ssyncadd.s32 $0xFFFFFF80  }
0x69: {  	[tilespmem:s19], [sflag:$0x2] =	stream.indirect.gather [hbm4b:s4+s16], $0x80, s16, s16, $0xb8;
	v63 =	vld [tilespmem:$0x0]  }
0x6a: {  	_ =	swait.ge [sflag:s20], $0x4000  }
0x6b: {  	[sflag:s20] =	ssyncset.done $0x0  }
0x6c: {  	s7 =	simm.s32 @!p1 $0x6;
	[sflag:s20] =	ssyncadd.s32 $0xFFFFC000  }
0x6d: {  	[spmem:s2] =	stream.indirect.scatter.add.f32 [tilespmem:s17], [sflag:$0x4], $0x80, s15, s16, $0xb8;
	v63 =	vld [tilespmem:$0x0]  }
0x6e: {  	_ =	swait.ge @!p1 [sflag:s7], $0x4000  }
0x6f: {  	[sflag:s7] =	ssyncset.done @!p1 $0x0  }
0x70: {  	s1 =	sadd.s32 $0x400, s1;
	[sflag:s7] =	ssyncadd.s32 @!p1 $0xFFFFC000  }
0x71: {  	[tilespmem:s21], [sflag:$0x7] =	stream.linear.gather [hbm4b:s1+s3], $0x80, $0x38;
	v63 =	vld [tilespmem:$0x0]  }
0x72: {  	_ =	swait.ge [sflag:s14], $0x80  }
0x73: {  	[sflag:s14] =	ssyncset.done $0x0  }
0x74: {  	s1 =	sadd.s32 $0x400, s5;
	[sflag:s14] =	ssyncadd.s32 $0xFFFFFF80  }
0x75: {  	[tilespmem:s22], [sflag:$0x7] =	stream.linear.gather [hbm4b:s1+s3], $0x80, $0x38;
	v63 =	vld [tilespmem:$0x0]  }
0x76: {  	_ =	swait.ge [sflag:s14], $0x80  }
.Ltmp0:
0x77: {  	[sflag:s14] =	ssyncset.done $0x0;
	(pc) =	sbr.rel @p2 .LBB2_2-.Ltmp0, $4  }
0x78: {  	[sflag:s14] =	ssyncadd.s32 $0xFFFFFF80  }
0x79: {  	[tilespmem:s23], [sflag:$0x3] =	stream.indirect.gather [hbm4b:s4+s16], $0x80, s22, s16, $0xb8;
	v63 =	vld [tilespmem:$0x0]  }
0x7a: {  	_ =	swait.ge [sflag:s24], $0x4000  }
0x7b: {  	p1 =	seq.s32 s31, $0x0;
	[sflag:s24] =	ssyncset.done $0x0  }
0x7c: {  	s0 =	simm.s32 @!p1 $0x4;
	[sflag:s24] =	ssyncadd.s32 $0xFFFFC000  }
0x7d: {  	[spmem:s2] =	stream.indirect.scatter.add.f32 [tilespmem:s19], [sflag:$0x5], $0x80, s18, s16, $0xb8;
	v63 =	vld [tilespmem:$0x0]  }
0x7e: {  	_ =	swait.ge @!p1 [sflag:s0], $0x4000  }
0x7f: {  	[sflag:s0] =	ssyncset.done @!p1 $0x0  }
0x80: {  	s10 =	sadd.s32 s31, s12;
	[sflag:s0] =	ssyncadd.s32 @!p1 $0xFFFFC000  }
0x81: {  	[tilespmem:s15], [sflag:$0x7] =	stream.linear.gather [hbm4b:s10+s3], $0x80, $0x38;
	v63 =	vld [tilespmem:$0x0]  }
0x82: {  	_ =	swait.ge [sflag:s14], $0x80  }
0x83: {  	[sflag:s14] =	ssyncset.done $0x0  }
0x84: {  	s1 =	sadd.s32 s31, s11;
	[sflag:s14] =	ssyncadd.s32 $0xFFFFFF80  }
0x85: {  	[tilespmem:s3], [sflag:$0x7] =	stream.linear.gather [hbm4b:s1+s3], $0x80, $0x38;
	v63 =	vld [tilespmem:$0x0]  }
0x86: {  	_ =	swait.ge [sflag:s14], $0x80  }
0x87: {  	[sflag:s14] =	ssyncset.done $0x0  }
0x88: {  	s5 =	simm.s32 @!p1 $0x3;
	[sflag:s14] =	ssyncadd.s32 $0xFFFFFF80  }
0x89: {  	[tilespmem:s17], [sflag:$0x1] =	stream.indirect.gather [hbm4b:s4+s16], $0x80, s3, s16, $0xb8;
	v63 =	vld [tilespmem:$0x0]  }
0x8a: {  	_ =	swait.ge @!p1 [sflag:s5], $0x4000  }
0x8b: {  	s7 =	simm.s32 @!p1 $0x8400;
	[sflag:s5] =	ssyncset.done @!p1 $0x0  }
0x8c: {  	s8 =	simm.s32 @!p1 $0x300;
	[sflag:s5] =	ssyncadd.s32 @!p1 $0xFFFFC000;
	s5 =	simm.s32 @!p1 $0x80  }
0x8d: {  	[spmem:s2] =	stream.indirect.scatter.add.f32 @!p1 [tilespmem:s7], [sflag:$0x6], $0x80, s8, s5, $0xb8;
	v63 =	vld [tilespmem:$0x0]  }
0x8e: {  	s5 =	simm.s32 @!p1 $0x5  }
0x8f: {  	_ =	swait.ge @!p1 [sflag:s5], $0x4000  }
0x90: {  	[sflag:s5] =	ssyncset.done @!p1 $0x0  }
0x91: {  	s7 =	sadd.s32 $0x200, s10;
	[sflag:s5] =	ssyncadd.s32 @!p1 $0xFFFFC000  }
0x92: {  	[tilespmem:s18], [sflag:$0x7] =	stream.linear.gather [hbm4b:s7+s3], $0x80, $0x38;
	v63 =	vld [tilespmem:$0x0]  }
0x93: {  	_ =	swait.ge [sflag:s14], $0x80  }
0x94: {  	[sflag:s14] =	ssyncset.done $0x0  }
0x95: {  	s8 =	sadd.s32 $0x200, s1;
	[sflag:s14] =	ssyncadd.s32 $0xFFFFFF80  }
0x96: {  	[tilespmem:s16], [sflag:$0x7] =	stream.linear.gather [hbm4b:s8+s3], $0x80, $0x38;
	v63 =	vld [tilespmem:$0x0]  }
0x97: {  	_ =	swait.ge [sflag:s14], $0x80  }
0x98: {  	[sflag:s14] =	ssyncset.done $0x0  }
0x99: {  	[sflag:s14] =	ssyncadd.s32 $0xFFFFFF80  }
0x9a: {  	[tilespmem:s19], [sflag:$0x2] =	stream.indirect.gather [hbm4b:s4+s16], $0x80, s16, s16, $0xb8;
	v63 =	vld [tilespmem:$0x0]  }
0x9b: {  	_ =	swait.ge [sflag:s20], $0x4000  }
0x9c: {  	[sflag:s20] =	ssyncset.done $0x0  }
0x9d: {  	s5 =	simm.s32 @!p1 $0x6;
	[sflag:s20] =	ssyncadd.s32 $0xFFFFC000  }
0x9e: {  	[spmem:s2] =	stream.indirect.scatter.add.f32 [tilespmem:s17], [sflag:$0x4], $0x80, s15, s16, $0xb8;
	v63 =	vld [tilespmem:$0x0]  }
0x9f: {  	_ =	swait.ge @!p1 [sflag:s5], $0x4000  }
0xa0: {  	[sflag:s5] =	ssyncset.done @!p1 $0x0  }
0xa1: {  	s0 =	sadd.s32 $0x400, s10;
	[sflag:s5] =	ssyncadd.s32 @!p1 $0xFFFFC000  }
0xa2: {  	[tilespmem:s21], [sflag:$0x7] =	stream.linear.gather [hbm4b:s0+s3], $0x80, $0x38;
	v63 =	vld [tilespmem:$0x0]  }
0xa3: {  	_ =	swait.ge [sflag:s14], $0x80  }
0xa4: {  	[sflag:s14] =	ssyncset.done $0x0  }
0xa5: {  	s9 =	sadd.s32 $0x400, s1;
	[sflag:s14] =	ssyncadd.s32 $0xFFFFFF80  }
0xa6: {  	[tilespmem:s22], [sflag:$0x7] =	stream.linear.gather [hbm4b:s9+s3], $0x80, $0x38;
	v63 =	vld [tilespmem:$0x0]  }
0xa7: {  	_ =	swait.ge [sflag:s14], $0x80  }
0xa8: {  	[sflag:s14] =	ssyncset.done $0x0  }
0xa9: {  	[sflag:s14] =	ssyncadd.s32 $0xFFFFFF80  }
0xaa: {  	[tilespmem:s23], [sflag:$0x3] =	stream.indirect.gather [hbm4b:s4+s16], $0x80, s22, s16, $0xb8;
	v63 =	vld [tilespmem:$0x0]  }
0xab: {  	_ =	swait.ge [sflag:s24], $0x4000  }
0xac: {  	[sflag:s24] =	ssyncset.done $0x0  }
0xad: {  	[sflag:s24] =	ssyncadd.s32 $0xFFFFC000  }
0xae: {  	[spmem:s2] =	stream.indirect.scatter.add.f32 [tilespmem:s19], [sflag:$0x5], $0x80, s18, s16, $0xb8;
	v63 =	vld [tilespmem:$0x0]  }
0xaf: {  	_ =	swait.ge [sflag:s25], $0x4000  }
0xb0: {  	[sflag:s25] =	ssyncset.done $0x0  }
0xb1: {  	[sflag:s25] =	ssyncadd.s32 $0xFFFFC000  }
0xb2: {  	[spmem:s2] =	stream.indirect.scatter.add.f32 [tilespmem:s23], [sflag:$0x6], $0x80, s21, s16, $0xb8;
	v63 =	vld [tilespmem:$0x0]  }
0xb3: {  	_ =	swait.ge [sflag:s26], $0x4000  }
0xb4: {  	[sflag:s26] =	ssyncset.done $0x0  }
0xb5: {  	[sflag:s26] =	ssyncadd.s32 $0xFFFFC000  }
0xb6: {  	_ =	swait.ge [sflag:s28], $0x4000  }
0xb7: {  	[sflag:s28] =	ssyncset.done $0x0  }
0xb8: {  	[sflag:s28] =	ssyncadd.s32 $0xFFFFC000  }
0xb9: {  	_ =	swait.ge [sflag:s29], $0x4000  }
0xba: {  	s1 =	simm.s32 @!p0 $0x200;
	[sflag:s29] =	ssyncset.done $0x0  }
0xbb: {  	s0 =	simm.s32 @!p0 $0x0;
	s5 =	rddreg [dreg:$0x4];
	[sflag:s29] =	ssyncadd.s32 $0xFFFFC000  }
0xbc: {  	[tilespmem:s1], [sflag:$0x7] =	stream.linear.gather @!p0 [hbm4b:s5+s0], $0x80, $0x38;
	v63 =	vld [tilespmem:$0x0]  }
0xbd: {  	s5 =	simm.s32 @!p0 $0x7  }
0xbe: {  	_ =	swait.ge @!p0 [sflag:s5], $0x80  }
0xbf: {  	[sflag:s5] =	ssyncset.done @!p0 $0x0  }
0xc0: {  	s7 =	rddreg [dreg:$0x5];
	[sflag:s5] =	ssyncadd.s32 @!p0 $0xFFFFFF80  }
0xc1: {  	[tilespmem:s0], [sflag:$0x7] =	stream.linear.gather @!p0 [hbm4b:s7+s0], $0x80, $0x38;
	v63 =	vld [tilespmem:$0x0]  }
0xc2: {  	_ =	swait.ge @!p0 [sflag:s5], $0x80  }
0xc3: {  	[sflag:s5] =	ssyncset.done @!p0 $0x0  }
0xc4: {  	s8 =	simm.s32 @!p0 $0x400;
	s7 =	simm.s32 @!p0 $0x80;
	[sflag:s5] =	ssyncadd.s32 @!p0 $0xFFFFFF80  }
0xc5: {  	[tilespmem:s8], [sflag:$0x1] =	stream.indirect.gather @!p0 [hbm4b:s4+s7], $0x80, s0, s7, $0xb8;
	v63 =	vld [tilespmem:$0x0]  }
0xc6: {  	s0 =	simm.s32 @!p0 $0x1  }
0xc7: {  	_ =	swait.ge @!p0 [sflag:s0], $0x4000  }
0xc8: {  	[sflag:s0] =	ssyncset.done @!p0 $0x0  }
0xc9: {  	[sflag:s0] =	ssyncadd.s32 @!p0 $0xFFFFC000  }
0xca: {  	[spmem:s2] =	stream.indirect.scatter.add.f32 @!p0 [tilespmem:s8], [sflag:$0x7], $0x80, s1, s7, $0xb8;
	v63 =	vld [tilespmem:$0x0]  }
0xcb: {  	_ =	swait.ge @!p0 [sflag:s5], $0x4000  }
0xcc: {  	[sflag:s5] =	ssyncset.done @!p0 $0x0  }
0xcd: {  	[sflag:s5] =	ssyncadd.s32 @!p0 $0xFFFFC000  }
0xce: {  	[bflag:$0x0] =	sbarrier.arrive $0xFFFF  }
0xcf: {  	s10 =	rddreg [dreg:$0x6]  }
0xd0: {  	[hbm:s10], [sflag:s6] =	dma.local [spmem:s13], $0x2780  }
0xd1: {  	_ =	swait.ge [sflag:s14], $0x2780  }
0xd2: {  	s30 =	sadd.s32 $0x1, s30;
	s31 =	rddreg [dreg:$0x7]  }
0xd3: {  	p1 =	sne.s32 s30, s31  }
.Ltmp1:
0xd4: {  	_ = 	snop;
	(pc) =	sbr.rel @p1 .LBB2_1-.Ltmp1, $3  }
0xd5: {  	_ =	sdelay $0x1  }
0xd6: {  	[sflag:s14] =	ssyncset.done $0x0  }
0xd7: {  	[sflag:s14] =	ssyncadd.s32 $0xFFFFD880  }
0xd8: {  	_ =	sfence.sel $0x180000  }
0xd9: {  	[bflag:$0x0] =	sbarrier.arrive $0xFFFF  }
0xda: {  	_ =	strace $0x9000004A  }
0xdb: {  	s0 =	stileid.u32;
	[bflag:$0x2] =	sbarrier.arrive $0xFFFF  }
0xdc: {  	p0 =	sne.s32 s0, $0x0;
	s0 =	rddreg [dreg:$0x2]  }
0xdd: {  	s0 =	sadd.s32 @!p0 $0x100000, s0  }
0xde: {  	[sflag:s0] =	ssyncadd.tile.s32 @!p0 $0x1;
	_ =	shalt  }
.Lfunc_end2:
_tile_overlayer_lowered:
.L_overlay_start_2:
0xdf: {  	(tag) =	ssettag $0x2  }
0xe0: {  	s0 =	rddreg [dreg:$0x0];
	s2 =	stileid.u32  }
0xe1: {  	s1 =	rddreg [dreg:$0x1];
	p0 =	sne.s32 s2, $0x0  }
0xe2: {  	s3 =	rddreg [dreg:$0x2];
	[bflag:$0x3] =	sbarrier.arrive $0xFFFF;
	s2 =	simm.s32 @!p0 $0x1C07  }
0xe3: {  	[timem:s3], [sflag:s2] =	dma.local @!p0 [hbm:s0], s1  }
0xe4: {  	s0 =	simm.s32 @!p0 $0x7  }
0xe5: {  	_ =	swait.ge @!p0 [sflag:s0], s1  }
0xe6: {  	s1 =	ssub.s32 @!p0 $0x0, s1;
	[sflag:s0] =	ssyncset.done @!p0 $0x0  }
0xe7: {  	[sflag:s0] =	ssyncadd.s32 @!p0 s1  }
0xe8: {  	[bflag:$0x3] =	sbarrier.arrive $0xFFFF  }
0xe9: {  	_ =	shalt  }

// kernel: kernel.14.cloned.1.call-start
scs
__scs_entry_jumppad:
0x0: {  	(pc) =	sbr.rel $0x88, $3  }
0x1: {  	(tag) =	ssettag $0x0;
	lr =	simm.s32 $0x1  }
0x2: {  	[smem:$0x3F9B] =	sst lr;
	_ =	strace $0xD0000000  }
0x3: {  	_ = 	snop  }
0x4: {  	_ = 	snop  }
0x5: {  	_ = 	snop  }
0x6: {  	_ = 	snop  }
0x7: {  	_ = 	snop  }
__scs_overlays_trampoline_lowered:
0x8: {  	[smem:$0x3FAA] =	sst s0  }
0x9: {  	[smem:$0x3FAB] =	sst s1  }
0xa: {  	[smem:$0x3FAC] =	sst s2  }
0xb: {  	[smem:$0x3FAD] =	sst s3  }
0xc: {  	[smem:$0x3FAE] =	sst s4  }
0xd: {  	[smem:$0x3FAF] =	sst s5  }
0xe: {  	[smem:$0x3FB0] =	sst s6  }
0xf: {  	[smem:$0x3FB1] =	sst s7  }
0x10: {  	[smem:$0x3FB2] =	sst s8  }
0x11: {  	[smem:$0x3FB3] =	sst s9;
	s0 =	simm.s32 @!p0 $0x0  }
0x12: {  	s1 =	sld [smem:$0x3F99];
	s0 =	simm.s32 @p0 $0x1  }
0x13: {  	[smem:$0x3FB4] =	sst s0;
	s0 =	simm.s32 @!p1 $0x0  }
0x14: {  	s2 =	sld [smem:$0x3F98];
	s0 =	simm.s32 @p1 $0x1  }
0x15: {  	[smem:$0x3FB5] =	sst s0;
	s0 =	simm.s32 @!p2 $0x0  }
0x16: {  	s3 =	sld [smem:$0x3FDB];
	s0 =	simm.s32 @p2 $0x1  }
0x17: {  	s4 =	simm.s32 $0x1BF5;
	[smem:$0x3FB7] =	sst s0  }
0x18: {  	s0 =	sld [smem:$0x3F9A];
	_ =	swait.ge [sflag:s4], $0x0  }
0x19: {  	s7 =	sld [smem:$0x3F9B]  }
0x1a: {  	s8 =	sadd.s32 $0xFFFFE003, lr  }
0x1b: {  	s9 =	sadd.s32 $0xFFFFFEF7, lr;
	s5 =	simm.s32 $0xFFFFFFFF;
	p2 =	slt.u32 s8, $0xFFFFF086  }
0x1c: {  	p1 =	slt.u32 s9, $0xF7A;
	s5 =	simm.s32 @!p2 $0x0  }
0x1d: {  	s5 =	simm.s32 @p1 $0x1;
	p0 =	seq.s32 s7, s2  }
0x1e: {  	s7 =	smul.u32 @!p0 $0xF7A, s2;
	p2 =	seq.s32 @!p0 s5, $0x0  }
0x1f: {  	s9 =	smul.u32 $0xF7A, s1;
	s8 =	simm.s32 @!p0 $0x1BF5;
	p2 =	por !p2, p0  }
0x20: {  	[sflag:s8] =	ssyncset.s32 @!p0 $0xFFFFF086;
	s6 =	sadd.s32 @!p0 s3, s7;
	s7 =	simm.s32 @!p0 $0x108  }
0x21: {  	s3 =	sadd.s32 s3, s9;
	s6 =	sadd.s32 @!p0 $0x88, s6;
	s7 =	simm.s32 @p2 $0x1082  }
0x22: {  	[simem:s7], [sflag:s8] =	dma.local @!p0 [hbm:s6], $0xF7A  }
0x23: {  	s9 =	sor.u32 $0xD0000000, s2;
	s6 =	simm.s32 $0x108;
	_ =	swait.ge @!p0 [sflag:s8], $0x0  }
0x24: {  	s3 =	sadd.s32 $0x88, s3;
	s6 =	simm.s32 @!p1 $0x1082;
	[sflag:s4] =	ssyncset.s32 $0xFFFFF086  }
0x25: {  	[simem:s6], [sflag:s4] =	dma.local [hbm:s3], $0xF7A  }
0x26: {  	[smem:$0x3F9B] =	sst s1;
	(tag) =	ssettag s2;
	_ =	strace s9  }
0x27: {  	s1 =	sld [smem:$0x3FAB]  }
0x28: {  	s2 =	sld [smem:$0x3FAC]  }
0x29: {  	s4 =	sld [smem:$0x3FAE]  }
0x2a: {  	p0 =	seq.s32 s5, $0x0;
	s5 =	sld [smem:$0x3FAF]  }
0x2b: {  	s6 =	sld [smem:$0x3FB0]  }
0x2c: {  	s7 =	sld [smem:$0x3FB1]  }
0x2d: {  	s3 =	simm.s32 $0x108;
	s8 =	sld [smem:$0x3FB2]  }
0x2e: {  	s3 =	simm.s32 @!p0 $0x1082;
	s9 =	sld [smem:$0x3FB3]  }
0x2f: {  	lr =	sadd.s32 s0, s3;
	s0 =	sld [smem:$0x3FAA]  }
0x30: {  	s3 =	sld [smem:$0x3FAD]  }
0x31: {  	[smem:$0x3FB6] =	sst s10  }
0x32: {  	s10 =	sld [smem:$0x3FB4];
	_ =	sdelay $0x3  }
0x33: {  	p0 =	seq.s32 s10, $0x1;
	s10 =	sld [smem:$0x3FB6];
	_ =	sdelay $0x3  }
0x34: {  	[smem:$0x3FB6] =	sst s10  }
0x35: {  	s10 =	sld [smem:$0x3FB5];
	_ =	sdelay $0x3  }
0x36: {  	p1 =	seq.s32 s10, $0x1;
	s10 =	sld [smem:$0x3FB6];
	_ =	sdelay $0x3  }
0x37: {  	[smem:$0x3FB6] =	sst s10  }
0x38: {  	s10 =	sld [smem:$0x3FB7]  }
0x39: {  	_ = 	snop;
	(pc) =	sbr.ind lr, $3  }
0x3a: {  	_ = 	snop  }
0x3b: {  	_ = 	snop  }
0x3c: {  	p2 =	seq.s32 s10, $0x1;
	s10 =	sld [smem:$0x3FB6]  }
0x3d: {  	_ =	shalt  }
0x3e: {  	_ =	shalt  }
0x3f: {  	_ =	shalt  }
0x40: {  	_ =	shalt  }
0x41: {  	_ =	shalt  }
0x42: {  	_ =	shalt  }
0x43: {  	_ =	shalt  }
0x44: {  	_ =	shalt  }
0x45: {  	_ =	shalt  }
0x46: {  	_ =	shalt  }
0x47: {  	_ =	shalt  }
0x48: {  	_ =	shalt  }
0x49: {  	_ =	shalt  }
0x4a: {  	_ =	shalt  }
0x4b: {  	_ =	shalt  }
0x4c: {  	_ =	shalt  }
0x4d: {  	_ =	shalt  }
0x4e: {  	_ =	shalt  }
0x4f: {  	_ =	shalt  }
0x50: {  	_ =	shalt  }
0x51: {  	_ =	shalt  }
0x52: {  	_ =	shalt  }
0x53: {  	_ =	shalt  }
0x54: {  	_ =	shalt  }
0x55: {  	_ =	shalt  }
0x56: {  	_ =	shalt  }
0x57: {  	_ =	shalt  }
0x58: {  	_ =	shalt  }
0x59: {  	_ =	shalt  }
0x5a: {  	_ =	shalt  }
0x5b: {  	_ =	shalt  }
0x5c: {  	_ =	shalt  }
0x5d: {  	_ =	shalt  }
0x5e: {  	_ =	shalt  }
0x5f: {  	_ =	shalt  }
0x60: {  	_ =	shalt  }
0x61: {  	_ =	shalt  }
0x62: {  	_ =	shalt  }
0x63: {  	_ =	shalt  }
0x64: {  	_ =	shalt  }
0x65: {  	_ =	shalt  }
0x66: {  	_ =	shalt  }
0x67: {  	_ =	shalt  }
0x68: {  	_ =	shalt  }
0x69: {  	_ =	shalt  }
0x6a: {  	_ =	shalt  }
0x6b: {  	_ =	shalt  }
0x6c: {  	_ =	shalt  }
0x6d: {  	_ =	shalt  }
0x6e: {  	_ =	shalt  }
0x6f: {  	_ =	shalt  }
0x70: {  	_ =	shalt  }
0x71: {  	_ =	shalt  }
0x72: {  	_ =	shalt  }
0x73: {  	_ =	shalt  }
0x74: {  	_ =	shalt  }
0x75: {  	_ =	shalt  }
0x76: {  	_ =	shalt  }
0x77: {  	_ =	shalt  }
0x78: {  	_ =	shalt  }
0x79: {  	_ =	shalt  }
0x7a: {  	_ =	shalt  }
0x7b: {  	_ =	shalt  }
0x7c: {  	_ =	shalt  }
0x7d: {  	_ =	shalt  }
0x7e: {  	_ =	shalt  }
0x7f: {  	_ =	shalt  }
0x80: {  	_ =	shalt  }
0x81: {  	_ =	shalt  }
0x82: {  	_ =	shalt  }
0x83: {  	_ =	shalt  }
0x84: {  	_ =	shalt  }
0x85: {  	_ =	shalt  }
0x86: {  	_ =	shalt  }
0x87: {  	_ =	shalt  }
.Lfunc_end0:
.L_simem_size_0:
called_computation.2_lowered:
.L_overlay_start_0:
0x88: {  	s2 =	sld [smem:$0x3FD9]  }
0x89: {  	s3 =	sld [smem:$0x3FFE];
	_ =	sdelay $0x1  }
0x8a: {  	s1 =	srdreg.scid  }
0x8b: {  	s0 =	sand.u32 $0x1, s1  }
0x8c: {  	s16 =	sshll.u32 s0, $0xA;
	s2 =	sadd.s32 s3, s2  }
0x8d: {  	s2 =	sadd.s32 s2, s16  }
0x8e: {  	[smem:$0x3FC2] =	sst s2  }
0x8f: {  	_ = 	snop  }
0x90: {  	(tm) =	ssettm $0x1  }
0x91: {  	s17 =	sld [smem:$0x3FFB];
	_ =	sdelay $0x3  }
0x92: {  	_ =	strace s17  }
0x93: {  	s2 =	sld [smem:$0x3FFC];
	_ =	sdelay $0x3  }
0x94: {  	_ =	strace s2  }
0x95: {  	s2 =	sld [smem:$0x3FFD];
	_ =	sdelay $0x3  }
0x96: {  	_ =	strace s2  }
0x97: {  	_ =	strace $0x8FFFFFFF  }
0x98: {  	s18 =	sld [smem:$0x3FDB];
	_ =	sdelay $0x1  }
0x99: {  	s19 =	simm.s32 $_scs_section_size  }
0x9a: {  	s4 =	simm.s32 $_size__tile_overlayer_lowered;
	s5 =	simm.s32 $_tile_overlayer_lowered  }
0x9b: {  	s22 =	simm.s32 $0x1BFF;
	s21 =	sshll.u32 s5, $0x1;
	s2 =	sadd.s32 s19, s18  }
0x9c: {  	s6 =	simm.s32 $0x0;
	s20 =	sshll.u32 s4, $0x1;
	s4 =	sadd.s32 s21, s2  }
0x9d: {  	[timem:s6], [sflag:s22] =	dma.local [hbm:s4], s20  }
0x9e: {  	_ =	swait.ge [sflag:s22], s20  }
0x9f: {  	s3 =	ssub.s32 $0x0, s20;
	[sflag:s22] =	ssyncset.done $0x0  }
0xa0: {  	[sflag:s22] =	ssyncadd.s32 s3;
	_ =	sdelay $0x1  }
0xa1: {  	s23 =	simm.s32 $0x1B8B  }
0xa2: {  	_ =	swait.ge [sflag:s23], $0x1  }
0xa3: {  	[sflag:s23] =	ssyncset.done $0x0  }
0xa4: {  	s25 =	simm.s32 $0x1B8E;
	s24 =	sld [smem:$0x3FFE];
	[sflag:s23] =	ssyncadd.s32 $0xFFFFFFFF  }
0xa5: {  	s26 =	simm.s32 $execute0_lowered;
	[smem:$0x3FD2] =	sst s25  }
0xa6: {  	s4 =	sshll.u32 s26, $0x1;
	_ =	strace $0x8000004C;
	[dreg:$0x1] =	wrdreg $0xFFFFFFFF  }
0xa7: {  	s28 =	simm.s32 $_size_execute0_lowered;
	s2 =	sadd.s32 s2, s4;
	[dreg:$0x0] =	wrdreg $0x0  }
0xa8: {  	s4 =	sshll.u32 s28, $0x1;
	[dreg:$0x2] =	wrdreg s2  }
0xa9: {  	[dreg:$0x3] =	wrdreg s4  }
0xaa: {  	[dreg:$0x4] =	wrdreg $0xC0  }
0xab: {  	_ =	task [dreg:s6], $0x5FFFF  }
0xac: {  	[dreg:$0x1] =	wrdreg $0xFFFFFFFF  }
0xad: {  	[dreg:$0x0] =	wrdreg $0x60  }
0xae: {  	[dreg:$0x2] =	wrdreg s24  }
0xaf: {  	[dreg:$0x3] =	wrdreg $0xC4000  }
0xb0: {  	[dreg:$0x4] =	wrdreg $0x9  }
0xb1: {  	_ =	task.clear_ibuf [dreg:s6], $0x5FFFF;
	_ =	strace $0x9000004C  }
0xb2: {  	s29 =	simm.s32 $0x9;
	_ =	strace $0x8000004E  }
0xb3: {  	_ =	swait.ge [sflag:s29], $0x1  }
0xb4: {  	[sflag:s29] =	ssyncadd.s32 $0xFFFFFFFF  }
0xb5: {  	_ =	strace $0x9000004E  }
0xb6: {  	_ =	sfence  }
0xb7: {  	s30 =	sld [smem:$0x0];
	_ =	sdelay $0x2  }
0xb8: {  	s31 =	sshll.u32 s1, $0xD;
	s1 =	sshrl.u32 s1, $0x2  }
0xb9: {  	s3 =	sand.u32 $0x4000, s31;
	s1 =	sadd.s32 s1, s30  }
0xba: {  	s0 =	sor.u32 s3, s0;
	s1 =	sshll.u32 s1, $0x11  }
0xbb: {  	s0 =	sor.u32 s1, s0  }
0xbc: {  	s0 =	sadd.s32 $0x8F2B, s0  }
0xbd: {  	[sflag:s0] =	ssyncadd.remote.s32 $0x1  }
0xbe: {  	_ =	sfence.sel $0xFFFF  }
0xbf: {  	[dreg:$0x0] =	wrdreg $0xFFFFFFFF;
	(pc) =	sbr.abs _section_cstart, $3  }
0xc0: {  	[dreg:$0x1] =	wrdreg $0xFFFFFFFF  }
0xc1: {  	_ =	task.clear_ibuf [dreg:s6], $0x2FFFF;
	_ =	strace $0x9FFFFFFF  }
0xc2: {  	(tm) =	ssettm $0x7FFFFFFF  }
0xc3: {  	_ =	shalt  }
tec
execute0_lowered:
.L_overlay_start_1:
0x0: {  	(tag) =	ssettag $0x1  }
0x1: {  	s0 =	rddreg [dreg:$0x0]  }
0x2: {  	s2 =	rddreg [dreg:$0x1];
	s3 =	simm.s32 $0x0;
	s12 =	stileid.u32  }
0x3: {  	s1 =	srdreg.scid;
	s14 =	simm.s32 $0x7;
	s15 =	simm.s32 $0x200  }
0x4: {  	s16 =	simm.s32 $0x80;
	s17 =	simm.s32 $0x400;
	s18 =	simm.s32 $0x280  }
0x5: {  	s28 =	simm.s32 $0x5;
	s29 =	simm.s32 $0x6;
	s30 =	simm.s32 $0x0  }
0x6: {  	[smem:$0x7FF] =	sst s3;
	s5 =	smul.u32 $0x2780, s12;
	s1 =	sand.u32 $0x1, s1  }
0x7: {  	s4 =	sadd.s32 $0x8B800, s0;
	s10 =	sadd.s32 $0xBE00, s0;
	s11 =	sadd.s32 $0x2000, s0  }
0x8: {  	s8 =	smul.u32 $0x4F000, s12;
	s22 =	sshll.u32 s12, $0x6;
	_ =	strace $0x8000004D  }
0x9: {  	s6 =	smul.u32 $0x27800, s1;
	s19 =	ssub.s32 $0x2, s1;
	s9 =	sshll.u32 s1, $0x4  }
0xa: {  	s1 =	sshll.u32 s1, $0x8;
	s7 =	sadd.s32 s5, s0;
	s20 =	sshrl.u32 s19, $0x1  }
0xb: {  	s25 =	sor.u32 s12, s9;
	s21 =	sshrl.u32 s8, $0x2;
	s12 =	sshll.u32 s12, $0x4  }
0xc: {  	s31 =	sadd.s32 s1, s10;
	s1 =	sadd.s32 s1, s11;
	s5 =	sadd.s32 s5, s6  }
0xd: {  	s13 =	sadd.s32 s21, s2;
	s7 =	sadd.s32 $0x15C00, s7;
	s6 =	sor.u32 $0x1C07, s22  }
0xe: {  	s23 =	sor.u32 $0x9C00, s12;
	s21 =	simm.s32 $0x300;
	s22 =	simm.s32 $0x100  }
0xf: {  	p0 =	sgt.u32 s25, $0x3;
	s25 =	simm.s32 $0x3;
	s0 =	sadd.s32 s5, s0  }
0x10: {  	s5 =	ssub.s32 s19, s20;
	[dreg:$0x3] =	wrdreg s7;
	s24 =	sadd.s32 s11, s23  }
0x11: {  	s26 =	sadd.s32 s10, s23;
	s11 =	sadd.s32 s12, s31;
	s12 =	sadd.s32 s12, s1  }
0x12: {  	s13 =	sshrl.u32 s13, $0x3;
	s19 =	simm.s32 $0x4400;
	[dreg:$0x4] =	wrdreg s24  }
0x13: {  	s20 =	simm.s32 $0x1;
	[dreg:$0x5] =	wrdreg s26;
	s0 =	sadd.s32 $0xB3000, s0  }
0x14: {  	s23 =	simm.s32 $0x8400;
	s5 =	smax.u32 s5, $0x1;
	[dreg:$0x6] =	wrdreg s0  }
0x15: {  	s24 =	simm.s32 $0x2;
	s26 =	simm.s32 $0x4;
	[dreg:$0x7] =	wrdreg s5  }
.LBB2_1:
0x16: {  	s0 =	rddreg [dreg:$0x3]  }
0x17: {  	[spmem:s13], [sflag:s6] =	dma.local [hbm:s0], $0x2780  }
0x18: {  	_ =	swait.ge [sflag:s14], $0x2780  }
0x19: {  	[sflag:s14] =	ssyncset.done $0x0  }
0x1a: {  	p1 =	por $0x1, $0x1;
	[sflag:s14] =	ssyncadd.s32 $0xFFFFD880  }
0x1b: {  	s0 =	simm.s32 @!p1 $0x4;
	[bflag:$0x0] =	sbarrier.arrive $0xFFFF  }
0x1c: {  	_ =	swait.ge @!p1 [sflag:s0], $0x4000  }
0x1d: {  	[sflag:s0] =	ssyncset.done @!p1 $0x0  }
0x1e: {  	s10 =	sadd.s32 $0x0, s12;
	[sflag:s0] =	ssyncadd.s32 @!p1 $0xFFFFC000  }
0x1f: {  	[tilespmem:s15], [sflag:$0x7] =	stream.linear.gather [hbm4b:s10+s3], $0x80, $0x38;
	v63 =	vld [tilespmem:$0x0]  }
0x20: {  	_ =	swait.ge [sflag:s14], $0x80  }
0x21: {  	[sflag:s14] =	ssyncset.done $0x0  }
0x22: {  	s1 =	sadd.s32 $0x0, s11;
	[sflag:s14] =	ssyncadd.s32 $0xFFFFFF80  }
0x23: {  	[tilespmem:s3], [sflag:$0x7] =	stream.linear.gather [hbm4b:s1+s3], $0x80, $0x38;
	v63 =	vld [tilespmem:$0x0]  }
0x24: {  	_ =	swait.ge [sflag:s14], $0x80  }
0x25: {  	[sflag:s14] =	ssyncset.done $0x0  }
0x26: {  	s5 =	simm.s32 @!p1 $0x3;
	[sflag:s14] =	ssyncadd.s32 $0xFFFFFF80  }
0x27: {  	[tilespmem:s17], [sflag:$0x1] =	stream.indirect.gather [hbm4b:s4+s16], $0x80, s3, s16, $0xb8;
	v63 =	vld [tilespmem:$0x0]  }
0x28: {  	_ =	swait.ge @!p1 [sflag:s5], $0x4000  }
0x29: {  	s31 =	simm.s32 @!p1 $0x8400;
	[sflag:s5] =	ssyncset.done @!p1 $0x0  }
0x2a: {  	s7 =	simm.s32 @!p1 $0x300;
	[sflag:s5] =	ssyncadd.s32 @!p1 $0xFFFFC000;
	s5 =	simm.s32 @!p1 $0x80  }
0x2b: {  	[spmem:s2] =	stream.indirect.scatter.add.f32 @!p1 [tilespmem:s31], [sflag:$0x6], $0x80, s7, s5, $0xb8;
	v63 =	vld [tilespmem:$0x0]  }
0x2c: {  	s5 =	simm.s32 @!p1 $0x5  }
0x2d: {  	_ =	swait.ge @!p1 [sflag:s5], $0x4000  }
0x2e: {  	[sflag:s5] =	ssyncset.done @!p1 $0x0  }
0x2f: {  	s8 =	sadd.s32 $0x200, s10;
	[sflag:s5] =	ssyncadd.s32 @!p1 $0xFFFFC000  }
0x30: {  	[tilespmem:s18], [sflag:$0x7] =	stream.linear.gather [hbm4b:s8+s3], $0x80, $0x38;
	v63 =	vld [tilespmem:$0x0]  }
0x31: {  	_ =	swait.ge [sflag:s14], $0x80  }
0x32: {  	[sflag:s14] =	ssyncset.done $0x0  }
0x33: {  	s9 =	sadd.s32 $0x200, s1;
	[sflag:s14] =	ssyncadd.s32 $0xFFFFFF80  }
0x34: {  	[tilespmem:s16], [sflag:$0x7] =	stream.linear.gather [hbm4b:s9+s3], $0x80, $0x38;
	v63 =	vld [tilespmem:$0x0]  }
0x35: {  	_ =	swait.ge [sflag:s14], $0x80  }
0x36: {  	[sflag:s14] =	ssyncset.done $0x0  }
0x37: {  	[sflag:s14] =	ssyncadd.s32 $0xFFFFFF80  }
0x38: {  	[tilespmem:s19], [sflag:$0x2] =	stream.indirect.gather [hbm4b:s4+s16], $0x80, s16, s16, $0xb8;
	v63 =	vld [tilespmem:$0x0]  }
0x39: {  	_ =	swait.ge [sflag:s20], $0x4000  }
0x3a: {  	[sflag:s20] =	ssyncset.done $0x0  }
0x3b: {  	s5 =	simm.s32 @!p1 $0x6;
	[sflag:s20] =	ssyncadd.s32 $0xFFFFC000  }
0x3c: {  	[spmem:s2] =	stream.indirect.scatter.add.f32 [tilespmem:s17], [sflag:$0x4], $0x80, s15, s16, $0xb8;
	v63 =	vld [tilespmem:$0x0]  }
0x3d: {  	_ =	swait.ge @!p1 [sflag:s5], $0x4000  }
0x3e: {  	[sflag:s5] =	ssyncset.done @!p1 $0x0  }
0x3f: {  	s0 =	sadd.s32 $0x400, s10;
	[sflag:s5] =	ssyncadd.s32 @!p1 $0xFFFFC000  }
0x40: {  	[tilespmem:s21], [sflag:$0x7] =	stream.linear.gather [hbm4b:s0+s3], $0x80, $0x38;
	v63 =	vld [tilespmem:$0x0]  }
0x41: {  	_ =	swait.ge [sflag:s14], $0x80  }
0x42: {  	[sflag:s14] =	ssyncset.done $0x0  }
0x43: {  	s10 =	sadd.s32 $0x400, s1;
	[sflag:s14] =	ssyncadd.s32 $0xFFFFFF80  }
0x44: {  	[tilespmem:s22], [sflag:$0x7] =	stream.linear.gather [hbm4b:s10+s3], $0x80, $0x38;
	v63 =	vld [tilespmem:$0x0]  }
0x45: {  	_ =	swait.ge [sflag:s14], $0x80  }
0x46: {  	[sflag:s14] =	ssyncset.done $0x0  }
0x47: {  	[sflag:s14] =	ssyncadd.s32 $0xFFFFFF80  }
0x48: {  	[tilespmem:s23], [sflag:$0x3] =	stream.indirect.gather [hbm4b:s4+s16], $0x80, s22, s16, $0xb8;
	v63 =	vld [tilespmem:$0x0]  }
0x49: {  	s31 =	simm.s32 $0x600;
	_ =	swait.ge [sflag:s24], $0x4000  }
0x4a: {  	p1 =	por $0x0, $0x0;
	s0 =	simm.s32 $0xC00;
	[sflag:s24] =	ssyncset.done $0x0  }
.LBB2_2:
0x4b: {  	s1 =	simm.s32 @!p1 $0x4  }
0x4c: {  	[sflag:s24] =	ssyncadd.s32 $0xFFFFC000;
	s7 =	smov.u32 s0;
	s0 =	sadd.s32 $0x600, s0  }
0x4d: {  	[spmem:s2] =	stream.indirect.scatter.add.f32 [tilespmem:s19], [sflag:$0x5], $0x80, s18, s16, $0xb8;
	v63 =	vld [tilespmem:$0x0]  }
0x4e: {  	p2 =	sne.s32 s0, $0x9C00;
	_ =	swait.ge @!p1 [sflag:s1], $0x4000  }
0x4f: {  	[sflag:s1] =	ssyncset.done @!p1 $0x0  }
0x50: {  	[sflag:s1] =	ssyncadd.s32 @!p1 $0xFFFFC000;
	s1 =	sadd.s32 s31, s12  }
0x51: {  	[tilespmem:s15], [sflag:$0x7] =	stream.linear.gather [hbm4b:s1+s3], $0x80, $0x38;
	v63 =	vld [tilespmem:$0x0]  }
0x52: {  	_ =	swait.ge [sflag:s14], $0x80  }
0x53: {  	[sflag:s14] =	ssyncset.done $0x0  }
0x54: {  	s5 =	sadd.s32 s31, s11;
	s31 =	smov.u32 s7;
	[sflag:s14] =	ssyncadd.s32 $0xFFFFFF80  }
0x55: {  	[tilespmem:s3], [sflag:$0x7] =	stream.linear.gather [hbm4b:s5+s3], $0x80, $0x38;
	v63 =	vld [tilespmem:$0x0]  }
0x56: {  	_ =	swait.ge [sflag:s14], $0x80  }
0x57: {  	[sflag:s14] =	ssyncset.done $0x0  }
0x58: {  	s7 =	simm.s32 @!p1 $0x3;
	[sflag:s14] =	ssyncadd.s32 $0xFFFFFF80  }
0x59: {  	[tilespmem:s17], [sflag:$0x1] =	stream.indirect.gather [hbm4b:s4+s16], $0x80, s3, s16, $0xb8;
	v63 =	vld [tilespmem:$0x0]  }
0x5a: {  	_ =	swait.ge @!p1 [sflag:s7], $0x4000  }
0x5b: {  	s8 =	simm.s32 @!p1 $0x8400;
	s9 =	simm.s32 @!p1 $0x5;
	[sflag:s7] =	ssyncset.done @!p1 $0x0  }
0x5c: {  	s10 =	simm.s32 @!p1 $0x300;
	[sflag:s7] =	ssyncadd.s32 @!p1 $0xFFFFC000;
	s7 =	simm.s32 @!p1 $0x80  }
0x5d: {  	[spmem:s2] =	stream.indirect.scatter.add.f32 @!p1 [tilespmem:s8], [sflag:$0x6], $0x80, s10, s7, $0xb8;
	v63 =	vld [tilespmem:$0x0]  }
0x5e: {  	_ =	swait.ge @!p1 [sflag:s9], $0x4000  }
0x5f: {  	[sflag:s9] =	ssyncset.done @!p1 $0x0  }
0x60: {  	s7 =	sadd.s32 $0x200, s1;
	[sflag:s9] =	ssyncadd.s32 @!p1 $0xFFFFC000  }
0x61: {  	[tilespmem:s18], [sflag:$0x7] =	stream.linear.gather [hbm4b:s7+s3], $0x80, $0x38;
	v63 =	vld [tilespmem:$0x0]  }
0x62: {  	_ =	swait.ge [sflag:s14], $0x80  }
0x63: {  	[sflag:s14] =	ssyncset.done $0x0  }
0x64: {  	s7 =	sadd.s32 $0x200, s5;
	[sflag:s14] =	ssyncadd.s32 $0xFFFFFF80  }
0x65: {  	[tilespmem:s16], [sflag:$0x7] =	stream.linear.gather [hbm4b:s7+s3], $0x80, $0x38;
	v63 =	vld [tilespmem:$0x0]  }
0x66: {  	_ =	swait.ge [sflag:s14], $0x80  }
0x67: {  	[sflag:s14] =	ssyncset.done $0x0  }
0x68: {  	[sflag:s14] =	ssyncadd.s32 $0xFFFFFF80  }
0x69: {  	[tilespmem:s19], [sflag:$0x2] =	stream.indirect.gather [hbm4b:s4+s16], $0x80, s16, s16, $0xb8;
	v63 =	vld [tilespmem:$0x0]  }
0x6a: {  	_ =	swait.ge [sflag:s20], $0x4000  }
0x6b: {  	[sflag:s20] =	ssyncset.done $0x0  }
0x6c: {  	s7 =	simm.s32 @!p1 $0x6;
	[sflag:s20] =	ssyncadd.s32 $0xFFFFC000  }
0x6d: {  	[spmem:s2] =	stream.indirect.scatter.add.f32 [tilespmem:s17], [sflag:$0x4], $0x80, s15, s16, $0xb8;
	v63 =	vld [tilespmem:$0x0]  }
0x6e: {  	_ =	swait.ge @!p1 [sflag:s7], $0x4000  }
0x6f: {  	[sflag:s7] =	ssyncset.done @!p1 $0x0  }
0x70: {  	s1 =	sadd.s32 $0x400, s1;
	[sflag:s7] =	ssyncadd.s32 @!p1 $0xFFFFC000  }
0x71: {  	[tilespmem:s21], [sflag:$0x7] =	stream.linear.gather [hbm4b:s1+s3], $0x80, $0x38;
	v63 =	vld [tilespmem:$0x0]  }
0x72: {  	_ =	swait.ge [sflag:s14], $0x80  }
0x73: {  	[sflag:s14] =	ssyncset.done $0x0  }
0x74: {  	s1 =	sadd.s32 $0x400, s5;
	[sflag:s14] =	ssyncadd.s32 $0xFFFFFF80  }
0x75: {  	[tilespmem:s22], [sflag:$0x7] =	stream.linear.gather [hbm4b:s1+s3], $0x80, $0x38;
	v63 =	vld [tilespmem:$0x0]  }
0x76: {  	_ =	swait.ge [sflag:s14], $0x80  }
.Ltmp0:
0x77: {  	[sflag:s14] =	ssyncset.done $0x0;
	(pc) =	sbr.rel @p2 .LBB2_2-.Ltmp0, $4  }
0x78: {  	[sflag:s14] =	ssyncadd.s32 $0xFFFFFF80  }
0x79: {  	[tilespmem:s23], [sflag:$0x3] =	stream.indirect.gather [hbm4b:s4+s16], $0x80, s22, s16, $0xb8;
	v63 =	vld [tilespmem:$0x0]  }
0x7a: {  	_ =	swait.ge [sflag:s24], $0x4000  }
0x7b: {  	p1 =	seq.s32 s31, $0x0;
	[sflag:s24] =	ssyncset.done $0x0  }
0x7c: {  	s0 =	simm.s32 @!p1 $0x4;
	[sflag:s24] =	ssyncadd.s32 $0xFFFFC000  }
0x7d: {  	[spmem:s2] =	stream.indirect.scatter.add.f32 [tilespmem:s19], [sflag:$0x5], $0x80, s18, s16, $0xb8;
	v63 =	vld [tilespmem:$0x0]  }
0x7e: {  	_ =	swait.ge @!p1 [sflag:s0], $0x4000  }
0x7f: {  	[sflag:s0] =	ssyncset.done @!p1 $0x0  }
0x80: {  	s10 =	sadd.s32 s31, s12;
	[sflag:s0] =	ssyncadd.s32 @!p1 $0xFFFFC000  }
0x81: {  	[tilespmem:s15], [sflag:$0x7] =	stream.linear.gather [hbm4b:s10+s3], $0x80, $0x38;
	v63 =	vld [tilespmem:$0x0]  }
0x82: {  	_ =	swait.ge [sflag:s14], $0x80  }
0x83: {  	[sflag:s14] =	ssyncset.done $0x0  }
0x84: {  	s1 =	sadd.s32 s31, s11;
	[sflag:s14] =	ssyncadd.s32 $0xFFFFFF80  }
0x85: {  	[tilespmem:s3], [sflag:$0x7] =	stream.linear.gather [hbm4b:s1+s3], $0x80, $0x38;
	v63 =	vld [tilespmem:$0x0]  }
0x86: {  	_ =	swait.ge [sflag:s14], $0x80  }
0x87: {  	[sflag:s14] =	ssyncset.done $0x0  }
0x88: {  	s5 =	simm.s32 @!p1 $0x3;
	[sflag:s14] =	ssyncadd.s32 $0xFFFFFF80  }
0x89: {  	[tilespmem:s17], [sflag:$0x1] =	stream.indirect.gather [hbm4b:s4+s16], $0x80, s3, s16, $0xb8;
	v63 =	vld [tilespmem:$0x0]  }
0x8a: {  	_ =	swait.ge @!p1 [sflag:s5], $0x4000  }
0x8b: {  	s7 =	simm.s32 @!p1 $0x8400;
	[sflag:s5] =	ssyncset.done @!p1 $0x0  }
0x8c: {  	s8 =	simm.s32 @!p1 $0x300;
	[sflag:s5] =	ssyncadd.s32 @!p1 $0xFFFFC000;
	s5 =	simm.s32 @!p1 $0x80  }
0x8d: {  	[spmem:s2] =	stream.indirect.scatter.add.f32 @!p1 [tilespmem:s7], [sflag:$0x6], $0x80, s8, s5, $0xb8;
	v63 =	vld [tilespmem:$0x0]  }
0x8e: {  	s5 =	simm.s32 @!p1 $0x5  }
0x8f: {  	_ =	swait.ge @!p1 [sflag:s5], $0x4000  }
0x90: {  	[sflag:s5] =	ssyncset.done @!p1 $0x0  }
0x91: {  	s7 =	sadd.s32 $0x200, s10;
	[sflag:s5] =	ssyncadd.s32 @!p1 $0xFFFFC000  }
0x92: {  	[tilespmem:s18], [sflag:$0x7] =	stream.linear.gather [hbm4b:s7+s3], $0x80, $0x38;
	v63 =	vld [tilespmem:$0x0]  }
0x93: {  	_ =	swait.ge [sflag:s14], $0x80  }
0x94: {  	[sflag:s14] =	ssyncset.done $0x0  }
0x95: {  	s8 =	sadd.s32 $0x200, s1;
	[sflag:s14] =	ssyncadd.s32 $0xFFFFFF80  }
0x96: {  	[tilespmem:s16], [sflag:$0x7] =	stream.linear.gather [hbm4b:s8+s3], $0x80, $0x38;
	v63 =	vld [tilespmem:$0x0]  }
0x97: {  	_ =	swait.ge [sflag:s14], $0x80  }
0x98: {  	[sflag:s14] =	ssyncset.done $0x0  }
0x99: {  	[sflag:s14] =	ssyncadd.s32 $0xFFFFFF80  }
0x9a: {  	[tilespmem:s19], [sflag:$0x2] =	stream.indirect.gather [hbm4b:s4+s16], $0x80, s16, s16, $0xb8;
	v63 =	vld [tilespmem:$0x0]  }
0x9b: {  	_ =	swait.ge [sflag:s20], $0x4000  }
0x9c: {  	[sflag:s20] =	ssyncset.done $0x0  }
0x9d: {  	s5 =	simm.s32 @!p1 $0x6;
	[sflag:s20] =	ssyncadd.s32 $0xFFFFC000  }
0x9e: {  	[spmem:s2] =	stream.indirect.scatter.add.f32 [tilespmem:s17], [sflag:$0x4], $0x80, s15, s16, $0xb8;
	v63 =	vld [tilespmem:$0x0]  }
0x9f: {  	_ =	swait.ge @!p1 [sflag:s5], $0x4000  }
0xa0: {  	[sflag:s5] =	ssyncset.done @!p1 $0x0  }
0xa1: {  	s0 =	sadd.s32 $0x400, s10;
	[sflag:s5] =	ssyncadd.s32 @!p1 $0xFFFFC000  }
0xa2: {  	[tilespmem:s21], [sflag:$0x7] =	stream.linear.gather [hbm4b:s0+s3], $0x80, $0x38;
	v63 =	vld [tilespmem:$0x0]  }
0xa3: {  	_ =	swait.ge [sflag:s14], $0x80  }
0xa4: {  	[sflag:s14] =	ssyncset.done $0x0  }
0xa5: {  	s9 =	sadd.s32 $0x400, s1;
	[sflag:s14] =	ssyncadd.s32 $0xFFFFFF80  }
0xa6: {  	[tilespmem:s22], [sflag:$0x7] =	stream.linear.gather [hbm4b:s9+s3], $0x80, $0x38;
	v63 =	vld [tilespmem:$0x0]  }
0xa7: {  	_ =	swait.ge [sflag:s14], $0x80  }
0xa8: {  	[sflag:s14] =	ssyncset.done $0x0  }
0xa9: {  	[sflag:s14] =	ssyncadd.s32 $0xFFFFFF80  }
0xaa: {  	[tilespmem:s23], [sflag:$0x3] =	stream.indirect.gather [hbm4b:s4+s16], $0x80, s22, s16, $0xb8;
	v63 =	vld [tilespmem:$0x0]  }
0xab: {  	_ =	swait.ge [sflag:s24], $0x4000  }
0xac: {  	[sflag:s24] =	ssyncset.done $0x0  }
0xad: {  	[sflag:s24] =	ssyncadd.s32 $0xFFFFC000  }
0xae: {  	[spmem:s2] =	stream.indirect.scatter.add.f32 [tilespmem:s19], [sflag:$0x5], $0x80, s18, s16, $0xb8;
	v63 =	vld [tilespmem:$0x0]  }
0xaf: {  	_ =	swait.ge [sflag:s25], $0x4000  }
0xb0: {  	[sflag:s25] =	ssyncset.done $0x0  }
0xb1: {  	[sflag:s25] =	ssyncadd.s32 $0xFFFFC000  }
0xb2: {  	[spmem:s2] =	stream.indirect.scatter.add.f32 [tilespmem:s23], [sflag:$0x6], $0x80, s21, s16, $0xb8;
	v63 =	vld [tilespmem:$0x0]  }
0xb3: {  	_ =	swait.ge [sflag:s26], $0x4000  }
0xb4: {  	[sflag:s26] =	ssyncset.done $0x0  }
0xb5: {  	[sflag:s26] =	ssyncadd.s32 $0xFFFFC000  }
0xb6: {  	_ =	swait.ge [sflag:s28], $0x4000  }
0xb7: {  	[sflag:s28] =	ssyncset.done $0x0  }
0xb8: {  	[sflag:s28] =	ssyncadd.s32 $0xFFFFC000  }
0xb9: {  	_ =	swait.ge [sflag:s29], $0x4000  }
0xba: {  	s1 =	simm.s32 @!p0 $0x200;
	[sflag:s29] =	ssyncset.done $0x0  }
0xbb: {  	s0 =	simm.s32 @!p0 $0x0;
	s5 =	rddreg [dreg:$0x4];
	[sflag:s29] =	ssyncadd.s32 $0xFFFFC000  }
0xbc: {  	[tilespmem:s1], [sflag:$0x7] =	stream.linear.gather @!p0 [hbm4b:s5+s0], $0x80, $0x38;
	v63 =	vld [tilespmem:$0x0]  }
0xbd: {  	s5 =	simm.s32 @!p0 $0x7  }
0xbe: {  	_ =	swait.ge @!p0 [sflag:s5], $0x80  }
0xbf: {  	[sflag:s5] =	ssyncset.done @!p0 $0x0  }
0xc0: {  	s7 =	rddreg [dreg:$0x5];
	[sflag:s5] =	ssyncadd.s32 @!p0 $0xFFFFFF80  }
0xc1: {  	[tilespmem:s0], [sflag:$0x7] =	stream.linear.gather @!p0 [hbm4b:s7+s0], $0x80, $0x38;
	v63 =	vld [tilespmem:$0x0]  }
0xc2: {  	_ =	swait.ge @!p0 [sflag:s5], $0x80  }
0xc3: {  	[sflag:s5] =	ssyncset.done @!p0 $0x0  }
0xc4: {  	s8 =	simm.s32 @!p0 $0x400;
	s7 =	simm.s32 @!p0 $0x80;
	[sflag:s5] =	ssyncadd.s32 @!p0 $0xFFFFFF80  }
0xc5: {  	[tilespmem:s8], [sflag:$0x1] =	stream.indirect.gather @!p0 [hbm4b:s4+s7], $0x80, s0, s7, $0xb8;
	v63 =	vld [tilespmem:$0x0]  }
0xc6: {  	s0 =	simm.s32 @!p0 $0x1  }
0xc7: {  	_ =	swait.ge @!p0 [sflag:s0], $0x4000  }
0xc8: {  	[sflag:s0] =	ssyncset.done @!p0 $0x0  }
0xc9: {  	[sflag:s0] =	ssyncadd.s32 @!p0 $0xFFFFC000  }
0xca: {  	[spmem:s2] =	stream.indirect.scatter.add.f32 @!p0 [tilespmem:s8], [sflag:$0x7], $0x80, s1, s7, $0xb8;
	v63 =	vld [tilespmem:$0x0]  }
0xcb: {  	_ =	swait.ge @!p0 [sflag:s5], $0x4000  }
0xcc: {  	[sflag:s5] =	ssyncset.done @!p0 $0x0  }
0xcd: {  	[sflag:s5] =	ssyncadd.s32 @!p0 $0xFFFFC000  }
0xce: {  	[bflag:$0x0] =	sbarrier.arrive $0xFFFF  }
0xcf: {  	s10 =	rddreg [dreg:$0x6]  }
0xd0: {  	[hbm:s10], [sflag:s6] =	dma.local [spmem:s13], $0x2780  }
0xd1: {  	_ =	swait.ge [sflag:s14], $0x2780  }
0xd2: {  	s30 =	sadd.s32 $0x1, s30;
	s31 =	rddreg [dreg:$0x7]  }
0xd3: {  	p1 =	sne.s32 s30, s31  }
.Ltmp1:
0xd4: {  	_ = 	snop;
	(pc) =	sbr.rel @p1 .LBB2_1-.Ltmp1, $3  }
0xd5: {  	_ =	sdelay $0x1  }
0xd6: {  	[sflag:s14] =	ssyncset.done $0x0  }
0xd7: {  	[sflag:s14] =	ssyncadd.s32 $0xFFFFD880  }
0xd8: {  	_ =	sfence.sel $0x180000  }
0xd9: {  	[bflag:$0x0] =	sbarrier.arrive $0xFFFF  }
0xda: {  	_ =	strace $0x9000004D  }
0xdb: {  	s0 =	stileid.u32;
	[bflag:$0x2] =	sbarrier.arrive $0xFFFF  }
0xdc: {  	p0 =	sne.s32 s0, $0x0;
	s0 =	rddreg [dreg:$0x2]  }
0xdd: {  	s0 =	sadd.s32 @!p0 $0x100000, s0  }
0xde: {  	[sflag:s0] =	ssyncadd.tile.s32 @!p0 $0x1;
	_ =	shalt  }
.Lfunc_end2:
_tile_overlayer_lowered:
.L_overlay_start_2:
0xdf: {  	(tag) =	ssettag $0x2  }
0xe0: {  	s0 =	rddreg [dreg:$0x0];
	s2 =	stileid.u32  }
0xe1: {  	s1 =	rddreg [dreg:$0x1];
	p0 =	sne.s32 s2, $0x0  }
0xe2: {  	s3 =	rddreg [dreg:$0x2];
	[bflag:$0x3] =	sbarrier.arrive $0xFFFF;
	s2 =	simm.s32 @!p0 $0x1C07  }
0xe3: {  	[timem:s3], [sflag:s2] =	dma.local @!p0 [hbm:s0], s1  }
0xe4: {  	s0 =	simm.s32 @!p0 $0x7  }
0xe5: {  	_ =	swait.ge @!p0 [sflag:s0], s1  }
0xe6: {  	s1 =	ssub.s32 @!p0 $0x0, s1;
	[sflag:s0] =	ssyncset.done @!p0 $0x0  }
0xe7: {  	[sflag:s0] =	ssyncadd.s32 @!p0 s1  }
0xe8: {  	[bflag:$0x3] =	sbarrier.arrive $0xFFFF  }
0xe9: {  	_ =	shalt  }

// kernel: kernel.8.cloned.1.call-start
scs
__scs_entry_jumppad:
0x0: {  	(pc) =	sbr.rel $0x88, $3  }
0x1: {  	(tag) =	ssettag $0x0;
	lr =	simm.s32 $0x1  }
0x2: {  	[smem:$0x3F9B] =	sst lr;
	_ =	strace $0xD0000000  }
0x3: {  	_ = 	snop  }
0x4: {  	_ = 	snop  }
0x5: {  	_ = 	snop  }
0x6: {  	_ = 	snop  }
0x7: {  	_ = 	snop  }
__scs_overlays_trampoline_lowered:
0x8: {  	[smem:$0x3FAA] =	sst s0  }
0x9: {  	[smem:$0x3FAB] =	sst s1  }
0xa: {  	[smem:$0x3FAC] =	sst s2  }
0xb: {  	[smem:$0x3FAD] =	sst s3  }
0xc: {  	[smem:$0x3FAE] =	sst s4  }
0xd: {  	[smem:$0x3FAF] =	sst s5  }
0xe: {  	[smem:$0x3FB0] =	sst s6  }
0xf: {  	[smem:$0x3FB1] =	sst s7  }
0x10: {  	[smem:$0x3FB2] =	sst s8  }
0x11: {  	[smem:$0x3FB3] =	sst s9;
	s0 =	simm.s32 @!p0 $0x0  }
0x12: {  	s1 =	sld [smem:$0x3F99];
	s0 =	simm.s32 @p0 $0x1  }
0x13: {  	[smem:$0x3FB4] =	sst s0;
	s0 =	simm.s32 @!p1 $0x0  }
0x14: {  	s2 =	sld [smem:$0x3F98];
	s0 =	simm.s32 @p1 $0x1  }
0x15: {  	[smem:$0x3FB5] =	sst s0;
	s0 =	simm.s32 @!p2 $0x0  }
0x16: {  	s3 =	sld [smem:$0x3FDB];
	s0 =	simm.s32 @p2 $0x1  }
0x17: {  	s4 =	simm.s32 $0x1BF5;
	[smem:$0x3FB7] =	sst s0  }
0x18: {  	s0 =	sld [smem:$0x3F9A];
	_ =	swait.ge [sflag:s4], $0x0  }
0x19: {  	s7 =	sld [smem:$0x3F9B]  }
0x1a: {  	s8 =	sadd.s32 $0xFFFFE003, lr  }
0x1b: {  	s9 =	sadd.s32 $0xFFFFFEF7, lr;
	s5 =	simm.s32 $0xFFFFFFFF;
	p2 =	slt.u32 s8, $0xFFFFF086  }
0x1c: {  	p1 =	slt.u32 s9, $0xF7A;
	s5 =	simm.s32 @!p2 $0x0  }
0x1d: {  	s5 =	simm.s32 @p1 $0x1;
	p0 =	seq.s32 s7, s2  }
0x1e: {  	s7 =	smul.u32 @!p0 $0xF7A, s2;
	p2 =	seq.s32 @!p0 s5, $0x0  }
0x1f: {  	s9 =	smul.u32 $0xF7A, s1;
	s8 =	simm.s32 @!p0 $0x1BF5;
	p2 =	por !p2, p0  }
0x20: {  	[sflag:s8] =	ssyncset.s32 @!p0 $0xFFFFF086;
	s6 =	sadd.s32 @!p0 s3, s7;
	s7 =	simm.s32 @!p0 $0x108  }
0x21: {  	s3 =	sadd.s32 s3, s9;
	s6 =	sadd.s32 @!p0 $0x88, s6;
	s7 =	simm.s32 @p2 $0x1082  }
0x22: {  	[simem:s7], [sflag:s8] =	dma.local @!p0 [hbm:s6], $0xF7A  }
0x23: {  	s9 =	sor.u32 $0xD0000000, s2;
	s6 =	simm.s32 $0x108;
	_ =	swait.ge @!p0 [sflag:s8], $0x0  }
0x24: {  	s3 =	sadd.s32 $0x88, s3;
	s6 =	simm.s32 @!p1 $0x1082;
	[sflag:s4] =	ssyncset.s32 $0xFFFFF086  }
0x25: {  	[simem:s6], [sflag:s4] =	dma.local [hbm:s3], $0xF7A  }
0x26: {  	[smem:$0x3F9B] =	sst s1;
	(tag) =	ssettag s2;
	_ =	strace s9  }
0x27: {  	s1 =	sld [smem:$0x3FAB]  }
0x28: {  	s2 =	sld [smem:$0x3FAC]  }
0x29: {  	s4 =	sld [smem:$0x3FAE]  }
0x2a: {  	p0 =	seq.s32 s5, $0x0;
	s5 =	sld [smem:$0x3FAF]  }
0x2b: {  	s6 =	sld [smem:$0x3FB0]  }
0x2c: {  	s7 =	sld [smem:$0x3FB1]  }
0x2d: {  	s3 =	simm.s32 $0x108;
	s8 =	sld [smem:$0x3FB2]  }
0x2e: {  	s3 =	simm.s32 @!p0 $0x1082;
	s9 =	sld [smem:$0x3FB3]  }
0x2f: {  	lr =	sadd.s32 s0, s3;
	s0 =	sld [smem:$0x3FAA]  }
0x30: {  	s3 =	sld [smem:$0x3FAD]  }
0x31: {  	[smem:$0x3FB6] =	sst s10  }
0x32: {  	s10 =	sld [smem:$0x3FB4];
	_ =	sdelay $0x3  }
0x33: {  	p0 =	seq.s32 s10, $0x1;
	s10 =	sld [smem:$0x3FB6];
	_ =	sdelay $0x3  }
0x34: {  	[smem:$0x3FB6] =	sst s10  }
0x35: {  	s10 =	sld [smem:$0x3FB5];
	_ =	sdelay $0x3  }
0x36: {  	p1 =	seq.s32 s10, $0x1;
	s10 =	sld [smem:$0x3FB6];
	_ =	sdelay $0x3  }
0x37: {  	[smem:$0x3FB6] =	sst s10  }
0x38: {  	s10 =	sld [smem:$0x3FB7]  }
0x39: {  	_ = 	snop;
	(pc) =	sbr.ind lr, $3  }
0x3a: {  	_ = 	snop  }
0x3b: {  	_ = 	snop  }
0x3c: {  	p2 =	seq.s32 s10, $0x1;
	s10 =	sld [smem:$0x3FB6]  }
0x3d: {  	_ =	shalt  }
0x3e: {  	_ =	shalt  }
0x3f: {  	_ =	shalt  }
0x40: {  	_ =	shalt  }
0x41: {  	_ =	shalt  }
0x42: {  	_ =	shalt  }
0x43: {  	_ =	shalt  }
0x44: {  	_ =	shalt  }
0x45: {  	_ =	shalt  }
0x46: {  	_ =	shalt  }
0x47: {  	_ =	shalt  }
0x48: {  	_ =	shalt  }
0x49: {  	_ =	shalt  }
0x4a: {  	_ =	shalt  }
0x4b: {  	_ =	shalt  }
0x4c: {  	_ =	shalt  }
0x4d: {  	_ =	shalt  }
0x4e: {  	_ =	shalt  }
0x4f: {  	_ =	shalt  }
0x50: {  	_ =	shalt  }
0x51: {  	_ =	shalt  }
0x52: {  	_ =	shalt  }
0x53: {  	_ =	shalt  }
0x54: {  	_ =	shalt  }
0x55: {  	_ =	shalt  }
0x56: {  	_ =	shalt  }
0x57: {  	_ =	shalt  }
0x58: {  	_ =	shalt  }
0x59: {  	_ =	shalt  }
0x5a: {  	_ =	shalt  }
0x5b: {  	_ =	shalt  }
0x5c: {  	_ =	shalt  }
0x5d: {  	_ =	shalt  }
0x5e: {  	_ =	shalt  }
0x5f: {  	_ =	shalt  }
0x60: {  	_ =	shalt  }
0x61: {  	_ =	shalt  }
0x62: {  	_ =	shalt  }
0x63: {  	_ =	shalt  }
0x64: {  	_ =	shalt  }
0x65: {  	_ =	shalt  }
0x66: {  	_ =	shalt  }
0x67: {  	_ =	shalt  }
0x68: {  	_ =	shalt  }
0x69: {  	_ =	shalt  }
0x6a: {  	_ =	shalt  }
0x6b: {  	_ =	shalt  }
0x6c: {  	_ =	shalt  }
0x6d: {  	_ =	shalt  }
0x6e: {  	_ =	shalt  }
0x6f: {  	_ =	shalt  }
0x70: {  	_ =	shalt  }
0x71: {  	_ =	shalt  }
0x72: {  	_ =	shalt  }
0x73: {  	_ =	shalt  }
0x74: {  	_ =	shalt  }
0x75: {  	_ =	shalt  }
0x76: {  	_ =	shalt  }
0x77: {  	_ =	shalt  }
0x78: {  	_ =	shalt  }
0x79: {  	_ =	shalt  }
0x7a: {  	_ =	shalt  }
0x7b: {  	_ =	shalt  }
0x7c: {  	_ =	shalt  }
0x7d: {  	_ =	shalt  }
0x7e: {  	_ =	shalt  }
0x7f: {  	_ =	shalt  }
0x80: {  	_ =	shalt  }
0x81: {  	_ =	shalt  }
0x82: {  	_ =	shalt  }
0x83: {  	_ =	shalt  }
0x84: {  	_ =	shalt  }
0x85: {  	_ =	shalt  }
0x86: {  	_ =	shalt  }
0x87: {  	_ =	shalt  }
.Lfunc_end0:
.L_simem_size_0:
called_computation_lowered:
.L_overlay_start_0:
0x88: {  	s2 =	sld [smem:$0x3FD9]  }
0x89: {  	s3 =	sld [smem:$0x3FFE];
	_ =	sdelay $0x1  }
0x8a: {  	s1 =	srdreg.scid  }
0x8b: {  	s0 =	sand.u32 $0x1, s1  }
0x8c: {  	s17 =	sshll.u32 s0, $0xA;
	s2 =	sadd.s32 s3, s2  }
0x8d: {  	s2 =	sadd.s32 s2, s17  }
0x8e: {  	[smem:$0x3FC2] =	sst s2  }
0x8f: {  	_ = 	snop  }
0x90: {  	s2 =	sld [smem:$0x3FD0];
	(tm) =	ssettm $0x1  }
0x91: {  	s18 =	sld [smem:$0x3FFB];
	_ =	sdelay $0x3  }
0x92: {  	_ =	strace s18  }
0x93: {  	s3 =	sld [smem:$0x3FFC];
	_ =	sdelay $0x3  }
0x94: {  	_ =	strace s3  }
0x95: {  	s3 =	sld [smem:$0x3FFD];
	_ =	sdelay $0x3  }
0x96: {  	_ =	strace s3  }
0x97: {  	_ =	strace $0x8FFFFFFF  }
0x98: {  	s19 =	sld [smem:$0x3FDB];
	_ =	sdelay $0x1  }
0x99: {  	s4 =	simm.s32 $_scs_section_size  }
0x9a: {  	s5 =	simm.s32 $_size__tile_overlayer_lowered;
	s6 =	simm.s32 $_tile_overlayer_lowered  }
0x9b: {  	s22 =	simm.s32 $0x1BFF;
	s21 =	sshll.u32 s6, $0x1;
	s3 =	sadd.s32 s4, s19  }
0x9c: {  	s7 =	simm.s32 $0x0;
	s20 =	sshll.u32 s5, $0x1;
	s5 =	sadd.s32 s21, s3  }
0x9d: {  	[timem:s7], [sflag:s22] =	dma.local [hbm:s5], s20  }
0x9e: {  	_ =	swait.ge [sflag:s22], s20  }
0x9f: {  	s4 =	ssub.s32 $0x0, s20;
	[sflag:s22] =	ssyncset.done $0x0  }
0xa0: {  	[sflag:s22] =	ssyncadd.s32 s4;
	_ =	sdelay $0x1  }
0xa1: {  	s23 =	simm.s32 $0x1B8B  }
0xa2: {  	_ =	swait.ge [sflag:s23], $0x1  }
0xa3: {  	[sflag:s23] =	ssyncset.done $0x0  }
0xa4: {  	s25 =	simm.s32 $0x1B8E;
	s24 =	sld [smem:$0x3FFE];
	[sflag:s23] =	ssyncadd.s32 $0xFFFFFFFF  }
0xa5: {  	s26 =	simm.s32 $execute0_lowered;
	[smem:$0x3FD2] =	sst s25  }
0xa6: {  	s5 =	sshll.u32 s26, $0x1;
	_ =	strace $0x80000046;
	[dreg:$0x1] =	wrdreg $0xFFFFFFFF  }
0xa7: {  	s28 =	simm.s32 $_size_execute0_lowered;
	s3 =	sadd.s32 s3, s5;
	[dreg:$0x0] =	wrdreg $0x0  }
0xa8: {  	s5 =	sshll.u32 s28, $0x1;
	[dreg:$0x2] =	wrdreg s3  }
0xa9: {  	[dreg:$0x3] =	wrdreg s5  }
0xaa: {  	[dreg:$0x4] =	wrdreg $0xC0  }
0xab: {  	_ =	task [dreg:s7], $0x5FFFF  }
0xac: {  	[dreg:$0x1] =	wrdreg $0xFFFFFFFF  }
0xad: {  	[dreg:$0x0] =	wrdreg $0x60  }
0xae: {  	[dreg:$0x2] =	wrdreg s2  }
0xaf: {  	[dreg:$0x3] =	wrdreg s24  }
0xb0: {  	[dreg:$0x4] =	wrdreg $0x41000  }
0xb1: {  	[dreg:$0x5] =	wrdreg $0x9  }
0xb2: {  	_ =	task.clear_ibuf [dreg:s7], $0x6FFFF;
	_ =	strace $0x90000046  }
0xb3: {  	s29 =	simm.s32 $0x9;
	_ =	strace $0x80000048  }
0xb4: {  	_ =	swait.ge [sflag:s29], $0x1  }
0xb5: {  	[sflag:s29] =	ssyncadd.s32 $0xFFFFFFFF  }
0xb6: {  	_ =	strace $0x90000048  }
0xb7: {  	_ =	sfence  }
0xb8: {  	s30 =	sld [smem:$0x0];
	_ =	sdelay $0x2  }
0xb9: {  	s31 =	sshll.u32 s1, $0xD;
	s1 =	sshrl.u32 s1, $0x2  }
0xba: {  	s3 =	sand.u32 $0x4000, s31;
	s1 =	sadd.s32 s1, s30  }
0xbb: {  	s0 =	sor.u32 s3, s0;
	s1 =	sshll.u32 s1, $0x11  }
0xbc: {  	s0 =	sor.u32 s1, s0  }
0xbd: {  	s0 =	sadd.s32 $0x8F2B, s0  }
0xbe: {  	[sflag:s0] =	ssyncadd.remote.s32 $0x1  }
0xbf: {  	_ =	sfence.sel $0xFFFF  }
0xc0: {  	[dreg:$0x0] =	wrdreg $0xFFFFFFFF;
	(pc) =	sbr.abs _section_cstart, $3  }
0xc1: {  	[dreg:$0x1] =	wrdreg $0xFFFFFFFF  }
0xc2: {  	_ =	task.clear_ibuf [dreg:s7], $0x2FFFF;
	_ =	strace $0x9FFFFFFF  }
0xc3: {  	(tm) =	ssettm $0x7FFFFFFF  }
tec
execute0_lowered:
.L_overlay_start_1:
0x0: {  	(tag) =	ssettag $0x1  }
0x1: {  	s2 =	rddreg [dreg:$0x0]  }
0x2: {  	s5 =	rddreg [dreg:$0x1]  }
0x3: {  	s3 =	rddreg [dreg:$0x2]  }
0x4: {  	s0 =	rddreg [dreg:$0x3]  }
0x5: {  	s1 =	stileid.u32;
	s6 =	srdreg.scid  }
0x6: {  	s4 =	simm.s32 $0x0;
	s16 =	simm.s32 $0x80;
	s17 =	simm.s32 $0x1  }
0x7: {  	s18 =	simm.s32 $0x2;
	s7 =	smul.u32 $0x2780, s1;
	s12 =	sand.u32 $0x1, s6  }
0x8: {  	[smem:$0x7FF] =	sst s4;
	s8 =	sadd.s32 $0x2000, s5;
	s9 =	smul.u32 $0x4F000, s1  }
0x9: {  	s29 =	sshll.u32 s1, $0x6;
	s30 =	sshll.u32 s1, $0x4;
	s6 =	smul.u32 $0x27800, s12  }
0xa: {  	_ =	strace $0x80000047;
	s26 =	ssub.s32 $0x2, s12;
	s11 =	sshll.u32 s12, $0x4  }
0xb: {  	s15 =	sadd.s32 s30, s8;
	s12 =	sshll.u32 s12, $0x8;
	s28 =	sshrl.u32 s26, $0x1  }
0xc: {  	s9 =	sshrl.u32 s9, $0x2;
	s19 =	sor.u32 s1, s11;
	s12 =	sadd.s32 s12, s15  }
0xd: {  	s6 =	sadd.s32 s7, s6;
	s7 =	sadd.s32 s7, s5;
	s13 =	ssub.s32 s26, s28  }
0xe: {  	s14 =	sadd.s32 s9, s3;
	s31 =	sshll.u32 s19, $0x4;
	p0 =	sgt.u32 s19, $0x3  }
0xf: {  	s19 =	simm.s32 $0x0;
	s10 =	sadd.s32 s6, s5;
	s5 =	sadd.s32 $0x15C00, s7  }
0x10: {  	s6 =	sor.u32 $0x1C03, s29;
	s7 =	sadd.s32 s8, s31;
	s8 =	sadd.s32 $0x9C00, s15  }
0x11: {  	s15 =	simm.s32 $0x100;
	s9 =	sadd.s32 $0x3D400, s10;
	s10 =	smax.u32 s13, $0x1  }
0x12: {  	s11 =	sadd.s32 $0x200, s7;
	s13 =	sshrl.u32 s14, $0x3;
	s14 =	simm.s32 $0x3  }
.LBB2_1:
0x13: {  	[spmem:s13], [sflag:s6] =	dma.local [hbm:s5], $0x2780  }
0x14: {  	_ =	swait.ge [sflag:s14], $0x2780  }
0x15: {  	[sflag:s14] =	ssyncset.done $0x0  }
0x16: {  	[sflag:s14] =	ssyncadd.s32 $0xFFFFD880  }
0x17: {  	[tilespmem:s15], [sflag:$0x3] =	stream.linear.gather [hbm4b:s2+s4], $0x4000, $0x38;
	[tilespmem:$0x17D00] =	vst v63  }
0x18: {  	_ =	swait.ge [sflag:s14], $0x4000  }
0x19: {  	[sflag:s14] =	ssyncset.done $0x0  }
0x1a: {  	[sflag:s14] =	ssyncadd.s32 $0xFFFFC000  }
0x1b: {  	[bflag:$0x0] =	sbarrier.arrive $0xFFFF  }
0x1c: {  	[tilespmem:s4], [sflag:$0x3] =	stream.linear.gather [hbm4b:s7+s4], $0x80, $0x38;
	[tilespmem:$0x17D00] =	vst v63  }
0x1d: {  	_ =	swait.ge [sflag:s14], $0x80  }
0x1e: {  	[sflag:s14] =	ssyncset.done $0x0  }
0x1f: {  	[sflag:s14] =	ssyncadd.s32 $0xFFFFFF80  }
0x20: {  	[spmem:s3] =	stream.indirect.scatter.add.f32 [tilespmem:s15], [sflag:$0x1], $0x80, s4, s16, $0xb8;
	[tilespmem:$0x17D00] =	vst v63  }
0x21: {  	_ = 	snop  }
0x22: {  	[tilespmem:s16], [sflag:$0x3] =	stream.linear.gather [hbm4b:s11+s4], $0x80, $0x38;
	[tilespmem:$0x17D00] =	vst v63  }
0x23: {  	_ =	swait.ge [sflag:s14], $0x80  }
0x24: {  	[sflag:s14] =	ssyncset.done $0x0  }
0x25: {  	[sflag:s14] =	ssyncadd.s32 $0xFFFFFF80  }
0x26: {  	[spmem:s3] =	stream.indirect.scatter.add.f32 [tilespmem:s15], [sflag:$0x2], $0x80, s16, s16, $0xb8;
	[tilespmem:$0x17D00] =	vst v63  }
0x27: {  	_ =	swait.ge [sflag:s17], $0x4000  }
0x28: {  	s20 =	sadd.s32 $0xFFFF6800, s12;
	[sflag:s17] =	ssyncset.done $0x0  }
0x29: {  	s21 =	sadd.s32 $0x9C00, s20;
	[sflag:s17] =	ssyncadd.s32 $0xFFFFC000  }
0x2a: {  	[tilespmem:s4], [sflag:$0x3] =	stream.linear.gather [hbm4b:s21+s4], $0x80, $0x38;
	[tilespmem:$0x17D00] =	vst v63  }
0x2b: {  	_ =	swait.ge [sflag:s14], $0x80  }
0x2c: {  	[sflag:s14] =	ssyncset.done $0x0  }
0x2d: {  	[sflag:s14] =	ssyncadd.s32 $0xFFFFFF80  }
0x2e: {  	[spmem:s3] =	stream.indirect.scatter.add.f32 [tilespmem:s15], [sflag:$0x1], $0x80, s4, s16, $0xb8;
	[tilespmem:$0x17D00] =	vst v63  }
0x2f: {  	_ =	swait.ge [sflag:s18], $0x4000  }
0x30: {  	[sflag:s18] =	ssyncset.done $0x0  }
0x31: {  	s20 =	sadd.s32 $0x9E00, s20;
	[sflag:s18] =	ssyncadd.s32 $0xFFFFC000  }
0x32: {  	[tilespmem:s16], [sflag:$0x3] =	stream.linear.gather [hbm4b:s20+s4], $0x80, $0x38;
	[tilespmem:$0x17D00] =	vst v63  }
0x33: {  	_ =	swait.ge [sflag:s14], $0x80  }
0x34: {  	[sflag:s14] =	ssyncset.done $0x0  }
0x35: {  	s20 =	simm.s32 $0xFFFF6C00;
	[sflag:s14] =	ssyncadd.s32 $0xFFFFFF80  }
.LBB2_2:
0x36: {  	[spmem:s3] =	stream.indirect.scatter.add.f32 [tilespmem:s15], [sflag:$0x2], $0x80, s16, s16, $0xb8;
	[tilespmem:$0x17D00] =	vst v63  }
0x37: {  	s21 =	smov.u32 s20  }
0x38: {  	p1 =	sne.s32 s20, $0xFFFFFC00;
	s20 =	sadd.s32 $0x400, s20;
	_ =	swait.ge [sflag:s17], $0x4000  }
0x39: {  	s21 =	sadd.s32 s21, s12;
	[sflag:s17] =	ssyncset.done $0x0  }
0x3a: {  	s22 =	sadd.s32 $0x9C00, s21;
	[sflag:s17] =	ssyncadd.s32 $0xFFFFC000  }
0x3b: {  	[tilespmem:s4], [sflag:$0x3] =	stream.linear.gather [hbm4b:s22+s4], $0x80, $0x38;
	[tilespmem:$0x17D00] =	vst v63  }
0x3c: {  	_ =	swait.ge [sflag:s14], $0x80  }
0x3d: {  	[sflag:s14] =	ssyncset.done $0x0  }
0x3e: {  	[sflag:s14] =	ssyncadd.s32 $0xFFFFFF80  }
0x3f: {  	[spmem:s3] =	stream.indirect.scatter.add.f32 [tilespmem:s15], [sflag:$0x1], $0x80, s4, s16, $0xb8;
	[tilespmem:$0x17D00] =	vst v63  }
0x40: {  	_ =	swait.ge [sflag:s18], $0x4000  }
0x41: {  	[sflag:s18] =	ssyncset.done $0x0  }
.Ltmp0:
0x42: {  	s21 =	sadd.s32 $0x9E00, s21;
	[sflag:s18] =	ssyncadd.s32 $0xFFFFC000;
	(pc) =	sbr.rel @p1 .LBB2_2-.Ltmp0, $4  }
0x43: {  	[tilespmem:s16], [sflag:$0x3] =	stream.linear.gather [hbm4b:s21+s4], $0x80, $0x38;
	[tilespmem:$0x17D00] =	vst v63  }
0x44: {  	_ =	swait.ge [sflag:s14], $0x80  }
0x45: {  	[sflag:s14] =	ssyncset.done $0x0  }
0x46: {  	[sflag:s14] =	ssyncadd.s32 $0xFFFFFF80  }
0x47: {  	[spmem:s3] =	stream.indirect.scatter.add.f32 [tilespmem:s15], [sflag:$0x2], $0x80, s16, s16, $0xb8;
	[tilespmem:$0x17D00] =	vst v63  }
0x48: {  	_ =	swait.ge [sflag:s17], $0x4000  }
0x49: {  	[sflag:s17] =	ssyncset.done $0x0  }
0x4a: {  	[sflag:s17] =	ssyncadd.s32 $0xFFFFC000  }
0x4b: {  	_ =	swait.ge [sflag:s18], $0x4000  }
0x4c: {  	[sflag:s18] =	ssyncset.done $0x0  }
0x4d: {  	s20 =	simm.s32 @!p0 $0x0;
	s21 =	simm.s32 @!p0 $0x3;
	[sflag:s18] =	ssyncadd.s32 $0xFFFFC000  }
0x4e: {  	[tilespmem:s20], [sflag:$0x3] =	stream.linear.gather @!p0 [hbm4b:s8+s20], $0x80, $0x38;
	[tilespmem:$0x17D00] =	vst v63  }
0x4f: {  	_ =	swait.ge @!p0 [sflag:s21], $0x80  }
0x50: {  	[sflag:s21] =	ssyncset.done @!p0 $0x0  }
0x51: {  	s22 =	simm.s32 @!p0 $0x80;
	s23 =	simm.s32 @!p0 $0x100;
	[sflag:s21] =	ssyncadd.s32 @!p0 $0xFFFFFF80  }
0x52: {  	[spmem:s3] =	stream.indirect.scatter.add.f32 @!p0 [tilespmem:s23], [sflag:$0x3], $0x80, s20, s22, $0xb8;
	[tilespmem:$0x17D00] =	vst v63  }
0x53: {  	_ =	swait.ge @!p0 [sflag:s21], $0x4000  }
0x54: {  	s19 =	sadd.s32 $0x1, s19;
	[sflag:s21] =	ssyncset.done @!p0 $0x0  }
0x55: {  	p1 =	sne.s32 s19, s10;
	[sflag:s21] =	ssyncadd.s32 @!p0 $0xFFFFC000  }
.Ltmp1:
0x56: {  	[bflag:$0x0] =	sbarrier.arrive $0xFFFF;
	(pc) =	sbr.rel @p1 .LBB2_1-.Ltmp1, $4  }
0x57: {  	[hbm:s9], [sflag:s6] =	dma.local [spmem:s13], $0x2780  }
0x58: {  	_ =	swait.ge [sflag:s14], $0x2780  }
0x59: {  	[sflag:s14] =	ssyncset.done $0x0  }
0x5a: {  	[sflag:s14] =	ssyncadd.s32 $0xFFFFD880  }
0x5b: {  	_ =	sfence.sel $0x180000  }
0x5c: {  	[bflag:$0x0] =	sbarrier.arrive $0xFFFF  }
0x5d: {  	p0 =	sne.s32 s1, $0x0;
	_ =	strace $0x90000047  }
0x5e: {  	s0 =	sadd.s32 @!p0 $0x100000, s0;
	[bflag:$0x2] =	sbarrier.arrive $0xFFFF  }
0x5f: {  	[sflag:s0] =	ssyncadd.tile.s32 @!p0 $0x1;
	_ =	shalt  }
.Lfunc_end2:
_tile_overlayer_lowered:
.L_overlay_start_2:
0x60: {  	(tag) =	ssettag $0x2  }
0x61: {  	s0 =	rddreg [dreg:$0x0];
	s2 =	stileid.u32  }
0x62: {  	s1 =	rddreg [dreg:$0x1];
	p0 =	sne.s32 s2, $0x0  }
0x63: {  	s3 =	rddreg [dreg:$0x2];
	[bflag:$0x3] =	sbarrier.arrive $0xFFFF;
	s2 =	simm.s32 @!p0 $0x1C03  }
0x64: {  	[timem:s3], [sflag:s2] =	dma.local @!p0 [hbm:s0], s1  }
0x65: {  	s0 =	simm.s32 @!p0 $0x3  }
0x66: {  	_ =	swait.ge @!p0 [sflag:s0], s1  }
0x67: {  	s1 =	ssub.s32 @!p0 $0x0, s1;
	[sflag:s0] =	ssyncset.done @!p0 $0x0  }
0x68: {  	[sflag:s0] =	ssyncadd.s32 @!p0 s1  }
0x69: {  	[bflag:$0x3] =	sbarrier.arrive $0xFFFF  }
0x6a: {  	_ =	shalt  }

</sc_bundles>
